<compile_context>
chip_gen: v7x
topology: tpu7x:2x2x1
jax: 0.10.2.dev20260603
libtpu: 0.0.44.dev20260713+nightly
codegen_flags: <defaults>
</compile_context>

<pallas_src>
import functools

import jax
import jax.numpy as jnp
from jax import lax
from jax.experimental import pallas as pl
from jax.experimental.pallas import tpu as pltpu
from jax.experimental.pallas import tpu_sc as plsc

NB = 8192
NB2 = 2 * NB
BASE = 93 * 128
K = 16384
NL = 16
NQ = NB // 4


def _sc_lovasz(pred_r, tgt_r):
    B, N = pred_r.shape
    rows_per_sc = B // 2
    tiles_per_row = 16 // rows_per_sc
    seg_len = N // tiles_per_row
    nchunks = seg_len // K
    mesh = plsc.VectorSubcoreMesh(core_axis_name="c", subcore_axis_name="s")

    @functools.partial(
        pl.kernel,
        mesh=mesh,
        out_type=(jax.ShapeDtypeStruct((B, NL), jnp.float32),
                  jax.ShapeDtypeStruct((2, 16, NB2), jnp.float32)),
        compiler_params=pltpu.CompilerParams(needs_layout_passes=False),
        scratch_types=[
            pltpu.VMEM((2, K), jnp.float32),
            pltpu.VMEM((2, K), jnp.int32),
            pltpu.VMEM((NB2,), jnp.float32),
            pltpu.VMEM((NQ,), jnp.float32),
            pltpu.VMEM((NQ,), jnp.float32),
            pltpu.VMEM((6, NQ), jnp.float32),
            pltpu.VMEM((2, NL), jnp.float32),
            pltpu.SMEM((4,), jnp.int32),
            pltpu.SemaphoreType.DMA,
            pltpu.SemaphoreType.DMA,
        ],
    )
    def body(pred_hbm, tgt_hbm, out_hbm, hx_hbm, pstage, tstage, hist, qn, qp,
             rdb, svec, cnt, sem0, sem1):
        c = lax.axis_index("c")
        s = lax.axis_index("s")
        row = c * rows_per_sc + s // tiles_per_row
        seg = s % tiles_per_row
        base = seg * seg_len
        ones = jnp.ones((NL,), jnp.float32)
        zeros = jnp.zeros((NL,), jnp.float32)
        izeros = jnp.zeros((NL,), jnp.int32)
        sems = (sem0, sem1)

        cnt[0] = 0
        cnt[1] = 0
        cnt[2] = 0
        cnt[3] = 0

        def zero_body(k, _):
            for u in range(4):
                hist[pl.ds(k * (4 * NL) + u * NL, NL)] = zeros
            return 0
        lax.fori_loop(0, NB2 // (4 * NL), zero_body, 0)

        def start(ci):
            b = ci % 2
            sl = pl.ds(base + ci * K, K)
            return (pltpu.async_copy(pred_hbm.at[row, sl], pstage.at[b], sems[b]),
                    pltpu.async_copy(tgt_hbm.at[row, sl], tstage.at[b], sems[b]))

        inflight = start(0)
        taccs = [izeros] * 4
        for ci in range(nchunks):
            nxt = start(ci + 1) if ci + 1 < nchunks else None
            inflight[0].wait()
            inflight[1].wait()
            b = ci % 2

            def st_step(i, carry, _b=b):
                out = []
                for u in range(4):
                    off = pl.ds(i * (4 * NL) + u * NL, NL)
                    pv = pstage[_b, off]
                    tv = tstage[_b, off]
                    sign = plsc.bitcast(
                        (tv << 31) ^ jnp.int32(-1082130432), jnp.float32)
                    e = 1.0 - pv * sign
                    a = jnp.maximum(e, 0.0)
                    u16 = lax.shift_right_logical(
                        plsc.bitcast(a, jnp.int32), 16)
                    lin = jnp.minimum(jnp.maximum(u16 - BASE, 0), NB - 1)
                    idx2 = (NB - 1) - lin + (tv << 13)
                    plsc.addupdate_scatter(hist, [idx2], ones, mask=e > 0.0)
                    out.append(carry[u] + tv)
                return tuple(out)

            taccs = lax.fori_loop(0, K // (4 * NL), st_step, tuple(taccs))
            inflight = nxt
        tsum = jnp.sum((taccs[0] + taccs[1]) + (taccs[2] + taccs[3]))

        pltpu.sync_copy(hist, hx_hbm.at[c, s])
        plsc.subcore_barrier()

        r0 = (s // tiles_per_row) * tiles_per_row
        for j in range(tiles_per_row):
            plsc.fetch_and_add(cnt.at[0], tsum, subcore_id=r0 + j)

        qoff = seg * NQ
        pltpu.sync_copy(hx_hbm.at[c, r0, pl.ds(qoff, NQ)], qn)
        pltpu.sync_copy(hx_hbm.at[c, r0, pl.ds(NB + qoff, NQ)], qp)
        for j in range(1, tiles_per_row):
            pltpu.sync_copy(hx_hbm.at[c, r0 + j, pl.ds(qoff, NQ)],
                            rdb.at[j - 1])
            pltpu.sync_copy(hx_hbm.at[c, r0 + j, pl.ds(NB + qoff, NQ)],
                            rdb.at[2 + j])

        def addall(k, _):
            for u in range(4):
                sl = pl.ds(k * (4 * NL) + u * NL, NL)
                pv = ((qp[sl] + rdb[3, sl]) + (rdb[4, sl] + rdb[5, sl]))
                nv = ((qn[sl] + rdb[0, sl]) + (rdb[1, sl] + rdb[2, sl])) + pv
                qp[sl] = pv
                qn[sl] = nv
            return 0
        lax.fori_loop(0, NQ // (4 * NL), addall, 0)

        def qtot(k, carry):
            av, bv = carry
            return (av + qn[pl.ds(k * NL, NL)], bv + qp[pl.ds(k * NL, NL)])
        qnv, qpv = lax.fori_loop(0, NQ // NL, qtot, (zeros, zeros))
        qni = jnp.sum(qnv.astype(jnp.int32))
        qpi = jnp.sum(qpv.astype(jnp.int32))
        for j in range(1, tiles_per_row):
            @pl.when(seg < jnp.int32(j))
            def _(j=j):
                plsc.fetch_and_add(cnt.at[1], qni, subcore_id=r0 + j)
                plsc.fetch_and_add(cnt.at[2], qpi, subcore_id=r0 + j)
        plsc.subcore_barrier()

        ptotv = jnp.full((NL,), cnt[0]).astype(jnp.float32)
        rcar = jnp.full((NL,), cnt[1]).astype(jnp.float32)
        pcar = jnp.full((NL,), cnt[2]).astype(jnp.float32)

        def scan_body(k, carry):
            acc, rc, pc = carry
            nv = qn[pl.ds(k * NL, NL)]
            posv = qp[pl.ds(k * NL, NL)]
            cn = jnp.cumsum(nv) + rc
            cp = jnp.cumsum(posv) + pc
            rb = cn - nv
            pb = cp - posv
            ga = jnp.where(cn == 0.0, 0.0,
                           1.0 - (ptotv - cp) / (ptotv + cn - cp))
            gb = jnp.where(rb == 0.0, 0.0,
                           1.0 - (ptotv - pb) / (ptotv + rb - pb))
            dvec = (jnp.int32(qoff) + jnp.int32(k * NL) +
                    lax.broadcasted_iota(jnp.int32, (NL,), 0))
            kk = (BASE + (NB - 1)) - dvec
            mid = plsc.bitcast((kk << 16) | jnp.int32(0x8000), jnp.float32)
            acc = acc + mid * (ga - gb)
            return acc, rc + jnp.sum(nv), pc + jnp.sum(posv)

        acc, _r, _p = lax.fori_loop(0, NQ // NL, scan_body,
                                    (zeros, rcar, pcar))
        pfx = jnp.sum((acc * jnp.float32(4194304.0)).astype(jnp.int32))
        plsc.fetch_and_add(cnt.at[3], pfx, subcore_id=r0)
        plsc.subcore_barrier()

        @pl.when(seg == 0)
        def _():
            lsum = (jnp.full((NL,), cnt[3]).astype(jnp.float32) *
                    jnp.float32(1.0 / 4194304.0))
            svec[0, :] = lsum
            pltpu.sync_copy(svec.at[0], out_hbm.at[row])

    return body(pred_r, tgt_r)


def kernel(pred, target):
    B = pred.shape[0]
    pred_r = pred.reshape(B, -1)
    tgt_r = target.reshape(B, -1)
    out, _ = _sc_lovasz(pred_r, tgt_r)
    return jnp.mean(out[:, 0])

# --- scband reference (transcript-rebuilt; emitter-appended) ---
"""Pipeline reference for scband-lovasz-hinge-loss-2293512536401 (READ-ONLY COPY).

The authoritative reference and input builder live on the scoring server;
editing this copy changes nothing except your own understanding.
"""

import jax, jax.numpy as jnp
import numpy as np

def setup_inputs(seed: int = 0) -> dict:
    key = jax.random.key(seed)
    k1, k2 = jax.random.split(key)
    pred = jax.random.normal(k1, (8, 1, 512, 512), dtype=jnp.float32)
    target = jax.random.randint(k2, (8, 512, 512), 0, 2, dtype=jnp.int64 if jax.config.jax_enable_x64 else jnp.int32).astype(jnp.int32)
    return {"pred": pred, "target": target}

def reference(pred, target):
    B = pred.shape[0]
    pred_flat = pred.reshape(B, -1)
    target_flat = target.reshape(B, -1).astype(jnp.float32)
    N = pred_flat.shape[1]
    signs = 2.0 * target_flat - 1.0
    errors = 1.0 - pred_flat * signs
    # sort descending along dim 1, keep permutation (matches torch .sort(descending=True))
    permutation = jnp.argsort(-errors, axis=1)
    errors_sorted = jnp.take_along_axis(errors, permutation, axis=1)
    target_sorted = jnp.take_along_axis(target_flat, permutation, axis=1)
    target_sorted_sum = jnp.sum(target_sorted, axis=1, keepdims=True)
    intersection = target_sorted_sum - jnp.cumsum(target_sorted, axis=1)
    union = target_sorted_sum + jnp.cumsum(1.0 - target_sorted, axis=1)
    gradient = 1.0 - intersection / union
    if N > 1:
        gradient = jnp.concatenate([gradient[:, :1], gradient[:, 1:] - gradient[:, :-1]], axis=1)
    loss = jnp.mean(jnp.sum(jax.nn.relu(errors_sorted) * gradient, axis=1))
    return loss

if __name__ == "__main__":
    import jax
    _d = setup_inputs()
    print(jax.jit(kernel)(*tuple(_d.values())))

</pallas_src>

<mosaic_0001>
#map = affine_map<(d0, d1) -> (0, 0)>
#map1 = affine_map<(d0, d1) -> (0, 0, 0)>
module attributes {stable_mosaic.version = 14 : i64} {
  func.func @body(%arg0: i32, %arg1: i32, %arg2: memref<8x262144xf32, #tpu.memory_space<hbm>>, %arg3: memref<8x262144xi32, #tpu.memory_space<hbm>>, %arg4: memref<8x16xf32, #tpu.memory_space<hbm>>, %arg5: memref<2x16x16384xf32, #tpu.memory_space<hbm>>, %arg6: memref<2x16384xf32, #tpu.memory_space<vmem>>, %arg7: memref<2x16384xi32, #tpu.memory_space<vmem>>, %arg8: memref<16384xf32, #tpu.memory_space<vmem>>, %arg9: memref<2048xf32, #tpu.memory_space<vmem>>, %arg10: memref<2048xf32, #tpu.memory_space<vmem>>, %arg11: memref<6x2048xf32, #tpu.memory_space<vmem>>, %arg12: memref<2x16xf32, #tpu.memory_space<vmem>>, %arg13: memref<4xi32, #tpu.memory_space<smem>>, %arg14: memref<!tpu.dma_semaphore, #tpu.memory_space<semaphore_mem>>, %arg15: memref<!tpu.dma_semaphore, #tpu.memory_space<semaphore_mem>>) attributes {dimension_semantics = [#tpu.dimension_semantics<core_parallel>, #tpu.dimension_semantics<subcore_parallel>], iteration_bounds = array<i64: 2, 16>, scalar_prefetch = 0 : i64, scratch_operands = 10 : i64, tpu.core_type = #tpu.core_type<sc_vector_subcore>, window_params = [{transform_indices = #map}, {transform_indices = #map}, {transform_indices = #map}, {transform_indices = #map1}]} {
    %mul3A = arith.constant 4 : i32
    %mul3A_0 = arith.muli %arg0, %mul3A : i32
    %jit3A = arith.constant 4 : i32
    %div3A = arith.divsi %arg1, %jit3A : i32
    %sign3A = arith.constant 0 : i32
    %sign3A_1 = arith.cmpi sgt, %arg1, %sign3A : i32
    %sign3A_2 = arith.extui %sign3A_1 : i1 to i32
    %sign3A_3 = arith.constant 0 : i32
    %sign3A_4 = arith.cmpi slt, %arg1, %sign3A_3 : i32
    %sign3A_5 = arith.extui %sign3A_4 : i1 to i32
    %sign3A_6 = arith.subi %sign3A_2, %sign3A_5 : i32
    %sign3A_7 = arith.constant 0 : i32
    %sign3A_8 = arith.cmpi sgt, %jit3A, %sign3A_7 : i32
    %sign3A_9 = arith.extui %sign3A_8 : i1 to i32
    %sign3A_10 = arith.constant 0 : i32
    %sign3A_11 = arith.cmpi slt, %jit3A, %sign3A_10 : i32
    %sign3A_12 = arith.extui %sign3A_11 : i1 to i32
    %sign3A_13 = arith.subi %sign3A_9, %sign3A_12 : i32
    %ne3A = arith.cmpi ne, %sign3A_6, %sign3A_13 : i32
    %rem3A = arith.remsi %arg1, %jit3A : i32
    %ne3A_14 = arith.constant 0 : i32
    %ne3A_15 = arith.cmpi ne, %rem3A, %ne3A_14 : i32
    %and3A = arith.andi %ne3A, %ne3A_15 : i1
    %sub3A = arith.constant 1 : i32
    %sub3A_16 = arith.subi %div3A, %sub3A : i32
    %select_n3A = arith.select %and3A, %sub3A_16, %div3A : i32
    %add3A = arith.addi %mul3A_0, %select_n3A : i32
    %jit3A_17 = arith.constant 4 : i32
    %eq3A = arith.constant 0 : i32
    %eq3A_18 = arith.cmpi eq, %jit3A_17, %eq3A : i32
    %jit3A_19 = arith.constant 1 : i32
    %select_n3A_20 = arith.select %eq3A_18, %jit3A_19, %jit3A_17 : i32
    %rem3A_21 = arith.remsi %arg1, %select_n3A_20 : i32
    %ne3A_22 = arith.constant 0 : i32
    %ne3A_23 = arith.cmpi ne, %rem3A_21, %ne3A_22 : i32
    %lt3A = arith.constant 0 : i32
    %lt3A_24 = arith.cmpi slt, %rem3A_21, %lt3A : i32
    %lt3A_25 = arith.constant 0 : i32
    %lt3A_26 = arith.cmpi slt, %select_n3A_20, %lt3A_25 : i32
    %ne3A_27 = arith.xori %lt3A_24, %lt3A_26 : i1
    %and3A_28 = arith.andi %ne3A_27, %ne3A_23 : i1
    %add3A_29 = arith.addi %rem3A_21, %select_n3A_20 : i32
    %select_n3A_30 = arith.select %and3A_28, %add3A_29, %rem3A_21 : i32
    %mul3A_31 = arith.constant 65536 : i32
    %mul3A_32 = arith.muli %select_n3A_30, %mul3A_31 : i32
    %broadcast_in_dim3A = arith.constant 1.000000e+00 : f32
    %broadcast_in_dim3A_33 = vector.broadcast %broadcast_in_dim3A : f32 to vector<16xf32>
    %broadcast_in_dim3A_34 = arith.constant 0.000000e+00 : f32
    %broadcast_in_dim3A_35 = vector.broadcast %broadcast_in_dim3A_34 : f32 to vector<16xf32>
    %broadcast_in_dim3A_36 = arith.constant 0 : i32
    %broadcast_in_dim3A_37 = vector.broadcast %broadcast_in_dim3A_36 : i32 to vector<16xi32>
    %swap3A = arith.constant 0 : i32
    %swap3A_38 = arith.constant 0 : i32
    %swap3A_39 = arith.index_cast %swap3A_38 : i32 to index
    %swap3A_40 = memref.load %arg13[%swap3A_39] : memref<4xi32, #tpu.memory_space<smem>>
    memref.store %swap3A, %arg13[%swap3A_39] : memref<4xi32, #tpu.memory_space<smem>>
    %swap3A_41 = arith.constant 0 : i32
    %swap3A_42 = arith.constant 1 : i32
    %swap3A_43 = arith.index_cast %swap3A_42 : i32 to index
    %swap3A_44 = memref.load %arg13[%swap3A_43] : memref<4xi32, #tpu.memory_space<smem>>
    memref.store %swap3A_41, %arg13[%swap3A_43] : memref<4xi32, #tpu.memory_space<smem>>
    %swap3A_45 = arith.constant 0 : i32
    %swap3A_46 = arith.constant 2 : i32
    %swap3A_47 = arith.index_cast %swap3A_46 : i32 to index
    %swap3A_48 = memref.load %arg13[%swap3A_47] : memref<4xi32, #tpu.memory_space<smem>>
    memref.store %swap3A_45, %arg13[%swap3A_47] : memref<4xi32, #tpu.memory_space<smem>>
    %swap3A_49 = arith.constant 0 : i32
    %swap3A_50 = arith.constant 3 : i32
    %swap3A_51 = arith.index_cast %swap3A_50 : i32 to index
    %swap3A_52 = memref.load %arg13[%swap3A_51] : memref<4xi32, #tpu.memory_space<smem>>
    memref.store %swap3A_49, %arg13[%swap3A_51] : memref<4xi32, #tpu.memory_space<smem>>
    %scan3A = arith.constant 0 : i32
    %scan3A_53 = arith.constant 0 : i32
    %scan3A_54 = arith.constant 256 : i32
    %scan3A_55 = arith.addi %scan3A_53, %scan3A_54 : i32
    %scan3A_56 = arith.constant 1 : i32
    %scan3A_57 = scf.for %scan3A_412 = %scan3A_53 to %scan3A_55 step %scan3A_56 iter_args(%scan3A_413 = %scan3A) -> (i32)  : i32 {
      %mul3A_414 = arith.constant 64 : i32
      %mul3A_415 = arith.muli %scan3A_412, %mul3A_414 : i32
      %add3A_416 = arith.constant 0 : i32
      %add3A_417 = arith.addi %mul3A_415, %add3A_416 : i32
      %swap3A_418 = arith.index_cast %add3A_417 : i32 to index
      %swap3A_419 = tpu.vector_load %arg8[%swap3A_418] {strides = array<i32>} : memref<16384xf32, #tpu.memory_space<vmem>>, vector<16xf32>,
      tpu.vector_store %arg8[%swap3A_418], %broadcast_in_dim3A_35 {strides = array<i32>} : memref<16384xf32, #tpu.memory_space<vmem>>, vector<16xf32>,
      %mul3A_420 = arith.constant 64 : i32
      %mul3A_421 = arith.muli %scan3A_412, %mul3A_420 : i32
      %add3A_422 = arith.constant 16 : i32
      %add3A_423 = arith.addi %mul3A_421, %add3A_422 : i32
      %swap3A_424 = arith.index_cast %add3A_423 : i32 to index
      %swap3A_425 = tpu.vector_load %arg8[%swap3A_424] {strides = array<i32>} : memref<16384xf32, #tpu.memory_space<vmem>>, vector<16xf32>,
      tpu.vector_store %arg8[%swap3A_424], %broadcast_in_dim3A_35 {strides = array<i32>} : memref<16384xf32, #tpu.memory_space<vmem>>, vector<16xf32>,
      %mul3A_426 = arith.constant 64 : i32
      %mul3A_427 = arith.muli %scan3A_412, %mul3A_426 : i32
      %add3A_428 = arith.constant 32 : i32
      %add3A_429 = arith.addi %mul3A_427, %add3A_428 : i32
      %swap3A_430 = arith.index_cast %add3A_429 : i32 to index
      %swap3A_431 = tpu.vector_load %arg8[%swap3A_430] {strides = array<i32>} : memref<16384xf32, #tpu.memory_space<vmem>>, vector<16xf32>,
      tpu.vector_store %arg8[%swap3A_430], %broadcast_in_dim3A_35 {strides = array<i32>} : memref<16384xf32, #tpu.memory_space<vmem>>, vector<16xf32>,
      %mul3A_432 = arith.constant 64 : i32
      %mul3A_433 = arith.muli %scan3A_412, %mul3A_432 : i32
      %add3A_434 = arith.constant 48 : i32
      %add3A_435 = arith.addi %mul3A_433, %add3A_434 : i32
      %swap3A_436 = arith.index_cast %add3A_435 : i32 to index
      %swap3A_437 = tpu.vector_load %arg8[%swap3A_436] {strides = array<i32>} : memref<16384xf32, #tpu.memory_space<vmem>>, vector<16xf32>,
      tpu.vector_store %arg8[%swap3A_436], %broadcast_in_dim3A_35 {strides = array<i32>} : memref<16384xf32, #tpu.memory_space<vmem>>, vector<16xf32>,
      %scan3A_438 = arith.constant 0 : i32
      scf.yield %scan3A_438 : i32
    }
    %scan3A_58 = arith.constant 256 : i32
    %add3A_59 = arith.constant 0 : i32
    %add3A_60 = arith.addi %mul3A_32, %add3A_59 : i32
    %dma_start3A = arith.constant 0 : i32
    %dma_start3A_61 = arith.constant 0 : i32
    %dma_start3A_62 = tpu.memref_slice %arg6[%dma_start3A, %dma_start3A_61] : memref<2x16384xf32, #tpu.memory_space<vmem>> -> memref<1x16384xf32, #tpu.memory_space<vmem>>
    %dma_start3A_63 = tpu.memref_squeeze %dma_start3A_62 : memref<1x16384xf32, #tpu.memory_space<vmem>> -> memref<16384xf32, #tpu.memory_space<vmem>>
    %dma_start3A_64 = tpu.memref_slice %arg2[%add3A, %add3A_60] : memref<8x262144xf32, #tpu.memory_space<hbm>> -> memref<1x16384xf32, #tpu.memory_space<hbm>>
    %dma_start3A_65 = tpu.memref_squeeze %dma_start3A_64 : memref<1x16384xf32, #tpu.memory_space<hbm>> -> memref<16384xf32, #tpu.memory_space<hbm>>
    %dma_start3A_66 = arith.constant 0 : i32
    %dma_start3A_67 = tpu.memref_slice %arg6[%dma_start3A, %dma_start3A_66] : memref<2x16384xf32, #tpu.memory_space<vmem>> -> memref<1x16384xf32, #tpu.memory_space<vmem>>
    %dma_start3A_68 = tpu.memref_squeeze %dma_start3A_67 : memref<1x16384xf32, #tpu.memory_space<vmem>> -> memref<16384xf32, #tpu.memory_space<vmem>>
    %dma_start3A_69 = tpu.memref_slice %arg2[%add3A, %add3A_60] : memref<8x262144xf32, #tpu.memory_space<hbm>> -> memref<1x16384xf32, #tpu.memory_space<hbm>>
    %dma_start3A_70 = tpu.memref_squeeze %dma_start3A_69 : memref<1x16384xf32, #tpu.memory_space<hbm>> -> memref<16384xf32, #tpu.memory_space<hbm>>
    tpu.enqueue_dma source(%dma_start3A_70 : memref<16384xf32, #tpu.memory_space<hbm>>) target(%dma_start3A_68 : memref<16384xf32, #tpu.memory_space<vmem>>) target_semaphore(%arg14 : memref<!tpu.dma_semaphore, #tpu.memory_space<semaphore_mem>>)
    %dma_start3A_71 = arith.constant 0 : i32
    %dma_start3A_72 = arith.constant 0 : i32
    %dma_start3A_73 = tpu.memref_slice %arg7[%dma_start3A_71, %dma_start3A_72] : memref<2x16384xi32, #tpu.memory_space<vmem>> -> memref<1x16384xi32, #tpu.memory_space<vmem>>
    %dma_start3A_74 = tpu.memref_squeeze %dma_start3A_73 : memref<1x16384xi32, #tpu.memory_space<vmem>> -> memref<16384xi32, #tpu.memory_space<vmem>>
    %dma_start3A_75 = tpu.memref_slice %arg3[%add3A, %add3A_60] : memref<8x262144xi32, #tpu.memory_space<hbm>> -> memref<1x16384xi32, #tpu.memory_space<hbm>>
    %dma_start3A_76 = tpu.memref_squeeze %dma_start3A_75 : memref<1x16384xi32, #tpu.memory_space<hbm>> -> memref<16384xi32, #tpu.memory_space<hbm>>
    %dma_start3A_77 = arith.constant 0 : i32
    %dma_start3A_78 = tpu.memref_slice %arg7[%dma_start3A_71, %dma_start3A_77] : memref<2x16384xi32, #tpu.memory_space<vmem>> -> memref<1x16384xi32, #tpu.memory_space<vmem>>
    %dma_start3A_79 = tpu.memref_squeeze %dma_start3A_78 : memref<1x16384xi32, #tpu.memory_space<vmem>> -> memref<16384xi32, #tpu.memory_space<vmem>>
    %dma_start3A_80 = tpu.memref_slice %arg3[%add3A, %add3A_60] : memref<8x262144xi32, #tpu.memory_space<hbm>> -> memref<1x16384xi32, #tpu.memory_space<hbm>>
    %dma_start3A_81 = tpu.memref_squeeze %dma_start3A_80 : memref<1x16384xi32, #tpu.memory_space<hbm>> -> memref<16384xi32, #tpu.memory_space<hbm>>
    tpu.enqueue_dma source(%dma_start3A_81 : memref<16384xi32, #tpu.memory_space<hbm>>) target(%dma_start3A_79 : memref<16384xi32, #tpu.memory_space<vmem>>) target_semaphore(%arg14 : memref<!tpu.dma_semaphore, #tpu.memory_space<semaphore_mem>>)
    %add3A_82 = arith.constant 16384 : i32
    %add3A_83 = arith.addi %mul3A_32, %add3A_82 : i32
    %dma_start3A_84 = arith.constant 1 : i32
    %dma_start3A_85 = arith.constant 0 : i32
    %dma_start3A_86 = tpu.memref_slice %arg6[%dma_start3A_84, %dma_start3A_85] : memref<2x16384xf32, #tpu.memory_space<vmem>> -> memref<1x16384xf32, #tpu.memory_space<vmem>>
    %dma_start3A_87 = tpu.memref_squeeze %dma_start3A_86 : memref<1x16384xf32, #tpu.memory_space<vmem>> -> memref<16384xf32, #tpu.memory_space<vmem>>
    %dma_start3A_88 = tpu.memref_slice %arg2[%add3A, %add3A_83] : memref<8x262144xf32, #tpu.memory_space<hbm>> -> memref<1x16384xf32, #tpu.memory_space<hbm>>
    %dma_start3A_89 = tpu.memref_squeeze %dma_start3A_88 : memref<1x16384xf32, #tpu.memory_space<hbm>> -> memref<16384xf32, #tpu.memory_space<hbm>>
    %dma_start3A_90 = arith.constant 0 : i32
    %dma_start3A_91 = tpu.memref_slice %arg6[%dma_start3A_84, %dma_start3A_90] : memref<2x16384xf32, #tpu.memory_space<vmem>> -> memref<1x16384xf32, #tpu.memory_space<vmem>>
    %dma_start3A_92 = tpu.memref_squeeze %dma_start3A_91 : memref<1x16384xf32, #tpu.memory_space<vmem>> -> memref<16384xf32, #tpu.memory_space<vmem>>
    %dma_start3A_93 = tpu.memref_slice %arg2[%add3A, %add3A_83] : memref<8x262144xf32, #tpu.memory_space<hbm>> -> memref<1x16384xf32, #tpu.memory_space<hbm>>
    %dma_start3A_94 = tpu.memref_squeeze %dma_start3A_93 : memref<1x16384xf32, #tpu.memory_space<hbm>> -> memref<16384xf32, #tpu.memory_space<hbm>>
    tpu.enqueue_dma source(%dma_start3A_94 : memref<16384xf32, #tpu.memory_space<hbm>>) target(%dma_start3A_92 : memref<16384xf32, #tpu.memory_space<vmem>>) target_semaphore(%arg15 : memref<!tpu.dma_semaphore, #tpu.memory_space<semaphore_mem>>)
    %dma_start3A_95 = arith.constant 1 : i32
    %dma_start3A_96 = arith.constant 0 : i32
    %dma_start3A_97 = tpu.memref_slice %arg7[%dma_start3A_95, %dma_start3A_96] : memref<2x16384xi32, #tpu.memory_space<vmem>> -> memref<1x16384xi32, #tpu.memory_space<vmem>>
    %dma_start3A_98 = tpu.memref_squeeze %dma_start3A_97 : memref<1x16384xi32, #tpu.memory_space<vmem>> -> memref<16384xi32, #tpu.memory_space<vmem>>
    %dma_start3A_99 = tpu.memref_slice %arg3[%add3A, %add3A_83] : memref<8x262144xi32, #tpu.memory_space<hbm>> -> memref<1x16384xi32, #tpu.memory_space<hbm>>
    %dma_start3A_100 = tpu.memref_squeeze %dma_start3A_99 : memref<1x16384xi32, #tpu.memory_space<hbm>> -> memref<16384xi32, #tpu.memory_space<hbm>>
    %dma_start3A_101 = arith.constant 0 : i32
    %dma_start3A_102 = tpu.memref_slice %arg7[%dma_start3A_95, %dma_start3A_101] : memref<2x16384xi32, #tpu.memory_space<vmem>> -> memref<1x16384xi32, #tpu.memory_space<vmem>>
    %dma_start3A_103 = tpu.memref_squeeze %dma_start3A_102 : memref<1x16384xi32, #tpu.memory_space<vmem>> -> memref<16384xi32, #tpu.memory_space<vmem>>
    %dma_start3A_104 = tpu.memref_slice %arg3[%add3A, %add3A_83] : memref<8x262144xi32, #tpu.memory_space<hbm>> -> memref<1x16384xi32, #tpu.memory_space<hbm>>
    %dma_start3A_105 = tpu.memref_squeeze %dma_start3A_104 : memref<1x16384xi32, #tpu.memory_space<hbm>> -> memref<16384xi32, #tpu.memory_space<hbm>>
    tpu.enqueue_dma source(%dma_start3A_105 : memref<16384xi32, #tpu.memory_space<hbm>>) target(%dma_start3A_103 : memref<16384xi32, #tpu.memory_space<vmem>>) target_semaphore(%arg15 : memref<!tpu.dma_semaphore, #tpu.memory_space<semaphore_mem>>)
    %dma_wait3A = arith.constant 0 : i32
    %dma_wait3A_106 = arith.constant 0 : i32
    %dma_wait3A_107 = tpu.memref_slice %arg6[%dma_wait3A, %dma_wait3A_106] : memref<2x16384xf32, #tpu.memory_space<vmem>> -> memref<1x16384xf32, #tpu.memory_space<vmem>>
    %dma_wait3A_108 = tpu.memref_squeeze %dma_wait3A_107 : memref<1x16384xf32, #tpu.memory_space<vmem>> -> memref<16384xf32, #tpu.memory_space<vmem>>
    %dma_wait3A_109 = tpu.memref_slice %arg2[%add3A, %add3A_60] : memref<8x262144xf32, #tpu.memory_space<hbm>> -> memref<1x16384xf32, #tpu.memory_space<hbm>>
    %dma_wait3A_110 = tpu.memref_squeeze %dma_wait3A_109 : memref<1x16384xf32, #tpu.memory_space<hbm>> -> memref<16384xf32, #tpu.memory_space<hbm>>
    %dma_wait3A_111 = arith.constant 0 : i32
    %dma_wait3A_112 = tpu.memref_slice %arg6[%dma_wait3A, %dma_wait3A_111] : memref<2x16384xf32, #tpu.memory_space<vmem>> -> memref<1x16384xf32, #tpu.memory_space<vmem>>
    %dma_wait3A_113 = tpu.memref_squeeze %dma_wait3A_112 : memref<1x16384xf32, #tpu.memory_space<vmem>> -> memref<16384xf32, #tpu.memory_space<vmem>>
    %dma_wait3A_114 = tpu.memref_slice %arg2[%add3A, %add3A_60] : memref<8x262144xf32, #tpu.memory_space<hbm>> -> memref<1x16384xf32, #tpu.memory_space<hbm>>
    %dma_wait3A_115 = tpu.memref_squeeze %dma_wait3A_114 : memref<1x16384xf32, #tpu.memory_space<hbm>> -> memref<16384xf32, #tpu.memory_space<hbm>>
    tpu.wait_dma2 semaphore(%arg14 : memref<!tpu.dma_semaphore, #tpu.memory_space<semaphore_mem>>) src(%dma_wait3A_115 : memref<16384xf32, #tpu.memory_space<hbm>>) dst(%dma_wait3A_113 : memref<16384xf32, #tpu.memory_space<vmem>>)
    %dma_wait3A_116 = arith.constant 0 : i32
    %dma_wait3A_117 = arith.constant 0 : i32
    %dma_wait3A_118 = tpu.memref_slice %arg7[%dma_wait3A_116, %dma_wait3A_117] : memref<2x16384xi32, #tpu.memory_space<vmem>> -> memref<1x16384xi32, #tpu.memory_space<vmem>>
    %dma_wait3A_119 = tpu.memref_squeeze %dma_wait3A_118 : memref<1x16384xi32, #tpu.memory_space<vmem>> -> memref<16384xi32, #tpu.memory_space<vmem>>
    %dma_wait3A_120 = tpu.memref_slice %arg3[%add3A, %add3A_60] : memref<8x262144xi32, #tpu.memory_space<hbm>> -> memref<1x16384xi32, #tpu.memory_space<hbm>>
    %dma_wait3A_121 = tpu.memref_squeeze %dma_wait3A_120 : memref<1x16384xi32, #tpu.memory_space<hbm>> -> memref<16384xi32, #tpu.memory_space<hbm>>
    %dma_wait3A_122 = arith.constant 0 : i32
    %dma_wait3A_123 = tpu.memref_slice %arg7[%dma_wait3A_116, %dma_wait3A_122] : memref<2x16384xi32, #tpu.memory_space<vmem>> -> memref<1x16384xi32, #tpu.memory_space<vmem>>
    %dma_wait3A_124 = tpu.memref_squeeze %dma_wait3A_123 : memref<1x16384xi32, #tpu.memory_space<vmem>> -> memref<16384xi32, #tpu.memory_space<vmem>>
    %dma_wait3A_125 = tpu.memref_slice %arg3[%add3A, %add3A_60] : memref<8x262144xi32, #tpu.memory_space<hbm>> -> memref<1x16384xi32, #tpu.memory_space<hbm>>
    %dma_wait3A_126 = tpu.memref_squeeze %dma_wait3A_125 : memref<1x16384xi32, #tpu.memory_space<hbm>> -> memref<16384xi32, #tpu.memory_space<hbm>>
    tpu.wait_dma2 semaphore(%arg14 : memref<!tpu.dma_semaphore, #tpu.memory_space<semaphore_mem>>) src(%dma_wait3A_126 : memref<16384xi32, #tpu.memory_space<hbm>>) dst(%dma_wait3A_124 : memref<16384xi32, #tpu.memory_space<vmem>>)
    %scan3A_127 = arith.constant 0 : i32
    %scan3A_128 = arith.constant 256 : i32
    %scan3A_129 = arith.addi %scan3A_127, %scan3A_128 : i32
    %scan3A_130 = arith.constant 1 : i32
    %scan3A_131:4 = scf.for %scan3A_412 = %scan3A_127 to %scan3A_129 step %scan3A_130 iter_args(%scan3A_413 = %broadcast_in_dim3A_37, %scan3A_414 = %broadcast_in_dim3A_37, %scan3A_415 = %broadcast_in_dim3A_37, %scan3A_416 = %broadcast_in_dim3A_37) -> (vector<16xi32>, vector<16xi32>, vector<16xi32>, vector<16xi32>)  : i32 {
      %mul3A_417 = arith.constant 64 : i32
      %mul3A_418 = arith.muli %scan3A_412, %mul3A_417 : i32
      %add3A_419 = arith.constant 0 : i32
      %add3A_420 = arith.addi %mul3A_418, %add3A_419 : i32
      %get3A_421 = arith.constant 0 : i32
      %get3A_422 = arith.index_cast %get3A_421 : i32 to index
      %get3A_423 = arith.index_cast %add3A_420 : i32 to index
      %get3A_424 = tpu.vector_load %arg6[%get3A_422, %get3A_423] {strides = array<i32>} : memref<2x16384xf32, #tpu.memory_space<vmem>>, vector<16xf32>,
      %get3A_425 = arith.constant 0 : i32
      %get3A_426 = arith.index_cast %get3A_425 : i32 to index
      %get3A_427 = arith.index_cast %add3A_420 : i32 to index
      %get3A_428 = tpu.vector_load %arg7[%get3A_426, %get3A_427] {strides = array<i32>} : memref<2x16384xi32, #tpu.memory_space<vmem>>, vector<16xi32>,
      %shift_left3A = arith.constant 31 : i32
      %shift_left3A_429 = vector.broadcast %shift_left3A : i32 to vector<16xi32>
      %shift_left3A_430 = arith.shli %get3A_428, %shift_left3A_429 : vector<16xi32>
      %xor3A = arith.constant -1082130432 : i32
      %xor3A_431 = vector.broadcast %xor3A : i32 to vector<16xi32>
      %xor3A_432 = arith.xori %shift_left3A_430, %xor3A_431 : vector<16xi32>
      %bitcast3A = vector.bitcast %xor3A_432 : vector<16xi32> to vector<16xf32>
      %mul3A_433 = arith.mulf %get3A_424, %bitcast3A : vector<16xf32>
      %sub3A_434 = arith.constant 1.000000e+00 : f32
      %sub3A_435 = vector.broadcast %sub3A_434 : f32 to vector<16xf32>
      %sub3A_436 = arith.subf %sub3A_435, %mul3A_433 : vector<16xf32>
      %max3A = arith.constant 0.000000e+00 : f32
      %max3A_437 = vector.broadcast %max3A : f32 to vector<16xf32>
      %max3A_438 = arith.maximumf %sub3A_436, %max3A_437 : vector<16xf32>
      %bitcast3A_439 = vector.bitcast %max3A_438 : vector<16xf32> to vector<16xi32>
      %shift_right_logical3A = arith.constant 16 : i32
      %shift_right_logical3A_440 = vector.broadcast %shift_right_logical3A : i32 to vector<16xi32>
      %shift_right_logical3A_441 = arith.shrui %bitcast3A_439, %shift_right_logical3A_440 : vector<16xi32>
      %sub3A_442 = arith.constant 11904 : i32
      %sub3A_443 = vector.broadcast %sub3A_442 : i32 to vector<16xi32>
      %sub3A_444 = arith.subi %shift_right_logical3A_441, %sub3A_443 : vector<16xi32>
      %max3A_445 = arith.constant 0 : i32
      %max3A_446 = vector.broadcast %max3A_445 : i32 to vector<16xi32>
      %max3A_447 = arith.maxsi %sub3A_444, %max3A_446 : vector<16xi32>
      %min3A = arith.constant 8191 : i32
      %min3A_448 = vector.broadcast %min3A : i32 to vector<16xi32>
      %min3A_449 = arith.minsi %max3A_447, %min3A_448 : vector<16xi32>
      %sub3A_450 = arith.constant 8191 : i32
      %sub3A_451 = vector.broadcast %sub3A_450 : i32 to vector<16xi32>
      %sub3A_452 = arith.subi %sub3A_451, %min3A_449 : vector<16xi32>
      %shift_left3A_453 = arith.constant 13 : i32
      %shift_left3A_454 = vector.broadcast %shift_left3A_453 : i32 to vector<16xi32>
      %shift_left3A_455 = arith.shli %get3A_428, %shift_left3A_454 : vector<16xi32>
      %add3A_456 = arith.addi %sub3A_452, %shift_left3A_455 : vector<16xi32>
      %gt3A = arith.constant 0.000000e+00 : f32
      %gt3A_457 = vector.broadcast %gt3A : f32 to vector<16xf32>
      %gt3A_458 = arith.cmpf ogt, %sub3A_436, %gt3A_457 : vector<16xf32>
      tpu.vector_store_idx %arg8[%add3A_456], %broadcast_in_dim3A_33 masked %gt3A_458 {add = true} : memref<16384xf32, #tpu.memory_space<vmem>>[vector<16xi32>], vector<16xf32>, vector<16xi1>
      %add3A_459 = arith.addi %scan3A_413, %get3A_428 : vector<16xi32>
      %mul3A_460 = arith.constant 64 : i32
      %mul3A_461 = arith.muli %scan3A_412, %mul3A_460 : i32
      %add3A_462 = arith.constant 16 : i32
      %add3A_463 = arith.addi %mul3A_461, %add3A_462 : i32
      %get3A_464 = arith.constant 0 : i32
      %get3A_465 = arith.index_cast %get3A_464 : i32 to index
      %get3A_466 = arith.index_cast %add3A_463 : i32 to index
      %get3A_467 = tpu.vector_load %arg6[%get3A_465, %get3A_466] {strides = array<i32>} : memref<2x16384xf32, #tpu.memory_space<vmem>>, vector<16xf32>,
      %get3A_468 = arith.constant 0 : i32
      %get3A_469 = arith.index_cast %get3A_468 : i32 to index
      %get3A_470 = arith.index_cast %add3A_463 : i32 to index
      %get3A_471 = tpu.vector_load %arg7[%get3A_469, %get3A_470] {strides = array<i32>} : memref<2x16384xi32, #tpu.memory_space<vmem>>, vector<16xi32>,
      %shift_left3A_472 = arith.constant 31 : i32
      %shift_left3A_473 = vector.broadcast %shift_left3A_472 : i32 to vector<16xi32>
      %shift_left3A_474 = arith.shli %get3A_471, %shift_left3A_473 : vector<16xi32>
      %xor3A_475 = arith.constant -1082130432 : i32
      %xor3A_476 = vector.broadcast %xor3A_475 : i32 to vector<16xi32>
      %xor3A_477 = arith.xori %shift_left3A_474, %xor3A_476 : vector<16xi32>
      %bitcast3A_478 = vector.bitcast %xor3A_477 : vector<16xi32> to vector<16xf32>
      %mul3A_479 = arith.mulf %get3A_467, %bitcast3A_478 : vector<16xf32>
      %sub3A_480 = arith.constant 1.000000e+00 : f32
      %sub3A_481 = vector.broadcast %sub3A_480 : f32 to vector<16xf32>
      %sub3A_482 = arith.subf %sub3A_481, %mul3A_479 : vector<16xf32>
      %max3A_483 = arith.constant 0.000000e+00 : f32
      %max3A_484 = vector.broadcast %max3A_483 : f32 to vector<16xf32>
      %max3A_485 = arith.maximumf %sub3A_482, %max3A_484 : vector<16xf32>
      %bitcast3A_486 = vector.bitcast %max3A_485 : vector<16xf32> to vector<16xi32>
      %shift_right_logical3A_487 = arith.constant 16 : i32
      %shift_right_logical3A_488 = vector.broadcast %shift_right_logical3A_487 : i32 to vector<16xi32>
      %shift_right_logical3A_489 = arith.shrui %bitcast3A_486, %shift_right_logical3A_488 : vector<16xi32>
      %sub3A_490 = arith.constant 11904 : i32
      %sub3A_491 = vector.broadcast %sub3A_490 : i32 to vector<16xi32>
      %sub3A_492 = arith.subi %shift_right_logical3A_489, %sub3A_491 : vector<16xi32>
      %max3A_493 = arith.constant 0 : i32
      %max3A_494 = vector.broadcast %max3A_493 : i32 to vector<16xi32>
      %max3A_495 = arith.maxsi %sub3A_492, %max3A_494 : vector<16xi32>
      %min3A_496 = arith.constant 8191 : i32
      %min3A_497 = vector.broadcast %min3A_496 : i32 to vector<16xi32>
      %min3A_498 = arith.minsi %max3A_495, %min3A_497 : vector<16xi32>
      %sub3A_499 = arith.constant 8191 : i32
      %sub3A_500 = vector.broadcast %sub3A_499 : i32 to vector<16xi32>
      %sub3A_501 = arith.subi %sub3A_500, %min3A_498 : vector<16xi32>
      %shift_left3A_502 = arith.constant 13 : i32
      %shift_left3A_503 = vector.broadcast %shift_left3A_502 : i32 to vector<16xi32>
      %shift_left3A_504 = arith.shli %get3A_471, %shift_left3A_503 : vector<16xi32>
      %add3A_505 = arith.addi %sub3A_501, %shift_left3A_504 : vector<16xi32>
      %gt3A_506 = arith.constant 0.000000e+00 : f32
      %gt3A_507 = vector.broadcast %gt3A_506 : f32 to vector<16xf32>
      %gt3A_508 = arith.cmpf ogt, %sub3A_482, %gt3A_507 : vector<16xf32>
      tpu.vector_store_idx %arg8[%add3A_505], %broadcast_in_dim3A_33 masked %gt3A_508 {add = true} : memref<16384xf32, #tpu.memory_space<vmem>>[vector<16xi32>], vector<16xf32>, vector<16xi1>
      %add3A_509 = arith.addi %scan3A_414, %get3A_471 : vector<16xi32>
      %mul3A_510 = arith.constant 64 : i32
      %mul3A_511 = arith.muli %scan3A_412, %mul3A_510 : i32
      %add3A_512 = arith.constant 32 : i32
      %add3A_513 = arith.addi %mul3A_511, %add3A_512 : i32
      %get3A_514 = arith.constant 0 : i32
      %get3A_515 = arith.index_cast %get3A_514 : i32 to index
      %get3A_516 = arith.index_cast %add3A_513 : i32 to index
      %get3A_517 = tpu.vector_load %arg6[%get3A_515, %get3A_516] {strides = array<i32>} : memref<2x16384xf32, #tpu.memory_space<vmem>>, vector<16xf32>,
      %get3A_518 = arith.constant 0 : i32
      %get3A_519 = arith.index_cast %get3A_518 : i32 to index
      %get3A_520 = arith.index_cast %add3A_513 : i32 to index
      %get3A_521 = tpu.vector_load %arg7[%get3A_519, %get3A_520] {strides = array<i32>} : memref<2x16384xi32, #tpu.memory_space<vmem>>, vector<16xi32>,
      %shift_left3A_522 = arith.constant 31 : i32
      %shift_left3A_523 = vector.broadcast %shift_left3A_522 : i32 to vector<16xi32>
      %shift_left3A_524 = arith.shli %get3A_521, %shift_left3A_523 : vector<16xi32>
      %xor3A_525 = arith.constant -1082130432 : i32
      %xor3A_526 = vector.broadcast %xor3A_525 : i32 to vector<16xi32>
      %xor3A_527 = arith.xori %shift_left3A_524, %xor3A_526 : vector<16xi32>
      %bitcast3A_528 = vector.bitcast %xor3A_527 : vector<16xi32> to vector<16xf32>
      %mul3A_529 = arith.mulf %get3A_517, %bitcast3A_528 : vector<16xf32>
      %sub3A_530 = arith.constant 1.000000e+00 : f32
      %sub3A_531 = vector.broadcast %sub3A_530 : f32 to vector<16xf32>
      %sub3A_532 = arith.subf %sub3A_531, %mul3A_529 : vector<16xf32>
      %max3A_533 = arith.constant 0.000000e+00 : f32
      %max3A_534 = vector.broadcast %max3A_533 : f32 to vector<16xf32>
      %max3A_535 = arith.maximumf %sub3A_532, %max3A_534 : vector<16xf32>
      %bitcast3A_536 = vector.bitcast %max3A_535 : vector<16xf32> to vector<16xi32>
      %shift_right_logical3A_537 = arith.constant 16 : i32
      %shift_right_logical3A_538 = vector.broadcast %shift_right_logical3A_537 : i32 to vector<16xi32>
      %shift_right_logical3A_539 = arith.shrui %bitcast3A_536, %shift_right_logical3A_538 : vector<16xi32>
      %sub3A_540 = arith.constant 11904 : i32
      %sub3A_541 = vector.broadcast %sub3A_540 : i32 to vector<16xi32>
      %sub3A_542 = arith.subi %shift_right_logical3A_539, %sub3A_541 : vector<16xi32>
      %max3A_543 = arith.constant 0 : i32
      %max3A_544 = vector.broadcast %max3A_543 : i32 to vector<16xi32>
      %max3A_545 = arith.maxsi %sub3A_542, %max3A_544 : vector<16xi32>
      %min3A_546 = arith.constant 8191 : i32
      %min3A_547 = vector.broadcast %min3A_546 : i32 to vector<16xi32>
      %min3A_548 = arith.minsi %max3A_545, %min3A_547 : vector<16xi32>
      %sub3A_549 = arith.constant 8191 : i32
      %sub3A_550 = vector.broadcast %sub3A_549 : i32 to vector<16xi32>
      %sub3A_551 = arith.subi %sub3A_550, %min3A_548 : vector<16xi32>
      %shift_left3A_552 = arith.constant 13 : i32
      %shift_left3A_553 = vector.broadcast %shift_left3A_552 : i32 to vector<16xi32>
      %shift_left3A_554 = arith.shli %get3A_521, %shift_left3A_553 : vector<16xi32>
      %add3A_555 = arith.addi %sub3A_551, %shift_left3A_554 : vector<16xi32>
      %gt3A_556 = arith.constant 0.000000e+00 : f32
      %gt3A_557 = vector.broadcast %gt3A_556 : f32 to vector<16xf32>
      %gt3A_558 = arith.cmpf ogt, %sub3A_532, %gt3A_557 : vector<16xf32>
      tpu.vector_store_idx %arg8[%add3A_555], %broadcast_in_dim3A_33 masked %gt3A_558 {add = true} : memref<16384xf32, #tpu.memory_space<vmem>>[vector<16xi32>], vector<16xf32>, vector<16xi1>
      %add3A_559 = arith.addi %scan3A_415, %get3A_521 : vector<16xi32>
      %mul3A_560 = arith.constant 64 : i32
      %mul3A_561 = arith.muli %scan3A_412, %mul3A_560 : i32
      %add3A_562 = arith.constant 48 : i32
      %add3A_563 = arith.addi %mul3A_561, %add3A_562 : i32
      %get3A_564 = arith.constant 0 : i32
      %get3A_565 = arith.index_cast %get3A_564 : i32 to index
      %get3A_566 = arith.index_cast %add3A_563 : i32 to index
      %get3A_567 = tpu.vector_load %arg6[%get3A_565, %get3A_566] {strides = array<i32>} : memref<2x16384xf32, #tpu.memory_space<vmem>>, vector<16xf32>,
      %get3A_568 = arith.constant 0 : i32
      %get3A_569 = arith.index_cast %get3A_568 : i32 to index
      %get3A_570 = arith.index_cast %add3A_563 : i32 to index
      %get3A_571 = tpu.vector_load %arg7[%get3A_569, %get3A_570] {strides = array<i32>} : memref<2x16384xi32, #tpu.memory_space<vmem>>, vector<16xi32>,
      %shift_left3A_572 = arith.constant 31 : i32
      %shift_left3A_573 = vector.broadcast %shift_left3A_572 : i32 to vector<16xi32>
      %shift_left3A_574 = arith.shli %get3A_571, %shift_left3A_573 : vector<16xi32>
      %xor3A_575 = arith.constant -1082130432 : i32
      %xor3A_576 = vector.broadcast %xor3A_575 : i32 to vector<16xi32>
      %xor3A_577 = arith.xori %shift_left3A_574, %xor3A_576 : vector<16xi32>
      %bitcast3A_578 = vector.bitcast %xor3A_577 : vector<16xi32> to vector<16xf32>
      %mul3A_579 = arith.mulf %get3A_567, %bitcast3A_578 : vector<16xf32>
      %sub3A_580 = arith.constant 1.000000e+00 : f32
      %sub3A_581 = vector.broadcast %sub3A_580 : f32 to vector<16xf32>
      %sub3A_582 = arith.subf %sub3A_581, %mul3A_579 : vector<16xf32>
      %max3A_583 = arith.constant 0.000000e+00 : f32
      %max3A_584 = vector.broadcast %max3A_583 : f32 to vector<16xf32>
      %max3A_585 = arith.maximumf %sub3A_582, %max3A_584 : vector<16xf32>
      %bitcast3A_586 = vector.bitcast %max3A_585 : vector<16xf32> to vector<16xi32>
      %shift_right_logical3A_587 = arith.constant 16 : i32
      %shift_right_logical3A_588 = vector.broadcast %shift_right_logical3A_587 : i32 to vector<16xi32>
      %shift_right_logical3A_589 = arith.shrui %bitcast3A_586, %shift_right_logical3A_588 : vector<16xi32>
      %sub3A_590 = arith.constant 11904 : i32
      %sub3A_591 = vector.broadcast %sub3A_590 : i32 to vector<16xi32>
      %sub3A_592 = arith.subi %shift_right_logical3A_589, %sub3A_591 : vector<16xi32>
      %max3A_593 = arith.constant 0 : i32
      %max3A_594 = vector.broadcast %max3A_593 : i32 to vector<16xi32>
      %max3A_595 = arith.maxsi %sub3A_592, %max3A_594 : vector<16xi32>
      %min3A_596 = arith.constant 8191 : i32
      %min3A_597 = vector.broadcast %min3A_596 : i32 to vector<16xi32>
      %min3A_598 = arith.minsi %max3A_595, %min3A_597 : vector<16xi32>
      %sub3A_599 = arith.constant 8191 : i32
      %sub3A_600 = vector.broadcast %sub3A_599 : i32 to vector<16xi32>
      %sub3A_601 = arith.subi %sub3A_600, %min3A_598 : vector<16xi32>
      %shift_left3A_602 = arith.constant 13 : i32
      %shift_left3A_603 = vector.broadcast %shift_left3A_602 : i32 to vector<16xi32>
      %shift_left3A_604 = arith.shli %get3A_571, %shift_left3A_603 : vector<16xi32>
      %add3A_605 = arith.addi %sub3A_601, %shift_left3A_604 : vector<16xi32>
      %gt3A_606 = arith.constant 0.000000e+00 : f32
      %gt3A_607 = vector.broadcast %gt3A_606 : f32 to vector<16xf32>
      %gt3A_608 = arith.cmpf ogt, %sub3A_582, %gt3A_607 : vector<16xf32>
      tpu.vector_store_idx %arg8[%add3A_605], %broadcast_in_dim3A_33 masked %gt3A_608 {add = true} : memref<16384xf32, #tpu.memory_space<vmem>>[vector<16xi32>], vector<16xf32>, vector<16xi1>
      %add3A_609 = arith.addi %scan3A_416, %get3A_571 : vector<16xi32>
      scf.yield %add3A_459, %add3A_509, %add3A_559, %add3A_609 : vector<16xi32>, vector<16xi32>, vector<16xi32>, vector<16xi32>
    }
    %scan3A_132 = arith.constant 256 : i32
    %add3A_133 = arith.constant 32768 : i32
    %add3A_134 = arith.addi %mul3A_32, %add3A_133 : i32
    %dma_start3A_135 = arith.constant 0 : i32
    %dma_start3A_136 = arith.constant 0 : i32
    %dma_start3A_137 = tpu.memref_slice %arg6[%dma_start3A_135, %dma_start3A_136] : memref<2x16384xf32, #tpu.memory_space<vmem>> -> memref<1x16384xf32, #tpu.memory_space<vmem>>
    %dma_start3A_138 = tpu.memref_squeeze %dma_start3A_137 : memref<1x16384xf32, #tpu.memory_space<vmem>> -> memref<16384xf32, #tpu.memory_space<vmem>>
    %dma_start3A_139 = tpu.memref_slice %arg2[%add3A, %add3A_134] : memref<8x262144xf32, #tpu.memory_space<hbm>> -> memref<1x16384xf32, #tpu.memory_space<hbm>>
    %dma_start3A_140 = tpu.memref_squeeze %dma_start3A_139 : memref<1x16384xf32, #tpu.memory_space<hbm>> -> memref<16384xf32, #tpu.memory_space<hbm>>
    %dma_start3A_141 = arith.constant 0 : i32
    %dma_start3A_142 = tpu.memref_slice %arg6[%dma_start3A_135, %dma_start3A_141] : memref<2x16384xf32, #tpu.memory_space<vmem>> -> memref<1x16384xf32, #tpu.memory_space<vmem>>
    %dma_start3A_143 = tpu.memref_squeeze %dma_start3A_142 : memref<1x16384xf32, #tpu.memory_space<vmem>> -> memref<16384xf32, #tpu.memory_space<vmem>>
    %dma_start3A_144 = tpu.memref_slice %arg2[%add3A, %add3A_134] : memref<8x262144xf32, #tpu.memory_space<hbm>> -> memref<1x16384xf32, #tpu.memory_space<hbm>>
    %dma_start3A_145 = tpu.memref_squeeze %dma_start3A_144 : memref<1x16384xf32, #tpu.memory_space<hbm>> -> memref<16384xf32, #tpu.memory_space<hbm>>
    tpu.enqueue_dma source(%dma_start3A_145 : memref<16384xf32, #tpu.memory_space<hbm>>) target(%dma_start3A_143 : memref<16384xf32, #tpu.memory_space<vmem>>) target_semaphore(%arg14 : memref<!tpu.dma_semaphore, #tpu.memory_space<semaphore_mem>>)
    %dma_start3A_146 = arith.constant 0 : i32
    %dma_start3A_147 = arith.constant 0 : i32
    %dma_start3A_148 = tpu.memref_slice %arg7[%dma_start3A_146, %dma_start3A_147] : memref<2x16384xi32, #tpu.memory_space<vmem>> -> memref<1x16384xi32, #tpu.memory_space<vmem>>
    %dma_start3A_149 = tpu.memref_squeeze %dma_start3A_148 : memref<1x16384xi32, #tpu.memory_space<vmem>> -> memref<16384xi32, #tpu.memory_space<vmem>>
    %dma_start3A_150 = tpu.memref_slice %arg3[%add3A, %add3A_134] : memref<8x262144xi32, #tpu.memory_space<hbm>> -> memref<1x16384xi32, #tpu.memory_space<hbm>>
    %dma_start3A_151 = tpu.memref_squeeze %dma_start3A_150 : memref<1x16384xi32, #tpu.memory_space<hbm>> -> memref<16384xi32, #tpu.memory_space<hbm>>
    %dma_start3A_152 = arith.constant 0 : i32
    %dma_start3A_153 = tpu.memref_slice %arg7[%dma_start3A_146, %dma_start3A_152] : memref<2x16384xi32, #tpu.memory_space<vmem>> -> memref<1x16384xi32, #tpu.memory_space<vmem>>
    %dma_start3A_154 = tpu.memref_squeeze %dma_start3A_153 : memref<1x16384xi32, #tpu.memory_space<vmem>> -> memref<16384xi32, #tpu.memory_space<vmem>>
    %dma_start3A_155 = tpu.memref_slice %arg3[%add3A, %add3A_134] : memref<8x262144xi32, #tpu.memory_space<hbm>> -> memref<1x16384xi32, #tpu.memory_space<hbm>>
    %dma_start3A_156 = tpu.memref_squeeze %dma_start3A_155 : memref<1x16384xi32, #tpu.memory_space<hbm>> -> memref<16384xi32, #tpu.memory_space<hbm>>
    tpu.enqueue_dma source(%dma_start3A_156 : memref<16384xi32, #tpu.memory_space<hbm>>) target(%dma_start3A_154 : memref<16384xi32, #tpu.memory_space<vmem>>) target_semaphore(%arg14 : memref<!tpu.dma_semaphore, #tpu.memory_space<semaphore_mem>>)
    %dma_wait3A_157 = arith.constant 1 : i32
    %dma_wait3A_158 = arith.constant 0 : i32
    %dma_wait3A_159 = tpu.memref_slice %arg6[%dma_wait3A_157, %dma_wait3A_158] : memref<2x16384xf32, #tpu.memory_space<vmem>> -> memref<1x16384xf32, #tpu.memory_space<vmem>>
    %dma_wait3A_160 = tpu.memref_squeeze %dma_wait3A_159 : memref<1x16384xf32, #tpu.memory_space<vmem>> -> memref<16384xf32, #tpu.memory_space<vmem>>
    %dma_wait3A_161 = tpu.memref_slice %arg2[%add3A, %add3A_83] : memref<8x262144xf32, #tpu.memory_space<hbm>> -> memref<1x16384xf32, #tpu.memory_space<hbm>>
    %dma_wait3A_162 = tpu.memref_squeeze %dma_wait3A_161 : memref<1x16384xf32, #tpu.memory_space<hbm>> -> memref<16384xf32, #tpu.memory_space<hbm>>
    %dma_wait3A_163 = arith.constant 0 : i32
    %dma_wait3A_164 = tpu.memref_slice %arg6[%dma_wait3A_157, %dma_wait3A_163] : memref<2x16384xf32, #tpu.memory_space<vmem>> -> memref<1x16384xf32, #tpu.memory_space<vmem>>
    %dma_wait3A_165 = tpu.memref_squeeze %dma_wait3A_164 : memref<1x16384xf32, #tpu.memory_space<vmem>> -> memref<16384xf32, #tpu.memory_space<vmem>>
    %dma_wait3A_166 = tpu.memref_slice %arg2[%add3A, %add3A_83] : memref<8x262144xf32, #tpu.memory_space<hbm>> -> memref<1x16384xf32, #tpu.memory_space<hbm>>
    %dma_wait3A_167 = tpu.memref_squeeze %dma_wait3A_166 : memref<1x16384xf32, #tpu.memory_space<hbm>> -> memref<16384xf32, #tpu.memory_space<hbm>>
    tpu.wait_dma2 semaphore(%arg15 : memref<!tpu.dma_semaphore, #tpu.memory_space<semaphore_mem>>) src(%dma_wait3A_167 : memref<16384xf32, #tpu.memory_space<hbm>>) dst(%dma_wait3A_165 : memref<16384xf32, #tpu.memory_space<vmem>>)
    %dma_wait3A_168 = arith.constant 1 : i32
    %dma_wait3A_169 = arith.constant 0 : i32
    %dma_wait3A_170 = tpu.memref_slice %arg7[%dma_wait3A_168, %dma_wait3A_169] : memref<2x16384xi32, #tpu.memory_space<vmem>> -> memref<1x16384xi32, #tpu.memory_space<vmem>>
    %dma_wait3A_171 = tpu.memref_squeeze %dma_wait3A_170 : memref<1x16384xi32, #tpu.memory_space<vmem>> -> memref<16384xi32, #tpu.memory_space<vmem>>
    %dma_wait3A_172 = tpu.memref_slice %arg3[%add3A, %add3A_83] : memref<8x262144xi32, #tpu.memory_space<hbm>> -> memref<1x16384xi32, #tpu.memory_space<hbm>>
    %dma_wait3A_173 = tpu.memref_squeeze %dma_wait3A_172 : memref<1x16384xi32, #tpu.memory_space<hbm>> -> memref<16384xi32, #tpu.memory_space<hbm>>
    %dma_wait3A_174 = arith.constant 0 : i32
    %dma_wait3A_175 = tpu.memref_slice %arg7[%dma_wait3A_168, %dma_wait3A_174] : memref<2x16384xi32, #tpu.memory_space<vmem>> -> memref<1x16384xi32, #tpu.memory_space<vmem>>
    %dma_wait3A_176 = tpu.memref_squeeze %dma_wait3A_175 : memref<1x16384xi32, #tpu.memory_space<vmem>> -> memref<16384xi32, #tpu.memory_space<vmem>>
    %dma_wait3A_177 = tpu.memref_slice %arg3[%add3A, %add3A_83] : memref<8x262144xi32, #tpu.memory_space<hbm>> -> memref<1x16384xi32, #tpu.memory_space<hbm>>
    %dma_wait3A_178 = tpu.memref_squeeze %dma_wait3A_177 : memref<1x16384xi32, #tpu.memory_space<hbm>> -> memref<16384xi32, #tpu.memory_space<hbm>>
    tpu.wait_dma2 semaphore(%arg15 : memref<!tpu.dma_semaphore, #tpu.memory_space<semaphore_mem>>) src(%dma_wait3A_178 : memref<16384xi32, #tpu.memory_space<hbm>>) dst(%dma_wait3A_176 : memref<16384xi32, #tpu.memory_space<vmem>>)
    %scan3A_179 = arith.constant 0 : i32
    %scan3A_180 = arith.constant 256 : i32
    %scan3A_181 = arith.addi %scan3A_179, %scan3A_180 : i32
    %scan3A_182 = arith.constant 1 : i32
    %scan3A_183:4 = scf.for %scan3A_412 = %scan3A_179 to %scan3A_181 step %scan3A_182 iter_args(%scan3A_413 = %scan3A_131#0, %scan3A_414 = %scan3A_131#1, %scan3A_415 = %scan3A_131#2, %scan3A_416 = %scan3A_131#3) -> (vector<16xi32>, vector<16xi32>, vector<16xi32>, vector<16xi32>)  : i32 {
      %mul3A_417 = arith.constant 64 : i32
      %mul3A_418 = arith.muli %scan3A_412, %mul3A_417 : i32
      %add3A_419 = arith.constant 0 : i32
      %add3A_420 = arith.addi %mul3A_418, %add3A_419 : i32
      %get3A_421 = arith.constant 1 : i32
      %get3A_422 = arith.index_cast %get3A_421 : i32 to index
      %get3A_423 = arith.index_cast %add3A_420 : i32 to index
      %get3A_424 = tpu.vector_load %arg6[%get3A_422, %get3A_423] {strides = array<i32>} : memref<2x16384xf32, #tpu.memory_space<vmem>>, vector<16xf32>,
      %get3A_425 = arith.constant 1 : i32
      %get3A_426 = arith.index_cast %get3A_425 : i32 to index
      %get3A_427 = arith.index_cast %add3A_420 : i32 to index
      %get3A_428 = tpu.vector_load %arg7[%get3A_426, %get3A_427] {strides = array<i32>} : memref<2x16384xi32, #tpu.memory_space<vmem>>, vector<16xi32>,
      %shift_left3A = arith.constant 31 : i32
      %shift_left3A_429 = vector.broadcast %shift_left3A : i32 to vector<16xi32>
      %shift_left3A_430 = arith.shli %get3A_428, %shift_left3A_429 : vector<16xi32>
      %xor3A = arith.constant -1082130432 : i32
      %xor3A_431 = vector.broadcast %xor3A : i32 to vector<16xi32>
      %xor3A_432 = arith.xori %shift_left3A_430, %xor3A_431 : vector<16xi32>
      %bitcast3A = vector.bitcast %xor3A_432 : vector<16xi32> to vector<16xf32>
      %mul3A_433 = arith.mulf %get3A_424, %bitcast3A : vector<16xf32>
      %sub3A_434 = arith.constant 1.000000e+00 : f32
      %sub3A_435 = vector.broadcast %sub3A_434 : f32 to vector<16xf32>
      %sub3A_436 = arith.subf %sub3A_435, %mul3A_433 : vector<16xf32>
      %max3A = arith.constant 0.000000e+00 : f32
      %max3A_437 = vector.broadcast %max3A : f32 to vector<16xf32>
      %max3A_438 = arith.maximumf %sub3A_436, %max3A_437 : vector<16xf32>
      %bitcast3A_439 = vector.bitcast %max3A_438 : vector<16xf32> to vector<16xi32>
      %shift_right_logical3A = arith.constant 16 : i32
      %shift_right_logical3A_440 = vector.broadcast %shift_right_logical3A : i32 to vector<16xi32>
      %shift_right_logical3A_441 = arith.shrui %bitcast3A_439, %shift_right_logical3A_440 : vector<16xi32>
      %sub3A_442 = arith.constant 11904 : i32
      %sub3A_443 = vector.broadcast %sub3A_442 : i32 to vector<16xi32>
      %sub3A_444 = arith.subi %shift_right_logical3A_441, %sub3A_443 : vector<16xi32>
      %max3A_445 = arith.constant 0 : i32
      %max3A_446 = vector.broadcast %max3A_445 : i32 to vector<16xi32>
      %max3A_447 = arith.maxsi %sub3A_444, %max3A_446 : vector<16xi32>
      %min3A = arith.constant 8191 : i32
      %min3A_448 = vector.broadcast %min3A : i32 to vector<16xi32>
      %min3A_449 = arith.minsi %max3A_447, %min3A_448 : vector<16xi32>
      %sub3A_450 = arith.constant 8191 : i32
      %sub3A_451 = vector.broadcast %sub3A_450 : i32 to vector<16xi32>
      %sub3A_452 = arith.subi %sub3A_451, %min3A_449 : vector<16xi32>
      %shift_left3A_453 = arith.constant 13 : i32
      %shift_left3A_454 = vector.broadcast %shift_left3A_453 : i32 to vector<16xi32>
      %shift_left3A_455 = arith.shli %get3A_428, %shift_left3A_454 : vector<16xi32>
      %add3A_456 = arith.addi %sub3A_452, %shift_left3A_455 : vector<16xi32>
      %gt3A = arith.constant 0.000000e+00 : f32
      %gt3A_457 = vector.broadcast %gt3A : f32 to vector<16xf32>
      %gt3A_458 = arith.cmpf ogt, %sub3A_436, %gt3A_457 : vector<16xf32>
      tpu.vector_store_idx %arg8[%add3A_456], %broadcast_in_dim3A_33 masked %gt3A_458 {add = true} : memref<16384xf32, #tpu.memory_space<vmem>>[vector<16xi32>], vector<16xf32>, vector<16xi1>
      %add3A_459 = arith.addi %scan3A_413, %get3A_428 : vector<16xi32>
      %mul3A_460 = arith.constant 64 : i32
      %mul3A_461 = arith.muli %scan3A_412, %mul3A_460 : i32
      %add3A_462 = arith.constant 16 : i32
      %add3A_463 = arith.addi %mul3A_461, %add3A_462 : i32
      %get3A_464 = arith.constant 1 : i32
      %get3A_465 = arith.index_cast %get3A_464 : i32 to index
      %get3A_466 = arith.index_cast %add3A_463 : i32 to index
      %get3A_467 = tpu.vector_load %arg6[%get3A_465, %get3A_466] {strides = array<i32>} : memref<2x16384xf32, #tpu.memory_space<vmem>>, vector<16xf32>,
      %get3A_468 = arith.constant 1 : i32
      %get3A_469 = arith.index_cast %get3A_468 : i32 to index
      %get3A_470 = arith.index_cast %add3A_463 : i32 to index
      %get3A_471 = tpu.vector_load %arg7[%get3A_469, %get3A_470] {strides = array<i32>} : memref<2x16384xi32, #tpu.memory_space<vmem>>, vector<16xi32>,
      %shift_left3A_472 = arith.constant 31 : i32
      %shift_left3A_473 = vector.broadcast %shift_left3A_472 : i32 to vector<16xi32>
      %shift_left3A_474 = arith.shli %get3A_471, %shift_left3A_473 : vector<16xi32>
      %xor3A_475 = arith.constant -1082130432 : i32
      %xor3A_476 = vector.broadcast %xor3A_475 : i32 to vector<16xi32>
      %xor3A_477 = arith.xori %shift_left3A_474, %xor3A_476 : vector<16xi32>
      %bitcast3A_478 = vector.bitcast %xor3A_477 : vector<16xi32> to vector<16xf32>
      %mul3A_479 = arith.mulf %get3A_467, %bitcast3A_478 : vector<16xf32>
      %sub3A_480 = arith.constant 1.000000e+00 : f32
      %sub3A_481 = vector.broadcast %sub3A_480 : f32 to vector<16xf32>
      %sub3A_482 = arith.subf %sub3A_481, %mul3A_479 : vector<16xf32>
      %max3A_483 = arith.constant 0.000000e+00 : f32
      %max3A_484 = vector.broadcast %max3A_483 : f32 to vector<16xf32>
      %max3A_485 = arith.maximumf %sub3A_482, %max3A_484 : vector<16xf32>
      %bitcast3A_486 = vector.bitcast %max3A_485 : vector<16xf32> to vector<16xi32>
      %shift_right_logical3A_487 = arith.constant 16 : i32
      %shift_right_logical3A_488 = vector.broadcast %shift_right_logical3A_487 : i32 to vector<16xi32>
      %shift_right_logical3A_489 = arith.shrui %bitcast3A_486, %shift_right_logical3A_488 : vector<16xi32>
      %sub3A_490 = arith.constant 11904 : i32
      %sub3A_491 = vector.broadcast %sub3A_490 : i32 to vector<16xi32>
      %sub3A_492 = arith.subi %shift_right_logical3A_489, %sub3A_491 : vector<16xi32>
      %max3A_493 = arith.constant 0 : i32
      %max3A_494 = vector.broadcast %max3A_493 : i32 to vector<16xi32>
      %max3A_495 = arith.maxsi %sub3A_492, %max3A_494 : vector<16xi32>
      %min3A_496 = arith.constant 8191 : i32
      %min3A_497 = vector.broadcast %min3A_496 : i32 to vector<16xi32>
      %min3A_498 = arith.minsi %max3A_495, %min3A_497 : vector<16xi32>
      %sub3A_499 = arith.constant 8191 : i32
      %sub3A_500 = vector.broadcast %sub3A_499 : i32 to vector<16xi32>
      %sub3A_501 = arith.subi %sub3A_500, %min3A_498 : vector<16xi32>
      %shift_left3A_502 = arith.constant 13 : i32
      %shift_left3A_503 = vector.broadcast %shift_left3A_502 : i32 to vector<16xi32>
      %shift_left3A_504 = arith.shli %get3A_471, %shift_left3A_503 : vector<16xi32>
      %add3A_505 = arith.addi %sub3A_501, %shift_left3A_504 : vector<16xi32>
      %gt3A_506 = arith.constant 0.000000e+00 : f32
      %gt3A_507 = vector.broadcast %gt3A_506 : f32 to vector<16xf32>
      %gt3A_508 = arith.cmpf ogt, %sub3A_482, %gt3A_507 : vector<16xf32>
      tpu.vector_store_idx %arg8[%add3A_505], %broadcast_in_dim3A_33 masked %gt3A_508 {add = true} : memref<16384xf32, #tpu.memory_space<vmem>>[vector<16xi32>], vector<16xf32>, vector<16xi1>
      %add3A_509 = arith.addi %scan3A_414, %get3A_471 : vector<16xi32>
      %mul3A_510 = arith.constant 64 : i32
      %mul3A_511 = arith.muli %scan3A_412, %mul3A_510 : i32
      %add3A_512 = arith.constant 32 : i32
      %add3A_513 = arith.addi %mul3A_511, %add3A_512 : i32
      %get3A_514 = arith.constant 1 : i32
      %get3A_515 = arith.index_cast %get3A_514 : i32 to index
      %get3A_516 = arith.index_cast %add3A_513 : i32 to index
      %get3A_517 = tpu.vector_load %arg6[%get3A_515, %get3A_516] {strides = array<i32>} : memref<2x16384xf32, #tpu.memory_space<vmem>>, vector<16xf32>,
      %get3A_518 = arith.constant 1 : i32
      %get3A_519 = arith.index_cast %get3A_518 : i32 to index
      %get3A_520 = arith.index_cast %add3A_513 : i32 to index
      %get3A_521 = tpu.vector_load %arg7[%get3A_519, %get3A_520] {strides = array<i32>} : memref<2x16384xi32, #tpu.memory_space<vmem>>, vector<16xi32>,
      %shift_left3A_522 = arith.constant 31 : i32
      %shift_left3A_523 = vector.broadcast %shift_left3A_522 : i32 to vector<16xi32>
      %shift_left3A_524 = arith.shli %get3A_521, %shift_left3A_523 : vector<16xi32>
      %xor3A_525 = arith.constant -1082130432 : i32
      %xor3A_526 = vector.broadcast %xor3A_525 : i32 to vector<16xi32>
      %xor3A_527 = arith.xori %shift_left3A_524, %xor3A_526 : vector<16xi32>
      %bitcast3A_528 = vector.bitcast %xor3A_527 : vector<16xi32> to vector<16xf32>
      %mul3A_529 = arith.mulf %get3A_517, %bitcast3A_528 : vector<16xf32>
      %sub3A_530 = arith.constant 1.000000e+00 : f32
      %sub3A_531 = vector.broadcast %sub3A_530 : f32 to vector<16xf32>
      %sub3A_532 = arith.subf %sub3A_531, %mul3A_529 : vector<16xf32>
      %max3A_533 = arith.constant 0.000000e+00 : f32
      %max3A_534 = vector.broadcast %max3A_533 : f32 to vector<16xf32>
      %max3A_535 = arith.maximumf %sub3A_532, %max3A_534 : vector<16xf32>
      %bitcast3A_536 = vector.bitcast %max3A_535 : vector<16xf32> to vector<16xi32>
      %shift_right_logical3A_537 = arith.constant 16 : i32
      %shift_right_logical3A_538 = vector.broadcast %shift_right_logical3A_537 : i32 to vector<16xi32>
      %shift_right_logical3A_539 = arith.shrui %bitcast3A_536, %shift_right_logical3A_538 : vector<16xi32>
      %sub3A_540 = arith.constant 11904 : i32
      %sub3A_541 = vector.broadcast %sub3A_540 : i32 to vector<16xi32>
      %sub3A_542 = arith.subi %shift_right_logical3A_539, %sub3A_541 : vector<16xi32>
      %max3A_543 = arith.constant 0 : i32
      %max3A_544 = vector.broadcast %max3A_543 : i32 to vector<16xi32>
      %max3A_545 = arith.maxsi %sub3A_542, %max3A_544 : vector<16xi32>
      %min3A_546 = arith.constant 8191 : i32
      %min3A_547 = vector.broadcast %min3A_546 : i32 to vector<16xi32>
      %min3A_548 = arith.minsi %max3A_545, %min3A_547 : vector<16xi32>
      %sub3A_549 = arith.constant 8191 : i32
      %sub3A_550 = vector.broadcast %sub3A_549 : i32 to vector<16xi32>
      %sub3A_551 = arith.subi %sub3A_550, %min3A_548 : vector<16xi32>
      %shift_left3A_552 = arith.constant 13 : i32
      %shift_left3A_553 = vector.broadcast %shift_left3A_552 : i32 to vector<16xi32>
      %shift_left3A_554 = arith.shli %get3A_521, %shift_left3A_553 : vector<16xi32>
      %add3A_555 = arith.addi %sub3A_551, %shift_left3A_554 : vector<16xi32>
      %gt3A_556 = arith.constant 0.000000e+00 : f32
      %gt3A_557 = vector.broadcast %gt3A_556 : f32 to vector<16xf32>
      %gt3A_558 = arith.cmpf ogt, %sub3A_532, %gt3A_557 : vector<16xf32>
      tpu.vector_store_idx %arg8[%add3A_555], %broadcast_in_dim3A_33 masked %gt3A_558 {add = true} : memref<16384xf32, #tpu.memory_space<vmem>>[vector<16xi32>], vector<16xf32>, vector<16xi1>
      %add3A_559 = arith.addi %scan3A_415, %get3A_521 : vector<16xi32>
      %mul3A_560 = arith.constant 64 : i32
      %mul3A_561 = arith.muli %scan3A_412, %mul3A_560 : i32
      %add3A_562 = arith.constant 48 : i32
      %add3A_563 = arith.addi %mul3A_561, %add3A_562 : i32
      %get3A_564 = arith.constant 1 : i32
      %get3A_565 = arith.index_cast %get3A_564 : i32 to index
      %get3A_566 = arith.index_cast %add3A_563 : i32 to index
      %get3A_567 = tpu.vector_load %arg6[%get3A_565, %get3A_566] {strides = array<i32>} : memref<2x16384xf32, #tpu.memory_space<vmem>>, vector<16xf32>,
      %get3A_568 = arith.constant 1 : i32
      %get3A_569 = arith.index_cast %get3A_568 : i32 to index
      %get3A_570 = arith.index_cast %add3A_563 : i32 to index
      %get3A_571 = tpu.vector_load %arg7[%get3A_569, %get3A_570] {strides = array<i32>} : memref<2x16384xi32, #tpu.memory_space<vmem>>, vector<16xi32>,
      %shift_left3A_572 = arith.constant 31 : i32
      %shift_left3A_573 = vector.broadcast %shift_left3A_572 : i32 to vector<16xi32>
      %shift_left3A_574 = arith.shli %get3A_571, %shift_left3A_573 : vector<16xi32>
      %xor3A_575 = arith.constant -1082130432 : i32
      %xor3A_576 = vector.broadcast %xor3A_575 : i32 to vector<16xi32>
      %xor3A_577 = arith.xori %shift_left3A_574, %xor3A_576 : vector<16xi32>
      %bitcast3A_578 = vector.bitcast %xor3A_577 : vector<16xi32> to vector<16xf32>
      %mul3A_579 = arith.mulf %get3A_567, %bitcast3A_578 : vector<16xf32>
      %sub3A_580 = arith.constant 1.000000e+00 : f32
      %sub3A_581 = vector.broadcast %sub3A_580 : f32 to vector<16xf32>
      %sub3A_582 = arith.subf %sub3A_581, %mul3A_579 : vector<16xf32>
      %max3A_583 = arith.constant 0.000000e+00 : f32
      %max3A_584 = vector.broadcast %max3A_583 : f32 to vector<16xf32>
      %max3A_585 = arith.maximumf %sub3A_582, %max3A_584 : vector<16xf32>
      %bitcast3A_586 = vector.bitcast %max3A_585 : vector<16xf32> to vector<16xi32>
      %shift_right_logical3A_587 = arith.constant 16 : i32
      %shift_right_logical3A_588 = vector.broadcast %shift_right_logical3A_587 : i32 to vector<16xi32>
      %shift_right_logical3A_589 = arith.shrui %bitcast3A_586, %shift_right_logical3A_588 : vector<16xi32>
      %sub3A_590 = arith.constant 11904 : i32
      %sub3A_591 = vector.broadcast %sub3A_590 : i32 to vector<16xi32>
      %sub3A_592 = arith.subi %shift_right_logical3A_589, %sub3A_591 : vector<16xi32>
      %max3A_593 = arith.constant 0 : i32
      %max3A_594 = vector.broadcast %max3A_593 : i32 to vector<16xi32>
      %max3A_595 = arith.maxsi %sub3A_592, %max3A_594 : vector<16xi32>
      %min3A_596 = arith.constant 8191 : i32
      %min3A_597 = vector.broadcast %min3A_596 : i32 to vector<16xi32>
      %min3A_598 = arith.minsi %max3A_595, %min3A_597 : vector<16xi32>
      %sub3A_599 = arith.constant 8191 : i32
      %sub3A_600 = vector.broadcast %sub3A_599 : i32 to vector<16xi32>
      %sub3A_601 = arith.subi %sub3A_600, %min3A_598 : vector<16xi32>
      %shift_left3A_602 = arith.constant 13 : i32
      %shift_left3A_603 = vector.broadcast %shift_left3A_602 : i32 to vector<16xi32>
      %shift_left3A_604 = arith.shli %get3A_571, %shift_left3A_603 : vector<16xi32>
      %add3A_605 = arith.addi %sub3A_601, %shift_left3A_604 : vector<16xi32>
      %gt3A_606 = arith.constant 0.000000e+00 : f32
      %gt3A_607 = vector.broadcast %gt3A_606 : f32 to vector<16xf32>
      %gt3A_608 = arith.cmpf ogt, %sub3A_582, %gt3A_607 : vector<16xf32>
      tpu.vector_store_idx %arg8[%add3A_605], %broadcast_in_dim3A_33 masked %gt3A_608 {add = true} : memref<16384xf32, #tpu.memory_space<vmem>>[vector<16xi32>], vector<16xf32>, vector<16xi1>
      %add3A_609 = arith.addi %scan3A_416, %get3A_571 : vector<16xi32>
      scf.yield %add3A_459, %add3A_509, %add3A_559, %add3A_609 : vector<16xi32>, vector<16xi32>, vector<16xi32>, vector<16xi32>
    }
    %scan3A_184 = arith.constant 256 : i32
    %add3A_185 = arith.constant 49152 : i32
    %add3A_186 = arith.addi %mul3A_32, %add3A_185 : i32
    %dma_start3A_187 = arith.constant 1 : i32
    %dma_start3A_188 = arith.constant 0 : i32
    %dma_start3A_189 = tpu.memref_slice %arg6[%dma_start3A_187, %dma_start3A_188] : memref<2x16384xf32, #tpu.memory_space<vmem>> -> memref<1x16384xf32, #tpu.memory_space<vmem>>
    %dma_start3A_190 = tpu.memref_squeeze %dma_start3A_189 : memref<1x16384xf32, #tpu.memory_space<vmem>> -> memref<16384xf32, #tpu.memory_space<vmem>>
    %dma_start3A_191 = tpu.memref_slice %arg2[%add3A, %add3A_186] : memref<8x262144xf32, #tpu.memory_space<hbm>> -> memref<1x16384xf32, #tpu.memory_space<hbm>>
    %dma_start3A_192 = tpu.memref_squeeze %dma_start3A_191 : memref<1x16384xf32, #tpu.memory_space<hbm>> -> memref<16384xf32, #tpu.memory_space<hbm>>
    %dma_start3A_193 = arith.constant 0 : i32
    %dma_start3A_194 = tpu.memref_slice %arg6[%dma_start3A_187, %dma_start3A_193] : memref<2x16384xf32, #tpu.memory_space<vmem>> -> memref<1x16384xf32, #tpu.memory_space<vmem>>
    %dma_start3A_195 = tpu.memref_squeeze %dma_start3A_194 : memref<1x16384xf32, #tpu.memory_space<vmem>> -> memref<16384xf32, #tpu.memory_space<vmem>>
    %dma_start3A_196 = tpu.memref_slice %arg2[%add3A, %add3A_186] : memref<8x262144xf32, #tpu.memory_space<hbm>> -> memref<1x16384xf32, #tpu.memory_space<hbm>>
    %dma_start3A_197 = tpu.memref_squeeze %dma_start3A_196 : memref<1x16384xf32, #tpu.memory_space<hbm>> -> memref<16384xf32, #tpu.memory_space<hbm>>
    tpu.enqueue_dma source(%dma_start3A_197 : memref<16384xf32, #tpu.memory_space<hbm>>) target(%dma_start3A_195 : memref<16384xf32, #tpu.memory_space<vmem>>) target_semaphore(%arg15 : memref<!tpu.dma_semaphore, #tpu.memory_space<semaphore_mem>>)
    %dma_start3A_198 = arith.constant 1 : i32
    %dma_start3A_199 = arith.constant 0 : i32
    %dma_start3A_200 = tpu.memref_slice %arg7[%dma_start3A_198, %dma_start3A_199] : memref<2x16384xi32, #tpu.memory_space<vmem>> -> memref<1x16384xi32, #tpu.memory_space<vmem>>
    %dma_start3A_201 = tpu.memref_squeeze %dma_start3A_200 : memref<1x16384xi32, #tpu.memory_space<vmem>> -> memref<16384xi32, #tpu.memory_space<vmem>>
    %dma_start3A_202 = tpu.memref_slice %arg3[%add3A, %add3A_186] : memref<8x262144xi32, #tpu.memory_space<hbm>> -> memref<1x16384xi32, #tpu.memory_space<hbm>>
    %dma_start3A_203 = tpu.memref_squeeze %dma_start3A_202 : memref<1x16384xi32, #tpu.memory_space<hbm>> -> memref<16384xi32, #tpu.memory_space<hbm>>
    %dma_start3A_204 = arith.constant 0 : i32
    %dma_start3A_205 = tpu.memref_slice %arg7[%dma_start3A_198, %dma_start3A_204] : memref<2x16384xi32, #tpu.memory_space<vmem>> -> memref<1x16384xi32, #tpu.memory_space<vmem>>
    %dma_start3A_206 = tpu.memref_squeeze %dma_start3A_205 : memref<1x16384xi32, #tpu.memory_space<vmem>> -> memref<16384xi32, #tpu.memory_space<vmem>>
    %dma_start3A_207 = tpu.memref_slice %arg3[%add3A, %add3A_186] : memref<8x262144xi32, #tpu.memory_space<hbm>> -> memref<1x16384xi32, #tpu.memory_space<hbm>>
    %dma_start3A_208 = tpu.memref_squeeze %dma_start3A_207 : memref<1x16384xi32, #tpu.memory_space<hbm>> -> memref<16384xi32, #tpu.memory_space<hbm>>
    tpu.enqueue_dma source(%dma_start3A_208 : memref<16384xi32, #tpu.memory_space<hbm>>) target(%dma_start3A_206 : memref<16384xi32, #tpu.memory_space<vmem>>) target_semaphore(%arg15 : memref<!tpu.dma_semaphore, #tpu.memory_space<semaphore_mem>>)
    %dma_wait3A_209 = arith.constant 0 : i32
    %dma_wait3A_210 = arith.constant 0 : i32
    %dma_wait3A_211 = tpu.memref_slice %arg6[%dma_wait3A_209, %dma_wait3A_210] : memref<2x16384xf32, #tpu.memory_space<vmem>> -> memref<1x16384xf32, #tpu.memory_space<vmem>>
    %dma_wait3A_212 = tpu.memref_squeeze %dma_wait3A_211 : memref<1x16384xf32, #tpu.memory_space<vmem>> -> memref<16384xf32, #tpu.memory_space<vmem>>
    %dma_wait3A_213 = tpu.memref_slice %arg2[%add3A, %add3A_134] : memref<8x262144xf32, #tpu.memory_space<hbm>> -> memref<1x16384xf32, #tpu.memory_space<hbm>>
    %dma_wait3A_214 = tpu.memref_squeeze %dma_wait3A_213 : memref<1x16384xf32, #tpu.memory_space<hbm>> -> memref<16384xf32, #tpu.memory_space<hbm>>
    %dma_wait3A_215 = arith.constant 0 : i32
    %dma_wait3A_216 = tpu.memref_slice %arg6[%dma_wait3A_209, %dma_wait3A_215] : memref<2x16384xf32, #tpu.memory_space<vmem>> -> memref<1x16384xf32, #tpu.memory_space<vmem>>
    %dma_wait3A_217 = tpu.memref_squeeze %dma_wait3A_216 : memref<1x16384xf32, #tpu.memory_space<vmem>> -> memref<16384xf32, #tpu.memory_space<vmem>>
    %dma_wait3A_218 = tpu.memref_slice %arg2[%add3A, %add3A_134] : memref<8x262144xf32, #tpu.memory_space<hbm>> -> memref<1x16384xf32, #tpu.memory_space<hbm>>
    %dma_wait3A_219 = tpu.memref_squeeze %dma_wait3A_218 : memref<1x16384xf32, #tpu.memory_space<hbm>> -> memref<16384xf32, #tpu.memory_space<hbm>>
    tpu.wait_dma2 semaphore(%arg14 : memref<!tpu.dma_semaphore, #tpu.memory_space<semaphore_mem>>) src(%dma_wait3A_219 : memref<16384xf32, #tpu.memory_space<hbm>>) dst(%dma_wait3A_217 : memref<16384xf32, #tpu.memory_space<vmem>>)
    %dma_wait3A_220 = arith.constant 0 : i32
    %dma_wait3A_221 = arith.constant 0 : i32
    %dma_wait3A_222 = tpu.memref_slice %arg7[%dma_wait3A_220, %dma_wait3A_221] : memref<2x16384xi32, #tpu.memory_space<vmem>> -> memref<1x16384xi32, #tpu.memory_space<vmem>>
    %dma_wait3A_223 = tpu.memref_squeeze %dma_wait3A_222 : memref<1x16384xi32, #tpu.memory_space<vmem>> -> memref<16384xi32, #tpu.memory_space<vmem>>
    %dma_wait3A_224 = tpu.memref_slice %arg3[%add3A, %add3A_134] : memref<8x262144xi32, #tpu.memory_space<hbm>> -> memref<1x16384xi32, #tpu.memory_space<hbm>>
    %dma_wait3A_225 = tpu.memref_squeeze %dma_wait3A_224 : memref<1x16384xi32, #tpu.memory_space<hbm>> -> memref<16384xi32, #tpu.memory_space<hbm>>
    %dma_wait3A_226 = arith.constant 0 : i32
    %dma_wait3A_227 = tpu.memref_slice %arg7[%dma_wait3A_220, %dma_wait3A_226] : memref<2x16384xi32, #tpu.memory_space<vmem>> -> memref<1x16384xi32, #tpu.memory_space<vmem>>
    %dma_wait3A_228 = tpu.memref_squeeze %dma_wait3A_227 : memref<1x16384xi32, #tpu.memory_space<vmem>> -> memref<16384xi32, #tpu.memory_space<vmem>>
    %dma_wait3A_229 = tpu.memref_slice %arg3[%add3A, %add3A_134] : memref<8x262144xi32, #tpu.memory_space<hbm>> -> memref<1x16384xi32, #tpu.memory_space<hbm>>
    %dma_wait3A_230 = tpu.memref_squeeze %dma_wait3A_229 : memref<1x16384xi32, #tpu.memory_space<hbm>> -> memref<16384xi32, #tpu.memory_space<hbm>>
    tpu.wait_dma2 semaphore(%arg14 : memref<!tpu.dma_semaphore, #tpu.memory_space<semaphore_mem>>) src(%dma_wait3A_230 : memref<16384xi32, #tpu.memory_space<hbm>>) dst(%dma_wait3A_228 : memref<16384xi32, #tpu.memory_space<vmem>>)
    %scan3A_231 = arith.constant 0 : i32
    %scan3A_232 = arith.constant 256 : i32
    %scan3A_233 = arith.addi %scan3A_231, %scan3A_232 : i32
    %scan3A_234 = arith.constant 1 : i32
    %scan3A_235:4 = scf.for %scan3A_412 = %scan3A_231 to %scan3A_233 step %scan3A_234 iter_args(%scan3A_413 = %scan3A_183#0, %scan3A_414 = %scan3A_183#1, %scan3A_415 = %scan3A_183#2, %scan3A_416 = %scan3A_183#3) -> (vector<16xi32>, vector<16xi32>, vector<16xi32>, vector<16xi32>)  : i32 {
      %mul3A_417 = arith.constant 64 : i32
      %mul3A_418 = arith.muli %scan3A_412, %mul3A_417 : i32
      %add3A_419 = arith.constant 0 : i32
      %add3A_420 = arith.addi %mul3A_418, %add3A_419 : i32
      %get3A_421 = arith.constant 0 : i32
      %get3A_422 = arith.index_cast %get3A_421 : i32 to index
      %get3A_423 = arith.index_cast %add3A_420 : i32 to index
      %get3A_424 = tpu.vector_load %arg6[%get3A_422, %get3A_423] {strides = array<i32>} : memref<2x16384xf32, #tpu.memory_space<vmem>>, vector<16xf32>,
      %get3A_425 = arith.constant 0 : i32
      %get3A_426 = arith.index_cast %get3A_425 : i32 to index
      %get3A_427 = arith.index_cast %add3A_420 : i32 to index
      %get3A_428 = tpu.vector_load %arg7[%get3A_426, %get3A_427] {strides = array<i32>} : memref<2x16384xi32, #tpu.memory_space<vmem>>, vector<16xi32>,
      %shift_left3A = arith.constant 31 : i32
      %shift_left3A_429 = vector.broadcast %shift_left3A : i32 to vector<16xi32>
      %shift_left3A_430 = arith.shli %get3A_428, %shift_left3A_429 : vector<16xi32>
      %xor3A = arith.constant -1082130432 : i32
      %xor3A_431 = vector.broadcast %xor3A : i32 to vector<16xi32>
      %xor3A_432 = arith.xori %shift_left3A_430, %xor3A_431 : vector<16xi32>
      %bitcast3A = vector.bitcast %xor3A_432 : vector<16xi32> to vector<16xf32>
      %mul3A_433 = arith.mulf %get3A_424, %bitcast3A : vector<16xf32>
      %sub3A_434 = arith.constant 1.000000e+00 : f32
      %sub3A_435 = vector.broadcast %sub3A_434 : f32 to vector<16xf32>
      %sub3A_436 = arith.subf %sub3A_435, %mul3A_433 : vector<16xf32>
      %max3A = arith.constant 0.000000e+00 : f32
      %max3A_437 = vector.broadcast %max3A : f32 to vector<16xf32>
      %max3A_438 = arith.maximumf %sub3A_436, %max3A_437 : vector<16xf32>
      %bitcast3A_439 = vector.bitcast %max3A_438 : vector<16xf32> to vector<16xi32>
      %shift_right_logical3A = arith.constant 16 : i32
      %shift_right_logical3A_440 = vector.broadcast %shift_right_logical3A : i32 to vector<16xi32>
      %shift_right_logical3A_441 = arith.shrui %bitcast3A_439, %shift_right_logical3A_440 : vector<16xi32>
      %sub3A_442 = arith.constant 11904 : i32
      %sub3A_443 = vector.broadcast %sub3A_442 : i32 to vector<16xi32>
      %sub3A_444 = arith.subi %shift_right_logical3A_441, %sub3A_443 : vector<16xi32>
      %max3A_445 = arith.constant 0 : i32
      %max3A_446 = vector.broadcast %max3A_445 : i32 to vector<16xi32>
      %max3A_447 = arith.maxsi %sub3A_444, %max3A_446 : vector<16xi32>
      %min3A = arith.constant 8191 : i32
      %min3A_448 = vector.broadcast %min3A : i32 to vector<16xi32>
      %min3A_449 = arith.minsi %max3A_447, %min3A_448 : vector<16xi32>
      %sub3A_450 = arith.constant 8191 : i32
      %sub3A_451 = vector.broadcast %sub3A_450 : i32 to vector<16xi32>
      %sub3A_452 = arith.subi %sub3A_451, %min3A_449 : vector<16xi32>
      %shift_left3A_453 = arith.constant 13 : i32
      %shift_left3A_454 = vector.broadcast %shift_left3A_453 : i32 to vector<16xi32>
      %shift_left3A_455 = arith.shli %get3A_428, %shift_left3A_454 : vector<16xi32>
      %add3A_456 = arith.addi %sub3A_452, %shift_left3A_455 : vector<16xi32>
      %gt3A = arith.constant 0.000000e+00 : f32
      %gt3A_457 = vector.broadcast %gt3A : f32 to vector<16xf32>
      %gt3A_458 = arith.cmpf ogt, %sub3A_436, %gt3A_457 : vector<16xf32>
      tpu.vector_store_idx %arg8[%add3A_456], %broadcast_in_dim3A_33 masked %gt3A_458 {add = true} : memref<16384xf32, #tpu.memory_space<vmem>>[vector<16xi32>], vector<16xf32>, vector<16xi1>
      %add3A_459 = arith.addi %scan3A_413, %get3A_428 : vector<16xi32>
      %mul3A_460 = arith.constant 64 : i32
      %mul3A_461 = arith.muli %scan3A_412, %mul3A_460 : i32
      %add3A_462 = arith.constant 16 : i32
      %add3A_463 = arith.addi %mul3A_461, %add3A_462 : i32
      %get3A_464 = arith.constant 0 : i32
      %get3A_465 = arith.index_cast %get3A_464 : i32 to index
      %get3A_466 = arith.index_cast %add3A_463 : i32 to index
      %get3A_467 = tpu.vector_load %arg6[%get3A_465, %get3A_466] {strides = array<i32>} : memref<2x16384xf32, #tpu.memory_space<vmem>>, vector<16xf32>,
      %get3A_468 = arith.constant 0 : i32
      %get3A_469 = arith.index_cast %get3A_468 : i32 to index
      %get3A_470 = arith.index_cast %add3A_463 : i32 to index
      %get3A_471 = tpu.vector_load %arg7[%get3A_469, %get3A_470] {strides = array<i32>} : memref<2x16384xi32, #tpu.memory_space<vmem>>, vector<16xi32>,
      %shift_left3A_472 = arith.constant 31 : i32
      %shift_left3A_473 = vector.broadcast %shift_left3A_472 : i32 to vector<16xi32>
      %shift_left3A_474 = arith.shli %get3A_471, %shift_left3A_473 : vector<16xi32>
      %xor3A_475 = arith.constant -1082130432 : i32
      %xor3A_476 = vector.broadcast %xor3A_475 : i32 to vector<16xi32>
      %xor3A_477 = arith.xori %shift_left3A_474, %xor3A_476 : vector<16xi32>
      %bitcast3A_478 = vector.bitcast %xor3A_477 : vector<16xi32> to vector<16xf32>
      %mul3A_479 = arith.mulf %get3A_467, %bitcast3A_478 : vector<16xf32>
      %sub3A_480 = arith.constant 1.000000e+00 : f32
      %sub3A_481 = vector.broadcast %sub3A_480 : f32 to vector<16xf32>
      %sub3A_482 = arith.subf %sub3A_481, %mul3A_479 : vector<16xf32>
      %max3A_483 = arith.constant 0.000000e+00 : f32
      %max3A_484 = vector.broadcast %max3A_483 : f32 to vector<16xf32>
      %max3A_485 = arith.maximumf %sub3A_482, %max3A_484 : vector<16xf32>
      %bitcast3A_486 = vector.bitcast %max3A_485 : vector<16xf32> to vector<16xi32>
      %shift_right_logical3A_487 = arith.constant 16 : i32
      %shift_right_logical3A_488 = vector.broadcast %shift_right_logical3A_487 : i32 to vector<16xi32>
      %shift_right_logical3A_489 = arith.shrui %bitcast3A_486, %shift_right_logical3A_488 : vector<16xi32>
      %sub3A_490 = arith.constant 11904 : i32
      %sub3A_491 = vector.broadcast %sub3A_490 : i32 to vector<16xi32>
      %sub3A_492 = arith.subi %shift_right_logical3A_489, %sub3A_491 : vector<16xi32>
      %max3A_493 = arith.constant 0 : i32
      %max3A_494 = vector.broadcast %max3A_493 : i32 to vector<16xi32>
      %max3A_495 = arith.maxsi %sub3A_492, %max3A_494 : vector<16xi32>
      %min3A_496 = arith.constant 8191 : i32
      %min3A_497 = vector.broadcast %min3A_496 : i32 to vector<16xi32>
      %min3A_498 = arith.minsi %max3A_495, %min3A_497 : vector<16xi32>
      %sub3A_499 = arith.constant 8191 : i32
      %sub3A_500 = vector.broadcast %sub3A_499 : i32 to vector<16xi32>
      %sub3A_501 = arith.subi %sub3A_500, %min3A_498 : vector<16xi32>
      %shift_left3A_502 = arith.constant 13 : i32
      %shift_left3A_503 = vector.broadcast %shift_left3A_502 : i32 to vector<16xi32>
      %shift_left3A_504 = arith.shli %get3A_471, %shift_left3A_503 : vector<16xi32>
      %add3A_505 = arith.addi %sub3A_501, %shift_left3A_504 : vector<16xi32>
      %gt3A_506 = arith.constant 0.000000e+00 : f32
      %gt3A_507 = vector.broadcast %gt3A_506 : f32 to vector<16xf32>
      %gt3A_508 = arith.cmpf ogt, %sub3A_482, %gt3A_507 : vector<16xf32>
      tpu.vector_store_idx %arg8[%add3A_505], %broadcast_in_dim3A_33 masked %gt3A_508 {add = true} : memref<16384xf32, #tpu.memory_space<vmem>>[vector<16xi32>], vector<16xf32>, vector<16xi1>
      %add3A_509 = arith.addi %scan3A_414, %get3A_471 : vector<16xi32>
      %mul3A_510 = arith.constant 64 : i32
      %mul3A_511 = arith.muli %scan3A_412, %mul3A_510 : i32
      %add3A_512 = arith.constant 32 : i32
      %add3A_513 = arith.addi %mul3A_511, %add3A_512 : i32
      %get3A_514 = arith.constant 0 : i32
      %get3A_515 = arith.index_cast %get3A_514 : i32 to index
      %get3A_516 = arith.index_cast %add3A_513 : i32 to index
      %get3A_517 = tpu.vector_load %arg6[%get3A_515, %get3A_516] {strides = array<i32>} : memref<2x16384xf32, #tpu.memory_space<vmem>>, vector<16xf32>,
      %get3A_518 = arith.constant 0 : i32
      %get3A_519 = arith.index_cast %get3A_518 : i32 to index
      %get3A_520 = arith.index_cast %add3A_513 : i32 to index
      %get3A_521 = tpu.vector_load %arg7[%get3A_519, %get3A_520] {strides = array<i32>} : memref<2x16384xi32, #tpu.memory_space<vmem>>, vector<16xi32>,
      %shift_left3A_522 = arith.constant 31 : i32
      %shift_left3A_523 = vector.broadcast %shift_left3A_522 : i32 to vector<16xi32>
      %shift_left3A_524 = arith.shli %get3A_521, %shift_left3A_523 : vector<16xi32>
      %xor3A_525 = arith.constant -1082130432 : i32
      %xor3A_526 = vector.broadcast %xor3A_525 : i32 to vector<16xi32>
      %xor3A_527 = arith.xori %shift_left3A_524, %xor3A_526 : vector<16xi32>
      %bitcast3A_528 = vector.bitcast %xor3A_527 : vector<16xi32> to vector<16xf32>
      %mul3A_529 = arith.mulf %get3A_517, %bitcast3A_528 : vector<16xf32>
      %sub3A_530 = arith.constant 1.000000e+00 : f32
      %sub3A_531 = vector.broadcast %sub3A_530 : f32 to vector<16xf32>
      %sub3A_532 = arith.subf %sub3A_531, %mul3A_529 : vector<16xf32>
      %max3A_533 = arith.constant 0.000000e+00 : f32
      %max3A_534 = vector.broadcast %max3A_533 : f32 to vector<16xf32>
      %max3A_535 = arith.maximumf %sub3A_532, %max3A_534 : vector<16xf32>
      %bitcast3A_536 = vector.bitcast %max3A_535 : vector<16xf32> to vector<16xi32>
      %shift_right_logical3A_537 = arith.constant 16 : i32
      %shift_right_logical3A_538 = vector.broadcast %shift_right_logical3A_537 : i32 to vector<16xi32>
      %shift_right_logical3A_539 = arith.shrui %bitcast3A_536, %shift_right_logical3A_538 : vector<16xi32>
      %sub3A_540 = arith.constant 11904 : i32
      %sub3A_541 = vector.broadcast %sub3A_540 : i32 to vector<16xi32>
      %sub3A_542 = arith.subi %shift_right_logical3A_539, %sub3A_541 : vector<16xi32>
      %max3A_543 = arith.constant 0 : i32
      %max3A_544 = vector.broadcast %max3A_543 : i32 to vector<16xi32>
      %max3A_545 = arith.maxsi %sub3A_542, %max3A_544 : vector<16xi32>
      %min3A_546 = arith.constant 8191 : i32
      %min3A_547 = vector.broadcast %min3A_546 : i32 to vector<16xi32>
      %min3A_548 = arith.minsi %max3A_545, %min3A_547 : vector<16xi32>
      %sub3A_549 = arith.constant 8191 : i32
      %sub3A_550 = vector.broadcast %sub3A_549 : i32 to vector<16xi32>
      %sub3A_551 = arith.subi %sub3A_550, %min3A_548 : vector<16xi32>
      %shift_left3A_552 = arith.constant 13 : i32
      %shift_left3A_553 = vector.broadcast %shift_left3A_552 : i32 to vector<16xi32>
      %shift_left3A_554 = arith.shli %get3A_521, %shift_left3A_553 : vector<16xi32>
      %add3A_555 = arith.addi %sub3A_551, %shift_left3A_554 : vector<16xi32>
      %gt3A_556 = arith.constant 0.000000e+00 : f32
      %gt3A_557 = vector.broadcast %gt3A_556 : f32 to vector<16xf32>
      %gt3A_558 = arith.cmpf ogt, %sub3A_532, %gt3A_557 : vector<16xf32>
      tpu.vector_store_idx %arg8[%add3A_555], %broadcast_in_dim3A_33 masked %gt3A_558 {add = true} : memref<16384xf32, #tpu.memory_space<vmem>>[vector<16xi32>], vector<16xf32>, vector<16xi1>
      %add3A_559 = arith.addi %scan3A_415, %get3A_521 : vector<16xi32>
      %mul3A_560 = arith.constant 64 : i32
      %mul3A_561 = arith.muli %scan3A_412, %mul3A_560 : i32
      %add3A_562 = arith.constant 48 : i32
      %add3A_563 = arith.addi %mul3A_561, %add3A_562 : i32
      %get3A_564 = arith.constant 0 : i32
      %get3A_565 = arith.index_cast %get3A_564 : i32 to index
      %get3A_566 = arith.index_cast %add3A_563 : i32 to index
      %get3A_567 = tpu.vector_load %arg6[%get3A_565, %get3A_566] {strides = array<i32>} : memref<2x16384xf32, #tpu.memory_space<vmem>>, vector<16xf32>,
      %get3A_568 = arith.constant 0 : i32
      %get3A_569 = arith.index_cast %get3A_568 : i32 to index
      %get3A_570 = arith.index_cast %add3A_563 : i32 to index
      %get3A_571 = tpu.vector_load %arg7[%get3A_569, %get3A_570] {strides = array<i32>} : memref<2x16384xi32, #tpu.memory_space<vmem>>, vector<16xi32>,
      %shift_left3A_572 = arith.constant 31 : i32
      %shift_left3A_573 = vector.broadcast %shift_left3A_572 : i32 to vector<16xi32>
      %shift_left3A_574 = arith.shli %get3A_571, %shift_left3A_573 : vector<16xi32>
      %xor3A_575 = arith.constant -1082130432 : i32
      %xor3A_576 = vector.broadcast %xor3A_575 : i32 to vector<16xi32>
      %xor3A_577 = arith.xori %shift_left3A_574, %xor3A_576 : vector<16xi32>
      %bitcast3A_578 = vector.bitcast %xor3A_577 : vector<16xi32> to vector<16xf32>
      %mul3A_579 = arith.mulf %get3A_567, %bitcast3A_578 : vector<16xf32>
      %sub3A_580 = arith.constant 1.000000e+00 : f32
      %sub3A_581 = vector.broadcast %sub3A_580 : f32 to vector<16xf32>
      %sub3A_582 = arith.subf %sub3A_581, %mul3A_579 : vector<16xf32>
      %max3A_583 = arith.constant 0.000000e+00 : f32
      %max3A_584 = vector.broadcast %max3A_583 : f32 to vector<16xf32>
      %max3A_585 = arith.maximumf %sub3A_582, %max3A_584 : vector<16xf32>
      %bitcast3A_586 = vector.bitcast %max3A_585 : vector<16xf32> to vector<16xi32>
      %shift_right_logical3A_587 = arith.constant 16 : i32
      %shift_right_logical3A_588 = vector.broadcast %shift_right_logical3A_587 : i32 to vector<16xi32>
      %shift_right_logical3A_589 = arith.shrui %bitcast3A_586, %shift_right_logical3A_588 : vector<16xi32>
      %sub3A_590 = arith.constant 11904 : i32
      %sub3A_591 = vector.broadcast %sub3A_590 : i32 to vector<16xi32>
      %sub3A_592 = arith.subi %shift_right_logical3A_589, %sub3A_591 : vector<16xi32>
      %max3A_593 = arith.constant 0 : i32
      %max3A_594 = vector.broadcast %max3A_593 : i32 to vector<16xi32>
      %max3A_595 = arith.maxsi %sub3A_592, %max3A_594 : vector<16xi32>
      %min3A_596 = arith.constant 8191 : i32
      %min3A_597 = vector.broadcast %min3A_596 : i32 to vector<16xi32>
      %min3A_598 = arith.minsi %max3A_595, %min3A_597 : vector<16xi32>
      %sub3A_599 = arith.constant 8191 : i32
      %sub3A_600 = vector.broadcast %sub3A_599 : i32 to vector<16xi32>
      %sub3A_601 = arith.subi %sub3A_600, %min3A_598 : vector<16xi32>
      %shift_left3A_602 = arith.constant 13 : i32
      %shift_left3A_603 = vector.broadcast %shift_left3A_602 : i32 to vector<16xi32>
      %shift_left3A_604 = arith.shli %get3A_571, %shift_left3A_603 : vector<16xi32>
      %add3A_605 = arith.addi %sub3A_601, %shift_left3A_604 : vector<16xi32>
      %gt3A_606 = arith.constant 0.000000e+00 : f32
      %gt3A_607 = vector.broadcast %gt3A_606 : f32 to vector<16xf32>
      %gt3A_608 = arith.cmpf ogt, %sub3A_582, %gt3A_607 : vector<16xf32>
      tpu.vector_store_idx %arg8[%add3A_605], %broadcast_in_dim3A_33 masked %gt3A_608 {add = true} : memref<16384xf32, #tpu.memory_space<vmem>>[vector<16xi32>], vector<16xf32>, vector<16xi1>
      %add3A_609 = arith.addi %scan3A_416, %get3A_571 : vector<16xi32>
      scf.yield %add3A_459, %add3A_509, %add3A_559, %add3A_609 : vector<16xi32>, vector<16xi32>, vector<16xi32>, vector<16xi32>
    }
    %scan3A_236 = arith.constant 256 : i32
    %dma_wait3A_237 = arith.constant 1 : i32
    %dma_wait3A_238 = arith.constant 0 : i32
    %dma_wait3A_239 = tpu.memref_slice %arg6[%dma_wait3A_237, %dma_wait3A_238] : memref<2x16384xf32, #tpu.memory_space<vmem>> -> memref<1x16384xf32, #tpu.memory_space<vmem>>
    %dma_wait3A_240 = tpu.memref_squeeze %dma_wait3A_239 : memref<1x16384xf32, #tpu.memory_space<vmem>> -> memref<16384xf32, #tpu.memory_space<vmem>>
    %dma_wait3A_241 = tpu.memref_slice %arg2[%add3A, %add3A_186] : memref<8x262144xf32, #tpu.memory_space<hbm>> -> memref<1x16384xf32, #tpu.memory_space<hbm>>
    %dma_wait3A_242 = tpu.memref_squeeze %dma_wait3A_241 : memref<1x16384xf32, #tpu.memory_space<hbm>> -> memref<16384xf32, #tpu.memory_space<hbm>>
    %dma_wait3A_243 = arith.constant 0 : i32
    %dma_wait3A_244 = tpu.memref_slice %arg6[%dma_wait3A_237, %dma_wait3A_243] : memref<2x16384xf32, #tpu.memory_space<vmem>> -> memref<1x16384xf32, #tpu.memory_space<vmem>>
    %dma_wait3A_245 = tpu.memref_squeeze %dma_wait3A_244 : memref<1x16384xf32, #tpu.memory_space<vmem>> -> memref<16384xf32, #tpu.memory_space<vmem>>
    %dma_wait3A_246 = tpu.memref_slice %arg2[%add3A, %add3A_186] : memref<8x262144xf32, #tpu.memory_space<hbm>> -> memref<1x16384xf32, #tpu.memory_space<hbm>>
    %dma_wait3A_247 = tpu.memref_squeeze %dma_wait3A_246 : memref<1x16384xf32, #tpu.memory_space<hbm>> -> memref<16384xf32, #tpu.memory_space<hbm>>
    tpu.wait_dma2 semaphore(%arg15 : memref<!tpu.dma_semaphore, #tpu.memory_space<semaphore_mem>>) src(%dma_wait3A_247 : memref<16384xf32, #tpu.memory_space<hbm>>) dst(%dma_wait3A_245 : memref<16384xf32, #tpu.memory_space<vmem>>)
    %dma_wait3A_248 = arith.constant 1 : i32
    %dma_wait3A_249 = arith.constant 0 : i32
    %dma_wait3A_250 = tpu.memref_slice %arg7[%dma_wait3A_248, %dma_wait3A_249] : memref<2x16384xi32, #tpu.memory_space<vmem>> -> memref<1x16384xi32, #tpu.memory_space<vmem>>
    %dma_wait3A_251 = tpu.memref_squeeze %dma_wait3A_250 : memref<1x16384xi32, #tpu.memory_space<vmem>> -> memref<16384xi32, #tpu.memory_space<vmem>>
    %dma_wait3A_252 = tpu.memref_slice %arg3[%add3A, %add3A_186] : memref<8x262144xi32, #tpu.memory_space<hbm>> -> memref<1x16384xi32, #tpu.memory_space<hbm>>
    %dma_wait3A_253 = tpu.memref_squeeze %dma_wait3A_252 : memref<1x16384xi32, #tpu.memory_space<hbm>> -> memref<16384xi32, #tpu.memory_space<hbm>>
    %dma_wait3A_254 = arith.constant 0 : i32
    %dma_wait3A_255 = tpu.memref_slice %arg7[%dma_wait3A_248, %dma_wait3A_254] : memref<2x16384xi32, #tpu.memory_space<vmem>> -> memref<1x16384xi32, #tpu.memory_space<vmem>>
    %dma_wait3A_256 = tpu.memref_squeeze %dma_wait3A_255 : memref<1x16384xi32, #tpu.memory_space<vmem>> -> memref<16384xi32, #tpu.memory_space<vmem>>
    %dma_wait3A_257 = tpu.memref_slice %arg3[%add3A, %add3A_186] : memref<8x262144xi32, #tpu.memory_space<hbm>> -> memref<1x16384xi32, #tpu.memory_space<hbm>>
    %dma_wait3A_258 = tpu.memref_squeeze %dma_wait3A_257 : memref<1x16384xi32, #tpu.memory_space<hbm>> -> memref<16384xi32, #tpu.memory_space<hbm>>
    tpu.wait_dma2 semaphore(%arg15 : memref<!tpu.dma_semaphore, #tpu.memory_space<semaphore_mem>>) src(%dma_wait3A_258 : memref<16384xi32, #tpu.memory_space<hbm>>) dst(%dma_wait3A_256 : memref<16384xi32, #tpu.memory_space<vmem>>)
    %scan3A_259 = arith.constant 0 : i32
    %scan3A_260 = arith.constant 256 : i32
    %scan3A_261 = arith.addi %scan3A_259, %scan3A_260 : i32
    %scan3A_262 = arith.constant 1 : i32
    %scan3A_263:4 = scf.for %scan3A_412 = %scan3A_259 to %scan3A_261 step %scan3A_262 iter_args(%scan3A_413 = %scan3A_235#0, %scan3A_414 = %scan3A_235#1, %scan3A_415 = %scan3A_235#2, %scan3A_416 = %scan3A_235#3) -> (vector<16xi32>, vector<16xi32>, vector<16xi32>, vector<16xi32>)  : i32 {
      %mul3A_417 = arith.constant 64 : i32
      %mul3A_418 = arith.muli %scan3A_412, %mul3A_417 : i32
      %add3A_419 = arith.constant 0 : i32
      %add3A_420 = arith.addi %mul3A_418, %add3A_419 : i32
      %get3A_421 = arith.constant 1 : i32
      %get3A_422 = arith.index_cast %get3A_421 : i32 to index
      %get3A_423 = arith.index_cast %add3A_420 : i32 to index
      %get3A_424 = tpu.vector_load %arg6[%get3A_422, %get3A_423] {strides = array<i32>} : memref<2x16384xf32, #tpu.memory_space<vmem>>, vector<16xf32>,
      %get3A_425 = arith.constant 1 : i32
      %get3A_426 = arith.index_cast %get3A_425 : i32 to index
      %get3A_427 = arith.index_cast %add3A_420 : i32 to index
      %get3A_428 = tpu.vector_load %arg7[%get3A_426, %get3A_427] {strides = array<i32>} : memref<2x16384xi32, #tpu.memory_space<vmem>>, vector<16xi32>,
      %shift_left3A = arith.constant 31 : i32
      %shift_left3A_429 = vector.broadcast %shift_left3A : i32 to vector<16xi32>
      %shift_left3A_430 = arith.shli %get3A_428, %shift_left3A_429 : vector<16xi32>
      %xor3A = arith.constant -1082130432 : i32
      %xor3A_431 = vector.broadcast %xor3A : i32 to vector<16xi32>
      %xor3A_432 = arith.xori %shift_left3A_430, %xor3A_431 : vector<16xi32>
      %bitcast3A = vector.bitcast %xor3A_432 : vector<16xi32> to vector<16xf32>
      %mul3A_433 = arith.mulf %get3A_424, %bitcast3A : vector<16xf32>
      %sub3A_434 = arith.constant 1.000000e+00 : f32
      %sub3A_435 = vector.broadcast %sub3A_434 : f32 to vector<16xf32>
      %sub3A_436 = arith.subf %sub3A_435, %mul3A_433 : vector<16xf32>
      %max3A = arith.constant 0.000000e+00 : f32
      %max3A_437 = vector.broadcast %max3A : f32 to vector<16xf32>
      %max3A_438 = arith.maximumf %sub3A_436, %max3A_437 : vector<16xf32>
      %bitcast3A_439 = vector.bitcast %max3A_438 : vector<16xf32> to vector<16xi32>
      %shift_right_logical3A = arith.constant 16 : i32
      %shift_right_logical3A_440 = vector.broadcast %shift_right_logical3A : i32 to vector<16xi32>
      %shift_right_logical3A_441 = arith.shrui %bitcast3A_439, %shift_right_logical3A_440 : vector<16xi32>
      %sub3A_442 = arith.constant 11904 : i32
      %sub3A_443 = vector.broadcast %sub3A_442 : i32 to vector<16xi32>
      %sub3A_444 = arith.subi %shift_right_logical3A_441, %sub3A_443 : vector<16xi32>
      %max3A_445 = arith.constant 0 : i32
      %max3A_446 = vector.broadcast %max3A_445 : i32 to vector<16xi32>
      %max3A_447 = arith.maxsi %sub3A_444, %max3A_446 : vector<16xi32>
      %min3A = arith.constant 8191 : i32
      %min3A_448 = vector.broadcast %min3A : i32 to vector<16xi32>
      %min3A_449 = arith.minsi %max3A_447, %min3A_448 : vector<16xi32>
      %sub3A_450 = arith.constant 8191 : i32
      %sub3A_451 = vector.broadcast %sub3A_450 : i32 to vector<16xi32>
      %sub3A_452 = arith.subi %sub3A_451, %min3A_449 : vector<16xi32>
      %shift_left3A_453 = arith.constant 13 : i32
      %shift_left3A_454 = vector.broadcast %shift_left3A_453 : i32 to vector<16xi32>
      %shift_left3A_455 = arith.shli %get3A_428, %shift_left3A_454 : vector<16xi32>
      %add3A_456 = arith.addi %sub3A_452, %shift_left3A_455 : vector<16xi32>
      %gt3A = arith.constant 0.000000e+00 : f32
      %gt3A_457 = vector.broadcast %gt3A : f32 to vector<16xf32>
      %gt3A_458 = arith.cmpf ogt, %sub3A_436, %gt3A_457 : vector<16xf32>
      tpu.vector_store_idx %arg8[%add3A_456], %broadcast_in_dim3A_33 masked %gt3A_458 {add = true} : memref<16384xf32, #tpu.memory_space<vmem>>[vector<16xi32>], vector<16xf32>, vector<16xi1>
      %add3A_459 = arith.addi %scan3A_413, %get3A_428 : vector<16xi32>
      %mul3A_460 = arith.constant 64 : i32
      %mul3A_461 = arith.muli %scan3A_412, %mul3A_460 : i32
      %add3A_462 = arith.constant 16 : i32
      %add3A_463 = arith.addi %mul3A_461, %add3A_462 : i32
      %get3A_464 = arith.constant 1 : i32
      %get3A_465 = arith.index_cast %get3A_464 : i32 to index
      %get3A_466 = arith.index_cast %add3A_463 : i32 to index
      %get3A_467 = tpu.vector_load %arg6[%get3A_465, %get3A_466] {strides = array<i32>} : memref<2x16384xf32, #tpu.memory_space<vmem>>, vector<16xf32>,
      %get3A_468 = arith.constant 1 : i32
      %get3A_469 = arith.index_cast %get3A_468 : i32 to index
      %get3A_470 = arith.index_cast %add3A_463 : i32 to index
      %get3A_471 = tpu.vector_load %arg7[%get3A_469, %get3A_470] {strides = array<i32>} : memref<2x16384xi32, #tpu.memory_space<vmem>>, vector<16xi32>,
      %shift_left3A_472 = arith.constant 31 : i32
      %shift_left3A_473 = vector.broadcast %shift_left3A_472 : i32 to vector<16xi32>
      %shift_left3A_474 = arith.shli %get3A_471, %shift_left3A_473 : vector<16xi32>
      %xor3A_475 = arith.constant -1082130432 : i32
      %xor3A_476 = vector.broadcast %xor3A_475 : i32 to vector<16xi32>
      %xor3A_477 = arith.xori %shift_left3A_474, %xor3A_476 : vector<16xi32>
      %bitcast3A_478 = vector.bitcast %xor3A_477 : vector<16xi32> to vector<16xf32>
      %mul3A_479 = arith.mulf %get3A_467, %bitcast3A_478 : vector<16xf32>
      %sub3A_480 = arith.constant 1.000000e+00 : f32
      %sub3A_481 = vector.broadcast %sub3A_480 : f32 to vector<16xf32>
      %sub3A_482 = arith.subf %sub3A_481, %mul3A_479 : vector<16xf32>
      %max3A_483 = arith.constant 0.000000e+00 : f32
      %max3A_484 = vector.broadcast %max3A_483 : f32 to vector<16xf32>
      %max3A_485 = arith.maximumf %sub3A_482, %max3A_484 : vector<16xf32>
      %bitcast3A_486 = vector.bitcast %max3A_485 : vector<16xf32> to vector<16xi32>
      %shift_right_logical3A_487 = arith.constant 16 : i32
      %shift_right_logical3A_488 = vector.broadcast %shift_right_logical3A_487 : i32 to vector<16xi32>
      %shift_right_logical3A_489 = arith.shrui %bitcast3A_486, %shift_right_logical3A_488 : vector<16xi32>
      %sub3A_490 = arith.constant 11904 : i32
      %sub3A_491 = vector.broadcast %sub3A_490 : i32 to vector<16xi32>
      %sub3A_492 = arith.subi %shift_right_logical3A_489, %sub3A_491 : vector<16xi32>
      %max3A_493 = arith.constant 0 : i32
      %max3A_494 = vector.broadcast %max3A_493 : i32 to vector<16xi32>
      %max3A_495 = arith.maxsi %sub3A_492, %max3A_494 : vector<16xi32>
      %min3A_496 = arith.constant 8191 : i32
      %min3A_497 = vector.broadcast %min3A_496 : i32 to vector<16xi32>
      %min3A_498 = arith.minsi %max3A_495, %min3A_497 : vector<16xi32>
      %sub3A_499 = arith.constant 8191 : i32
      %sub3A_500 = vector.broadcast %sub3A_499 : i32 to vector<16xi32>
      %sub3A_501 = arith.subi %sub3A_500, %min3A_498 : vector<16xi32>
      %shift_left3A_502 = arith.constant 13 : i32
      %shift_left3A_503 = vector.broadcast %shift_left3A_502 : i32 to vector<16xi32>
      %shift_left3A_504 = arith.shli %get3A_471, %shift_left3A_503 : vector<16xi32>
      %add3A_505 = arith.addi %sub3A_501, %shift_left3A_504 : vector<16xi32>
      %gt3A_506 = arith.constant 0.000000e+00 : f32
      %gt3A_507 = vector.broadcast %gt3A_506 : f32 to vector<16xf32>
      %gt3A_508 = arith.cmpf ogt, %sub3A_482, %gt3A_507 : vector<16xf32>
      tpu.vector_store_idx %arg8[%add3A_505], %broadcast_in_dim3A_33 masked %gt3A_508 {add = true} : memref<16384xf32, #tpu.memory_space<vmem>>[vector<16xi32>], vector<16xf32>, vector<16xi1>
      %add3A_509 = arith.addi %scan3A_414, %get3A_471 : vector<16xi32>
      %mul3A_510 = arith.constant 64 : i32
      %mul3A_511 = arith.muli %scan3A_412, %mul3A_510 : i32
      %add3A_512 = arith.constant 32 : i32
      %add3A_513 = arith.addi %mul3A_511, %add3A_512 : i32
      %get3A_514 = arith.constant 1 : i32
      %get3A_515 = arith.index_cast %get3A_514 : i32 to index
      %get3A_516 = arith.index_cast %add3A_513 : i32 to index
      %get3A_517 = tpu.vector_load %arg6[%get3A_515, %get3A_516] {strides = array<i32>} : memref<2x16384xf32, #tpu.memory_space<vmem>>, vector<16xf32>,
      %get3A_518 = arith.constant 1 : i32
      %get3A_519 = arith.index_cast %get3A_518 : i32 to index
      %get3A_520 = arith.index_cast %add3A_513 : i32 to index
      %get3A_521 = tpu.vector_load %arg7[%get3A_519, %get3A_520] {strides = array<i32>} : memref<2x16384xi32, #tpu.memory_space<vmem>>, vector<16xi32>,
      %shift_left3A_522 = arith.constant 31 : i32
      %shift_left3A_523 = vector.broadcast %shift_left3A_522 : i32 to vector<16xi32>
      %shift_left3A_524 = arith.shli %get3A_521, %shift_left3A_523 : vector<16xi32>
      %xor3A_525 = arith.constant -1082130432 : i32
      %xor3A_526 = vector.broadcast %xor3A_525 : i32 to vector<16xi32>
      %xor3A_527 = arith.xori %shift_left3A_524, %xor3A_526 : vector<16xi32>
      %bitcast3A_528 = vector.bitcast %xor3A_527 : vector<16xi32> to vector<16xf32>
      %mul3A_529 = arith.mulf %get3A_517, %bitcast3A_528 : vector<16xf32>
      %sub3A_530 = arith.constant 1.000000e+00 : f32
      %sub3A_531 = vector.broadcast %sub3A_530 : f32 to vector<16xf32>
      %sub3A_532 = arith.subf %sub3A_531, %mul3A_529 : vector<16xf32>
      %max3A_533 = arith.constant 0.000000e+00 : f32
      %max3A_534 = vector.broadcast %max3A_533 : f32 to vector<16xf32>
      %max3A_535 = arith.maximumf %sub3A_532, %max3A_534 : vector<16xf32>
      %bitcast3A_536 = vector.bitcast %max3A_535 : vector<16xf32> to vector<16xi32>
      %shift_right_logical3A_537 = arith.constant 16 : i32
      %shift_right_logical3A_538 = vector.broadcast %shift_right_logical3A_537 : i32 to vector<16xi32>
      %shift_right_logical3A_539 = arith.shrui %bitcast3A_536, %shift_right_logical3A_538 : vector<16xi32>
      %sub3A_540 = arith.constant 11904 : i32
      %sub3A_541 = vector.broadcast %sub3A_540 : i32 to vector<16xi32>
      %sub3A_542 = arith.subi %shift_right_logical3A_539, %sub3A_541 : vector<16xi32>
      %max3A_543 = arith.constant 0 : i32
      %max3A_544 = vector.broadcast %max3A_543 : i32 to vector<16xi32>
      %max3A_545 = arith.maxsi %sub3A_542, %max3A_544 : vector<16xi32>
      %min3A_546 = arith.constant 8191 : i32
      %min3A_547 = vector.broadcast %min3A_546 : i32 to vector<16xi32>
      %min3A_548 = arith.minsi %max3A_545, %min3A_547 : vector<16xi32>
      %sub3A_549 = arith.constant 8191 : i32
      %sub3A_550 = vector.broadcast %sub3A_549 : i32 to vector<16xi32>
      %sub3A_551 = arith.subi %sub3A_550, %min3A_548 : vector<16xi32>
      %shift_left3A_552 = arith.constant 13 : i32
      %shift_left3A_553 = vector.broadcast %shift_left3A_552 : i32 to vector<16xi32>
      %shift_left3A_554 = arith.shli %get3A_521, %shift_left3A_553 : vector<16xi32>
      %add3A_555 = arith.addi %sub3A_551, %shift_left3A_554 : vector<16xi32>
      %gt3A_556 = arith.constant 0.000000e+00 : f32
      %gt3A_557 = vector.broadcast %gt3A_556 : f32 to vector<16xf32>
      %gt3A_558 = arith.cmpf ogt, %sub3A_532, %gt3A_557 : vector<16xf32>
      tpu.vector_store_idx %arg8[%add3A_555], %broadcast_in_dim3A_33 masked %gt3A_558 {add = true} : memref<16384xf32, #tpu.memory_space<vmem>>[vector<16xi32>], vector<16xf32>, vector<16xi1>
      %add3A_559 = arith.addi %scan3A_415, %get3A_521 : vector<16xi32>
      %mul3A_560 = arith.constant 64 : i32
      %mul3A_561 = arith.muli %scan3A_412, %mul3A_560 : i32
      %add3A_562 = arith.constant 48 : i32
      %add3A_563 = arith.addi %mul3A_561, %add3A_562 : i32
      %get3A_564 = arith.constant 1 : i32
      %get3A_565 = arith.index_cast %get3A_564 : i32 to index
      %get3A_566 = arith.index_cast %add3A_563 : i32 to index
      %get3A_567 = tpu.vector_load %arg6[%get3A_565, %get3A_566] {strides = array<i32>} : memref<2x16384xf32, #tpu.memory_space<vmem>>, vector<16xf32>,
      %get3A_568 = arith.constant 1 : i32
      %get3A_569 = arith.index_cast %get3A_568 : i32 to index
      %get3A_570 = arith.index_cast %add3A_563 : i32 to index
      %get3A_571 = tpu.vector_load %arg7[%get3A_569, %get3A_570] {strides = array<i32>} : memref<2x16384xi32, #tpu.memory_space<vmem>>, vector<16xi32>,
      %shift_left3A_572 = arith.constant 31 : i32
      %shift_left3A_573 = vector.broadcast %shift_left3A_572 : i32 to vector<16xi32>
      %shift_left3A_574 = arith.shli %get3A_571, %shift_left3A_573 : vector<16xi32>
      %xor3A_575 = arith.constant -1082130432 : i32
      %xor3A_576 = vector.broadcast %xor3A_575 : i32 to vector<16xi32>
      %xor3A_577 = arith.xori %shift_left3A_574, %xor3A_576 : vector<16xi32>
      %bitcast3A_578 = vector.bitcast %xor3A_577 : vector<16xi32> to vector<16xf32>
      %mul3A_579 = arith.mulf %get3A_567, %bitcast3A_578 : vector<16xf32>
      %sub3A_580 = arith.constant 1.000000e+00 : f32
      %sub3A_581 = vector.broadcast %sub3A_580 : f32 to vector<16xf32>
      %sub3A_582 = arith.subf %sub3A_581, %mul3A_579 : vector<16xf32>
      %max3A_583 = arith.constant 0.000000e+00 : f32
      %max3A_584 = vector.broadcast %max3A_583 : f32 to vector<16xf32>
      %max3A_585 = arith.maximumf %sub3A_582, %max3A_584 : vector<16xf32>
      %bitcast3A_586 = vector.bitcast %max3A_585 : vector<16xf32> to vector<16xi32>
      %shift_right_logical3A_587 = arith.constant 16 : i32
      %shift_right_logical3A_588 = vector.broadcast %shift_right_logical3A_587 : i32 to vector<16xi32>
      %shift_right_logical3A_589 = arith.shrui %bitcast3A_586, %shift_right_logical3A_588 : vector<16xi32>
      %sub3A_590 = arith.constant 11904 : i32
      %sub3A_591 = vector.broadcast %sub3A_590 : i32 to vector<16xi32>
      %sub3A_592 = arith.subi %shift_right_logical3A_589, %sub3A_591 : vector<16xi32>
      %max3A_593 = arith.constant 0 : i32
      %max3A_594 = vector.broadcast %max3A_593 : i32 to vector<16xi32>
      %max3A_595 = arith.maxsi %sub3A_592, %max3A_594 : vector<16xi32>
      %min3A_596 = arith.constant 8191 : i32
      %min3A_597 = vector.broadcast %min3A_596 : i32 to vector<16xi32>
      %min3A_598 = arith.minsi %max3A_595, %min3A_597 : vector<16xi32>
      %sub3A_599 = arith.constant 8191 : i32
      %sub3A_600 = vector.broadcast %sub3A_599 : i32 to vector<16xi32>
      %sub3A_601 = arith.subi %sub3A_600, %min3A_598 : vector<16xi32>
      %shift_left3A_602 = arith.constant 13 : i32
      %shift_left3A_603 = vector.broadcast %shift_left3A_602 : i32 to vector<16xi32>
      %shift_left3A_604 = arith.shli %get3A_571, %shift_left3A_603 : vector<16xi32>
      %add3A_605 = arith.addi %sub3A_601, %shift_left3A_604 : vector<16xi32>
      %gt3A_606 = arith.constant 0.000000e+00 : f32
      %gt3A_607 = vector.broadcast %gt3A_606 : f32 to vector<16xf32>
      %gt3A_608 = arith.cmpf ogt, %sub3A_582, %gt3A_607 : vector<16xf32>
      tpu.vector_store_idx %arg8[%add3A_605], %broadcast_in_dim3A_33 masked %gt3A_608 {add = true} : memref<16384xf32, #tpu.memory_space<vmem>>[vector<16xi32>], vector<16xf32>, vector<16xi1>
      %add3A_609 = arith.addi %scan3A_416, %get3A_571 : vector<16xi32>
      scf.yield %add3A_459, %add3A_509, %add3A_559, %add3A_609 : vector<16xi32>, vector<16xi32>, vector<16xi32>, vector<16xi32>
    }
    %scan3A_264 = arith.constant 256 : i32
    %add3A_265 = arith.addi %scan3A_263#0, %scan3A_263#1 : vector<16xi32>
    %add3A_266 = arith.addi %scan3A_263#2, %scan3A_263#3 : vector<16xi32>
    %add3A_267 = arith.addi %add3A_265, %add3A_266 : vector<16xi32>
    %reduce_sum3A = arith.constant true
    %reduce_sum3A_268 = vector.broadcast %reduce_sum3A : i1 to vector<16xi1>
    %reduce_sum3A_269 = tpu.scan <sum>, %add3A_267 masked %reduce_sum3A_268 : vector<16xi32>, vector<16xi1> -> vector<16xi32>
    %reduce_sum3A_270 = vector.extract %reduce_sum3A_269[15] : i32 from vector<16xi32>
    "tpu.region"() ({
      %run_scoped3A_412 = tpu.sem_alloc : memref<!tpu.dma_semaphore, #tpu.memory_space<semaphore_mem>>
      %dma_start3A_413 = arith.constant 0 : i32
      %dma_start3A_414 = tpu.memref_slice %arg5[%arg0, %arg1, %dma_start3A_413] : memref<2x16x16384xf32, #tpu.memory_space<hbm>> -> memref<1x1x16384xf32, #tpu.memory_space<hbm>>
      %dma_start3A_415 = tpu.memref_squeeze %dma_start3A_414 : memref<1x1x16384xf32, #tpu.memory_space<hbm>> -> memref<16384xf32, #tpu.memory_space<hbm>>
      %dma_start3A_416 = arith.constant 0 : i32
      %dma_start3A_417 = tpu.memref_slice %arg5[%arg0, %arg1, %dma_start3A_416] : memref<2x16x16384xf32, #tpu.memory_space<hbm>> -> memref<1x1x16384xf32, #tpu.memory_space<hbm>>
      %dma_start3A_418 = tpu.memref_squeeze %dma_start3A_417 : memref<1x1x16384xf32, #tpu.memory_space<hbm>> -> memref<16384xf32, #tpu.memory_space<hbm>>
      tpu.enqueue_dma source(%arg8 : memref<16384xf32, #tpu.memory_space<vmem>>) target(%dma_start3A_418 : memref<16384xf32, #tpu.memory_space<hbm>>) target_semaphore(%run_scoped3A_412 : memref<!tpu.dma_semaphore, #tpu.memory_space<semaphore_mem>>)
      %dma_wait3A_419 = arith.constant 0 : i32
      %dma_wait3A_420 = tpu.memref_slice %arg5[%arg0, %arg1, %dma_wait3A_419] : memref<2x16x16384xf32, #tpu.memory_space<hbm>> -> memref<1x1x16384xf32, #tpu.memory_space<hbm>>
      %dma_wait3A_421 = tpu.memref_squeeze %dma_wait3A_420 : memref<1x1x16384xf32, #tpu.memory_space<hbm>> -> memref<16384xf32, #tpu.memory_space<hbm>>
      %dma_wait3A_422 = arith.constant 0 : i32
      %dma_wait3A_423 = tpu.memref_slice %arg5[%arg0, %arg1, %dma_wait3A_422] : memref<2x16x16384xf32, #tpu.memory_space<hbm>> -> memref<1x1x16384xf32, #tpu.memory_space<hbm>>
      %dma_wait3A_424 = tpu.memref_squeeze %dma_wait3A_423 : memref<1x1x16384xf32, #tpu.memory_space<hbm>> -> memref<16384xf32, #tpu.memory_space<hbm>>
      tpu.wait_dma2 semaphore(%run_scoped3A_412 : memref<!tpu.dma_semaphore, #tpu.memory_space<semaphore_mem>>) src(%arg8 : memref<16384xf32, #tpu.memory_space<vmem>>) dst(%dma_wait3A_424 : memref<16384xf32, #tpu.memory_space<hbm>>)
      tpu.yield
    }) : () -> ()
    %barrier3A = arith.constant 0 : index
    tpu.barrier barrier_id(%barrier3A)
    %jit3A_271 = arith.constant 4 : i32
    %div3A_272 = arith.divsi %arg1, %jit3A_271 : i32
    %sign3A_273 = arith.constant 0 : i32
    %sign3A_274 = arith.cmpi sgt, %arg1, %sign3A_273 : i32
    %sign3A_275 = arith.extui %sign3A_274 : i1 to i32
    %sign3A_276 = arith.constant 0 : i32
    %sign3A_277 = arith.cmpi slt, %arg1, %sign3A_276 : i32
    %sign3A_278 = arith.extui %sign3A_277 : i1 to i32
    %sign3A_279 = arith.subi %sign3A_275, %sign3A_278 : i32
    %sign3A_280 = arith.constant 0 : i32
    %sign3A_281 = arith.cmpi sgt, %jit3A_271, %sign3A_280 : i32
    %sign3A_282 = arith.extui %sign3A_281 : i1 to i32
    %sign3A_283 = arith.constant 0 : i32
    %sign3A_284 = arith.cmpi slt, %jit3A_271, %sign3A_283 : i32
    %sign3A_285 = arith.extui %sign3A_284 : i1 to i32
    %sign3A_286 = arith.subi %sign3A_282, %sign3A_285 : i32
    %ne3A_287 = arith.cmpi ne, %sign3A_279, %sign3A_286 : i32
    %rem3A_288 = arith.remsi %arg1, %jit3A_271 : i32
    %ne3A_289 = arith.constant 0 : i32
    %ne3A_290 = arith.cmpi ne, %rem3A_288, %ne3A_289 : i32
    %and3A_291 = arith.andi %ne3A_287, %ne3A_290 : i1
    %sub3A_292 = arith.constant 1 : i32
    %sub3A_293 = arith.subi %div3A_272, %sub3A_292 : i32
    %select_n3A_294 = arith.select %and3A_291, %sub3A_293, %div3A_272 : i32
    %mul3A_295 = arith.constant 4 : i32
    %mul3A_296 = arith.muli %select_n3A_294, %mul3A_295 : i32
    %add3A_297 = arith.constant 0 : i32
    %add3A_298 = arith.addi %mul3A_296, %add3A_297 : i32
    %sc_fetch_and_add3A = arith.constant 0 : i32
    %sc_fetch_and_add3A_299 = tpu.fetch_and_add_sync %arg13[%sc_fetch_and_add3A], %reduce_sum3A_270, %add3A_298 : memref<4xi32, #tpu.memory_space<smem>>, i32 -> i32
    %add3A_300 = arith.constant 1 : i32
    %add3A_301 = arith.addi %mul3A_296, %add3A_300 : i32
    %sc_fetch_and_add3A_302 = arith.constant 0 : i32
    %sc_fetch_and_add3A_303 = tpu.fetch_and_add_sync %arg13[%sc_fetch_and_add3A_302], %reduce_sum3A_270, %add3A_301 : memref<4xi32, #tpu.memory_space<smem>>, i32 -> i32
    %add3A_304 = arith.constant 2 : i32
    %add3A_305 = arith.addi %mul3A_296, %add3A_304 : i32
    %sc_fetch_and_add3A_306 = arith.constant 0 : i32
    %sc_fetch_and_add3A_307 = tpu.fetch_and_add_sync %arg13[%sc_fetch_and_add3A_306], %reduce_sum3A_270, %add3A_305 : memref<4xi32, #tpu.memory_space<smem>>, i32 -> i32
    %add3A_308 = arith.constant 3 : i32
    %add3A_309 = arith.addi %mul3A_296, %add3A_308 : i32
    %sc_fetch_and_add3A_310 = arith.constant 0 : i32
    %sc_fetch_and_add3A_311 = tpu.fetch_and_add_sync %arg13[%sc_fetch_and_add3A_310], %reduce_sum3A_270, %add3A_309 : memref<4xi32, #tpu.memory_space<smem>>, i32 -> i32
    %mul3A_312 = arith.constant 2048 : i32
    %mul3A_313 = arith.muli %select_n3A_30, %mul3A_312 : i32
    "tpu.region"() ({
      %run_scoped3A_412 = tpu.sem_alloc : memref<!tpu.dma_semaphore, #tpu.memory_space<semaphore_mem>>
      %dma_start3A_413 = tpu.memref_slice %arg5[%arg0, %mul3A_296, %mul3A_313] : memref<2x16x16384xf32, #tpu.memory_space<hbm>> -> memref<1x1x2048xf32, #tpu.memory_space<hbm>>
      %dma_start3A_414 = tpu.memref_squeeze %dma_start3A_413 : memref<1x1x2048xf32, #tpu.memory_space<hbm>> -> memref<2048xf32, #tpu.memory_space<hbm>>
      %dma_start3A_415 = tpu.memref_slice %arg5[%arg0, %mul3A_296, %mul3A_313] : memref<2x16x16384xf32, #tpu.memory_space<hbm>> -> memref<1x1x2048xf32, #tpu.memory_space<hbm>>
      %dma_start3A_416 = tpu.memref_squeeze %dma_start3A_415 : memref<1x1x2048xf32, #tpu.memory_space<hbm>> -> memref<2048xf32, #tpu.memory_space<hbm>>
      tpu.enqueue_dma source(%dma_start3A_416 : memref<2048xf32, #tpu.memory_space<hbm>>) target(%arg9 : memref<2048xf32, #tpu.memory_space<vmem>>) target_semaphore(%run_scoped3A_412 : memref<!tpu.dma_semaphore, #tpu.memory_space<semaphore_mem>>)
      %dma_wait3A_417 = tpu.memref_slice %arg5[%arg0, %mul3A_296, %mul3A_313] : memref<2x16x16384xf32, #tpu.memory_space<hbm>> -> memref<1x1x2048xf32, #tpu.memory_space<hbm>>
      %dma_wait3A_418 = tpu.memref_squeeze %dma_wait3A_417 : memref<1x1x2048xf32, #tpu.memory_space<hbm>> -> memref<2048xf32, #tpu.memory_space<hbm>>
      %dma_wait3A_419 = tpu.memref_slice %arg5[%arg0, %mul3A_296, %mul3A_313] : memref<2x16x16384xf32, #tpu.memory_space<hbm>> -> memref<1x1x2048xf32, #tpu.memory_space<hbm>>
      %dma_wait3A_420 = tpu.memref_squeeze %dma_wait3A_419 : memref<1x1x2048xf32, #tpu.memory_space<hbm>> -> memref<2048xf32, #tpu.memory_space<hbm>>
      tpu.wait_dma2 semaphore(%run_scoped3A_412 : memref<!tpu.dma_semaphore, #tpu.memory_space<semaphore_mem>>) src(%dma_wait3A_420 : memref<2048xf32, #tpu.memory_space<hbm>>) dst(%arg9 : memref<2048xf32, #tpu.memory_space<vmem>>)
      tpu.yield
    }) : () -> ()
    %add3A_314 = arith.constant 8192 : i32
    %add3A_315 = arith.addi %add3A_314, %mul3A_313 : i32
    "tpu.region"() ({
      %run_scoped3A_412 = tpu.sem_alloc : memref<!tpu.dma_semaphore, #tpu.memory_space<semaphore_mem>>
      %dma_start3A_413 = tpu.memref_slice %arg5[%arg0, %mul3A_296, %add3A_315] : memref<2x16x16384xf32, #tpu.memory_space<hbm>> -> memref<1x1x2048xf32, #tpu.memory_space<hbm>>
      %dma_start3A_414 = tpu.memref_squeeze %dma_start3A_413 : memref<1x1x2048xf32, #tpu.memory_space<hbm>> -> memref<2048xf32, #tpu.memory_space<hbm>>
      %dma_start3A_415 = tpu.memref_slice %arg5[%arg0, %mul3A_296, %add3A_315] : memref<2x16x16384xf32, #tpu.memory_space<hbm>> -> memref<1x1x2048xf32, #tpu.memory_space<hbm>>
      %dma_start3A_416 = tpu.memref_squeeze %dma_start3A_415 : memref<1x1x2048xf32, #tpu.memory_space<hbm>> -> memref<2048xf32, #tpu.memory_space<hbm>>
      tpu.enqueue_dma source(%dma_start3A_416 : memref<2048xf32, #tpu.memory_space<hbm>>) target(%arg10 : memref<2048xf32, #tpu.memory_space<vmem>>) target_semaphore(%run_scoped3A_412 : memref<!tpu.dma_semaphore, #tpu.memory_space<semaphore_mem>>)
      %dma_wait3A_417 = tpu.memref_slice %arg5[%arg0, %mul3A_296, %add3A_315] : memref<2x16x16384xf32, #tpu.memory_space<hbm>> -> memref<1x1x2048xf32, #tpu.memory_space<hbm>>
      %dma_wait3A_418 = tpu.memref_squeeze %dma_wait3A_417 : memref<1x1x2048xf32, #tpu.memory_space<hbm>> -> memref<2048xf32, #tpu.memory_space<hbm>>
      %dma_wait3A_419 = tpu.memref_slice %arg5[%arg0, %mul3A_296, %add3A_315] : memref<2x16x16384xf32, #tpu.memory_space<hbm>> -> memref<1x1x2048xf32, #tpu.memory_space<hbm>>
      %dma_wait3A_420 = tpu.memref_squeeze %dma_wait3A_419 : memref<1x1x2048xf32, #tpu.memory_space<hbm>> -> memref<2048xf32, #tpu.memory_space<hbm>>
      tpu.wait_dma2 semaphore(%run_scoped3A_412 : memref<!tpu.dma_semaphore, #tpu.memory_space<semaphore_mem>>) src(%dma_wait3A_420 : memref<2048xf32, #tpu.memory_space<hbm>>) dst(%arg10 : memref<2048xf32, #tpu.memory_space<vmem>>)
      tpu.yield
    }) : () -> ()
    %add3A_316 = arith.constant 1 : i32
    %add3A_317 = arith.addi %mul3A_296, %add3A_316 : i32
    %run_scoped3A = arith.constant 0 : i32
    "tpu.region"() ({
      %run_scoped3A_412 = tpu.sem_alloc : memref<!tpu.dma_semaphore, #tpu.memory_space<semaphore_mem>>
      %dma_start3A_413 = arith.constant 0 : i32
      %dma_start3A_414 = tpu.memref_slice %arg11[%run_scoped3A, %dma_start3A_413] : memref<6x2048xf32, #tpu.memory_space<vmem>> -> memref<1x2048xf32, #tpu.memory_space<vmem>>
      %dma_start3A_415 = tpu.memref_squeeze %dma_start3A_414 : memref<1x2048xf32, #tpu.memory_space<vmem>> -> memref<2048xf32, #tpu.memory_space<vmem>>
      %dma_start3A_416 = tpu.memref_slice %arg5[%arg0, %add3A_317, %mul3A_313] : memref<2x16x16384xf32, #tpu.memory_space<hbm>> -> memref<1x1x2048xf32, #tpu.memory_space<hbm>>
      %dma_start3A_417 = tpu.memref_squeeze %dma_start3A_416 : memref<1x1x2048xf32, #tpu.memory_space<hbm>> -> memref<2048xf32, #tpu.memory_space<hbm>>
      %dma_start3A_418 = arith.constant 0 : i32
      %dma_start3A_419 = tpu.memref_slice %arg11[%run_scoped3A, %dma_start3A_418] : memref<6x2048xf32, #tpu.memory_space<vmem>> -> memref<1x2048xf32, #tpu.memory_space<vmem>>
      %dma_start3A_420 = tpu.memref_squeeze %dma_start3A_419 : memref<1x2048xf32, #tpu.memory_space<vmem>> -> memref<2048xf32, #tpu.memory_space<vmem>>
      %dma_start3A_421 = tpu.memref_slice %arg5[%arg0, %add3A_317, %mul3A_313] : memref<2x16x16384xf32, #tpu.memory_space<hbm>> -> memref<1x1x2048xf32, #tpu.memory_space<hbm>>
      %dma_start3A_422 = tpu.memref_squeeze %dma_start3A_421 : memref<1x1x2048xf32, #tpu.memory_space<hbm>> -> memref<2048xf32, #tpu.memory_space<hbm>>
      tpu.enqueue_dma source(%dma_start3A_422 : memref<2048xf32, #tpu.memory_space<hbm>>) target(%dma_start3A_420 : memref<2048xf32, #tpu.memory_space<vmem>>) target_semaphore(%run_scoped3A_412 : memref<!tpu.dma_semaphore, #tpu.memory_space<semaphore_mem>>)
      %dma_wait3A_423 = arith.constant 0 : i32
      %dma_wait3A_424 = tpu.memref_slice %arg11[%run_scoped3A, %dma_wait3A_423] : memref<6x2048xf32, #tpu.memory_space<vmem>> -> memref<1x2048xf32, #tpu.memory_space<vmem>>
      %dma_wait3A_425 = tpu.memref_squeeze %dma_wait3A_424 : memref<1x2048xf32, #tpu.memory_space<vmem>> -> memref<2048xf32, #tpu.memory_space<vmem>>
      %dma_wait3A_426 = tpu.memref_slice %arg5[%arg0, %add3A_317, %mul3A_313] : memref<2x16x16384xf32, #tpu.memory_space<hbm>> -> memref<1x1x2048xf32, #tpu.memory_space<hbm>>
      %dma_wait3A_427 = tpu.memref_squeeze %dma_wait3A_426 : memref<1x1x2048xf32, #tpu.memory_space<hbm>> -> memref<2048xf32, #tpu.memory_space<hbm>>
      %dma_wait3A_428 = arith.constant 0 : i32
      %dma_wait3A_429 = tpu.memref_slice %arg11[%run_scoped3A, %dma_wait3A_428] : memref<6x2048xf32, #tpu.memory_space<vmem>> -> memref<1x2048xf32, #tpu.memory_space<vmem>>
      %dma_wait3A_430 = tpu.memref_squeeze %dma_wait3A_429 : memref<1x2048xf32, #tpu.memory_space<vmem>> -> memref<2048xf32, #tpu.memory_space<vmem>>
      %dma_wait3A_431 = tpu.memref_slice %arg5[%arg0, %add3A_317, %mul3A_313] : memref<2x16x16384xf32, #tpu.memory_space<hbm>> -> memref<1x1x2048xf32, #tpu.memory_space<hbm>>
      %dma_wait3A_432 = tpu.memref_squeeze %dma_wait3A_431 : memref<1x1x2048xf32, #tpu.memory_space<hbm>> -> memref<2048xf32, #tpu.memory_space<hbm>>
      tpu.wait_dma2 semaphore(%run_scoped3A_412 : memref<!tpu.dma_semaphore, #tpu.memory_space<semaphore_mem>>) src(%dma_wait3A_432 : memref<2048xf32, #tpu.memory_space<hbm>>) dst(%dma_wait3A_430 : memref<2048xf32, #tpu.memory_space<vmem>>)
      tpu.yield
    }) : () -> ()
    %add3A_318 = arith.constant 1 : i32
    %add3A_319 = arith.addi %mul3A_296, %add3A_318 : i32
    %add3A_320 = arith.constant 8192 : i32
    %add3A_321 = arith.addi %add3A_320, %mul3A_313 : i32
    %run_scoped3A_322 = arith.constant 3 : i32
    "tpu.region"() ({
      %run_scoped3A_412 = tpu.sem_alloc : memref<!tpu.dma_semaphore, #tpu.memory_space<semaphore_mem>>
      %dma_start3A_413 = arith.constant 0 : i32
      %dma_start3A_414 = tpu.memref_slice %arg11[%run_scoped3A_322, %dma_start3A_413] : memref<6x2048xf32, #tpu.memory_space<vmem>> -> memref<1x2048xf32, #tpu.memory_space<vmem>>
      %dma_start3A_415 = tpu.memref_squeeze %dma_start3A_414 : memref<1x2048xf32, #tpu.memory_space<vmem>> -> memref<2048xf32, #tpu.memory_space<vmem>>
      %dma_start3A_416 = tpu.memref_slice %arg5[%arg0, %add3A_319, %add3A_321] : memref<2x16x16384xf32, #tpu.memory_space<hbm>> -> memref<1x1x2048xf32, #tpu.memory_space<hbm>>
      %dma_start3A_417 = tpu.memref_squeeze %dma_start3A_416 : memref<1x1x2048xf32, #tpu.memory_space<hbm>> -> memref<2048xf32, #tpu.memory_space<hbm>>
      %dma_start3A_418 = arith.constant 0 : i32
      %dma_start3A_419 = tpu.memref_slice %arg11[%run_scoped3A_322, %dma_start3A_418] : memref<6x2048xf32, #tpu.memory_space<vmem>> -> memref<1x2048xf32, #tpu.memory_space<vmem>>
      %dma_start3A_420 = tpu.memref_squeeze %dma_start3A_419 : memref<1x2048xf32, #tpu.memory_space<vmem>> -> memref<2048xf32, #tpu.memory_space<vmem>>
      %dma_start3A_421 = tpu.memref_slice %arg5[%arg0, %add3A_319, %add3A_321] : memref<2x16x16384xf32, #tpu.memory_space<hbm>> -> memref<1x1x2048xf32, #tpu.memory_space<hbm>>
      %dma_start3A_422 = tpu.memref_squeeze %dma_start3A_421 : memref<1x1x2048xf32, #tpu.memory_space<hbm>> -> memref<2048xf32, #tpu.memory_space<hbm>>
      tpu.enqueue_dma source(%dma_start3A_422 : memref<2048xf32, #tpu.memory_space<hbm>>) target(%dma_start3A_420 : memref<2048xf32, #tpu.memory_space<vmem>>) target_semaphore(%run_scoped3A_412 : memref<!tpu.dma_semaphore, #tpu.memory_space<semaphore_mem>>)
      %dma_wait3A_423 = arith.constant 0 : i32
      %dma_wait3A_424 = tpu.memref_slice %arg11[%run_scoped3A_322, %dma_wait3A_423] : memref<6x2048xf32, #tpu.memory_space<vmem>> -> memref<1x2048xf32, #tpu.memory_space<vmem>>
      %dma_wait3A_425 = tpu.memref_squeeze %dma_wait3A_424 : memref<1x2048xf32, #tpu.memory_space<vmem>> -> memref<2048xf32, #tpu.memory_space<vmem>>
      %dma_wait3A_426 = tpu.memref_slice %arg5[%arg0, %add3A_319, %add3A_321] : memref<2x16x16384xf32, #tpu.memory_space<hbm>> -> memref<1x1x2048xf32, #tpu.memory_space<hbm>>
      %dma_wait3A_427 = tpu.memref_squeeze %dma_wait3A_426 : memref<1x1x2048xf32, #tpu.memory_space<hbm>> -> memref<2048xf32, #tpu.memory_space<hbm>>
      %dma_wait3A_428 = arith.constant 0 : i32
      %dma_wait3A_429 = tpu.memref_slice %arg11[%run_scoped3A_322, %dma_wait3A_428] : memref<6x2048xf32, #tpu.memory_space<vmem>> -> memref<1x2048xf32, #tpu.memory_space<vmem>>
      %dma_wait3A_430 = tpu.memref_squeeze %dma_wait3A_429 : memref<1x2048xf32, #tpu.memory_space<vmem>> -> memref<2048xf32, #tpu.memory_space<vmem>>
      %dma_wait3A_431 = tpu.memref_slice %arg5[%arg0, %add3A_319, %add3A_321] : memref<2x16x16384xf32, #tpu.memory_space<hbm>> -> memref<1x1x2048xf32, #tpu.memory_space<hbm>>
      %dma_wait3A_432 = tpu.memref_squeeze %dma_wait3A_431 : memref<1x1x2048xf32, #tpu.memory_space<hbm>> -> memref<2048xf32, #tpu.memory_space<hbm>>
      tpu.wait_dma2 semaphore(%run_scoped3A_412 : memref<!tpu.dma_semaphore, #tpu.memory_space<semaphore_mem>>) src(%dma_wait3A_432 : memref<2048xf32, #tpu.memory_space<hbm>>) dst(%dma_wait3A_430 : memref<2048xf32, #tpu.memory_space<vmem>>)
      tpu.yield
    }) : () -> ()
    %add3A_323 = arith.constant 2 : i32
    %add3A_324 = arith.addi %mul3A_296, %add3A_323 : i32
    %run_scoped3A_325 = arith.constant 1 : i32
    "tpu.region"() ({
      %run_scoped3A_412 = tpu.sem_alloc : memref<!tpu.dma_semaphore, #tpu.memory_space<semaphore_mem>>
      %dma_start3A_413 = arith.constant 0 : i32
      %dma_start3A_414 = tpu.memref_slice %arg11[%run_scoped3A_325, %dma_start3A_413] : memref<6x2048xf32, #tpu.memory_space<vmem>> -> memref<1x2048xf32, #tpu.memory_space<vmem>>
      %dma_start3A_415 = tpu.memref_squeeze %dma_start3A_414 : memref<1x2048xf32, #tpu.memory_space<vmem>> -> memref<2048xf32, #tpu.memory_space<vmem>>
      %dma_start3A_416 = tpu.memref_slice %arg5[%arg0, %add3A_324, %mul3A_313] : memref<2x16x16384xf32, #tpu.memory_space<hbm>> -> memref<1x1x2048xf32, #tpu.memory_space<hbm>>
      %dma_start3A_417 = tpu.memref_squeeze %dma_start3A_416 : memref<1x1x2048xf32, #tpu.memory_space<hbm>> -> memref<2048xf32, #tpu.memory_space<hbm>>
      %dma_start3A_418 = arith.constant 0 : i32
      %dma_start3A_419 = tpu.memref_slice %arg11[%run_scoped3A_325, %dma_start3A_418] : memref<6x2048xf32, #tpu.memory_space<vmem>> -> memref<1x2048xf32, #tpu.memory_space<vmem>>
      %dma_start3A_420 = tpu.memref_squeeze %dma_start3A_419 : memref<1x2048xf32, #tpu.memory_space<vmem>> -> memref<2048xf32, #tpu.memory_space<vmem>>
      %dma_start3A_421 = tpu.memref_slice %arg5[%arg0, %add3A_324, %mul3A_313] : memref<2x16x16384xf32, #tpu.memory_space<hbm>> -> memref<1x1x2048xf32, #tpu.memory_space<hbm>>
      %dma_start3A_422 = tpu.memref_squeeze %dma_start3A_421 : memref<1x1x2048xf32, #tpu.memory_space<hbm>> -> memref<2048xf32, #tpu.memory_space<hbm>>
      tpu.enqueue_dma source(%dma_start3A_422 : memref<2048xf32, #tpu.memory_space<hbm>>) target(%dma_start3A_420 : memref<2048xf32, #tpu.memory_space<vmem>>) target_semaphore(%run_scoped3A_412 : memref<!tpu.dma_semaphore, #tpu.memory_space<semaphore_mem>>)
      %dma_wait3A_423 = arith.constant 0 : i32
      %dma_wait3A_424 = tpu.memref_slice %arg11[%run_scoped3A_325, %dma_wait3A_423] : memref<6x2048xf32, #tpu.memory_space<vmem>> -> memref<1x2048xf32, #tpu.memory_space<vmem>>
      %dma_wait3A_425 = tpu.memref_squeeze %dma_wait3A_424 : memref<1x2048xf32, #tpu.memory_space<vmem>> -> memref<2048xf32, #tpu.memory_space<vmem>>
      %dma_wait3A_426 = tpu.memref_slice %arg5[%arg0, %add3A_324, %mul3A_313] : memref<2x16x16384xf32, #tpu.memory_space<hbm>> -> memref<1x1x2048xf32, #tpu.memory_space<hbm>>
      %dma_wait3A_427 = tpu.memref_squeeze %dma_wait3A_426 : memref<1x1x2048xf32, #tpu.memory_space<hbm>> -> memref<2048xf32, #tpu.memory_space<hbm>>
      %dma_wait3A_428 = arith.constant 0 : i32
      %dma_wait3A_429 = tpu.memref_slice %arg11[%run_scoped3A_325, %dma_wait3A_428] : memref<6x2048xf32, #tpu.memory_space<vmem>> -> memref<1x2048xf32, #tpu.memory_space<vmem>>
      %dma_wait3A_430 = tpu.memref_squeeze %dma_wait3A_429 : memref<1x2048xf32, #tpu.memory_space<vmem>> -> memref<2048xf32, #tpu.memory_space<vmem>>
      %dma_wait3A_431 = tpu.memref_slice %arg5[%arg0, %add3A_324, %mul3A_313] : memref<2x16x16384xf32, #tpu.memory_space<hbm>> -> memref<1x1x2048xf32, #tpu.memory_space<hbm>>
      %dma_wait3A_432 = tpu.memref_squeeze %dma_wait3A_431 : memref<1x1x2048xf32, #tpu.memory_space<hbm>> -> memref<2048xf32, #tpu.memory_space<hbm>>
      tpu.wait_dma2 semaphore(%run_scoped3A_412 : memref<!tpu.dma_semaphore, #tpu.memory_space<semaphore_mem>>) src(%dma_wait3A_432 : memref<2048xf32, #tpu.memory_space<hbm>>) dst(%dma_wait3A_430 : memref<2048xf32, #tpu.memory_space<vmem>>)
      tpu.yield
    }) : () -> ()
    %add3A_326 = arith.constant 2 : i32
    %add3A_327 = arith.addi %mul3A_296, %add3A_326 : i32
    %add3A_328 = arith.constant 8192 : i32
    %add3A_329 = arith.addi %add3A_328, %mul3A_313 : i32
    %run_scoped3A_330 = arith.constant 4 : i32
    "tpu.region"() ({
      %run_scoped3A_412 = tpu.sem_alloc : memref<!tpu.dma_semaphore, #tpu.memory_space<semaphore_mem>>
      %dma_start3A_413 = arith.constant 0 : i32
      %dma_start3A_414 = tpu.memref_slice %arg11[%run_scoped3A_330, %dma_start3A_413] : memref<6x2048xf32, #tpu.memory_space<vmem>> -> memref<1x2048xf32, #tpu.memory_space<vmem>>
      %dma_start3A_415 = tpu.memref_squeeze %dma_start3A_414 : memref<1x2048xf32, #tpu.memory_space<vmem>> -> memref<2048xf32, #tpu.memory_space<vmem>>
      %dma_start3A_416 = tpu.memref_slice %arg5[%arg0, %add3A_327, %add3A_329] : memref<2x16x16384xf32, #tpu.memory_space<hbm>> -> memref<1x1x2048xf32, #tpu.memory_space<hbm>>
      %dma_start3A_417 = tpu.memref_squeeze %dma_start3A_416 : memref<1x1x2048xf32, #tpu.memory_space<hbm>> -> memref<2048xf32, #tpu.memory_space<hbm>>
      %dma_start3A_418 = arith.constant 0 : i32
      %dma_start3A_419 = tpu.memref_slice %arg11[%run_scoped3A_330, %dma_start3A_418] : memref<6x2048xf32, #tpu.memory_space<vmem>> -> memref<1x2048xf32, #tpu.memory_space<vmem>>
      %dma_start3A_420 = tpu.memref_squeeze %dma_start3A_419 : memref<1x2048xf32, #tpu.memory_space<vmem>> -> memref<2048xf32, #tpu.memory_space<vmem>>
      %dma_start3A_421 = tpu.memref_slice %arg5[%arg0, %add3A_327, %add3A_329] : memref<2x16x16384xf32, #tpu.memory_space<hbm>> -> memref<1x1x2048xf32, #tpu.memory_space<hbm>>
      %dma_start3A_422 = tpu.memref_squeeze %dma_start3A_421 : memref<1x1x2048xf32, #tpu.memory_space<hbm>> -> memref<2048xf32, #tpu.memory_space<hbm>>
      tpu.enqueue_dma source(%dma_start3A_422 : memref<2048xf32, #tpu.memory_space<hbm>>) target(%dma_start3A_420 : memref<2048xf32, #tpu.memory_space<vmem>>) target_semaphore(%run_scoped3A_412 : memref<!tpu.dma_semaphore, #tpu.memory_space<semaphore_mem>>)
      %dma_wait3A_423 = arith.constant 0 : i32
      %dma_wait3A_424 = tpu.memref_slice %arg11[%run_scoped3A_330, %dma_wait3A_423] : memref<6x2048xf32, #tpu.memory_space<vmem>> -> memref<1x2048xf32, #tpu.memory_space<vmem>>
      %dma_wait3A_425 = tpu.memref_squeeze %dma_wait3A_424 : memref<1x2048xf32, #tpu.memory_space<vmem>> -> memref<2048xf32, #tpu.memory_space<vmem>>
      %dma_wait3A_426 = tpu.memref_slice %arg5[%arg0, %add3A_327, %add3A_329] : memref<2x16x16384xf32, #tpu.memory_space<hbm>> -> memref<1x1x2048xf32, #tpu.memory_space<hbm>>
      %dma_wait3A_427 = tpu.memref_squeeze %dma_wait3A_426 : memref<1x1x2048xf32, #tpu.memory_space<hbm>> -> memref<2048xf32, #tpu.memory_space<hbm>>
      %dma_wait3A_428 = arith.constant 0 : i32
      %dma_wait3A_429 = tpu.memref_slice %arg11[%run_scoped3A_330, %dma_wait3A_428] : memref<6x2048xf32, #tpu.memory_space<vmem>> -> memref<1x2048xf32, #tpu.memory_space<vmem>>
      %dma_wait3A_430 = tpu.memref_squeeze %dma_wait3A_429 : memref<1x2048xf32, #tpu.memory_space<vmem>> -> memref<2048xf32, #tpu.memory_space<vmem>>
      %dma_wait3A_431 = tpu.memref_slice %arg5[%arg0, %add3A_327, %add3A_329] : memref<2x16x16384xf32, #tpu.memory_space<hbm>> -> memref<1x1x2048xf32, #tpu.memory_space<hbm>>
      %dma_wait3A_432 = tpu.memref_squeeze %dma_wait3A_431 : memref<1x1x2048xf32, #tpu.memory_space<hbm>> -> memref<2048xf32, #tpu.memory_space<hbm>>
      tpu.wait_dma2 semaphore(%run_scoped3A_412 : memref<!tpu.dma_semaphore, #tpu.memory_space<semaphore_mem>>) src(%dma_wait3A_432 : memref<2048xf32, #tpu.memory_space<hbm>>) dst(%dma_wait3A_430 : memref<2048xf32, #tpu.memory_space<vmem>>)
      tpu.yield
    }) : () -> ()
    %add3A_331 = arith.constant 3 : i32
    %add3A_332 = arith.addi %mul3A_296, %add3A_331 : i32
    %run_scoped3A_333 = arith.constant 2 : i32
    "tpu.region"() ({
      %run_scoped3A_412 = tpu.sem_alloc : memref<!tpu.dma_semaphore, #tpu.memory_space<semaphore_mem>>
      %dma_start3A_413 = arith.constant 0 : i32
      %dma_start3A_414 = tpu.memref_slice %arg11[%run_scoped3A_333, %dma_start3A_413] : memref<6x2048xf32, #tpu.memory_space<vmem>> -> memref<1x2048xf32, #tpu.memory_space<vmem>>
      %dma_start3A_415 = tpu.memref_squeeze %dma_start3A_414 : memref<1x2048xf32, #tpu.memory_space<vmem>> -> memref<2048xf32, #tpu.memory_space<vmem>>
      %dma_start3A_416 = tpu.memref_slice %arg5[%arg0, %add3A_332, %mul3A_313] : memref<2x16x16384xf32, #tpu.memory_space<hbm>> -> memref<1x1x2048xf32, #tpu.memory_space<hbm>>
      %dma_start3A_417 = tpu.memref_squeeze %dma_start3A_416 : memref<1x1x2048xf32, #tpu.memory_space<hbm>> -> memref<2048xf32, #tpu.memory_space<hbm>>
      %dma_start3A_418 = arith.constant 0 : i32
      %dma_start3A_419 = tpu.memref_slice %arg11[%run_scoped3A_333, %dma_start3A_418] : memref<6x2048xf32, #tpu.memory_space<vmem>> -> memref<1x2048xf32, #tpu.memory_space<vmem>>
      %dma_start3A_420 = tpu.memref_squeeze %dma_start3A_419 : memref<1x2048xf32, #tpu.memory_space<vmem>> -> memref<2048xf32, #tpu.memory_space<vmem>>
      %dma_start3A_421 = tpu.memref_slice %arg5[%arg0, %add3A_332, %mul3A_313] : memref<2x16x16384xf32, #tpu.memory_space<hbm>> -> memref<1x1x2048xf32, #tpu.memory_space<hbm>>
      %dma_start3A_422 = tpu.memref_squeeze %dma_start3A_421 : memref<1x1x2048xf32, #tpu.memory_space<hbm>> -> memref<2048xf32, #tpu.memory_space<hbm>>
      tpu.enqueue_dma source(%dma_start3A_422 : memref<2048xf32, #tpu.memory_space<hbm>>) target(%dma_start3A_420 : memref<2048xf32, #tpu.memory_space<vmem>>) target_semaphore(%run_scoped3A_412 : memref<!tpu.dma_semaphore, #tpu.memory_space<semaphore_mem>>)
      %dma_wait3A_423 = arith.constant 0 : i32
      %dma_wait3A_424 = tpu.memref_slice %arg11[%run_scoped3A_333, %dma_wait3A_423] : memref<6x2048xf32, #tpu.memory_space<vmem>> -> memref<1x2048xf32, #tpu.memory_space<vmem>>
      %dma_wait3A_425 = tpu.memref_squeeze %dma_wait3A_424 : memref<1x2048xf32, #tpu.memory_space<vmem>> -> memref<2048xf32, #tpu.memory_space<vmem>>
      %dma_wait3A_426 = tpu.memref_slice %arg5[%arg0, %add3A_332, %mul3A_313] : memref<2x16x16384xf32, #tpu.memory_space<hbm>> -> memref<1x1x2048xf32, #tpu.memory_space<hbm>>
      %dma_wait3A_427 = tpu.memref_squeeze %dma_wait3A_426 : memref<1x1x2048xf32, #tpu.memory_space<hbm>> -> memref<2048xf32, #tpu.memory_space<hbm>>
      %dma_wait3A_428 = arith.constant 0 : i32
      %dma_wait3A_429 = tpu.memref_slice %arg11[%run_scoped3A_333, %dma_wait3A_428] : memref<6x2048xf32, #tpu.memory_space<vmem>> -> memref<1x2048xf32, #tpu.memory_space<vmem>>
      %dma_wait3A_430 = tpu.memref_squeeze %dma_wait3A_429 : memref<1x2048xf32, #tpu.memory_space<vmem>> -> memref<2048xf32, #tpu.memory_space<vmem>>
      %dma_wait3A_431 = tpu.memref_slice %arg5[%arg0, %add3A_332, %mul3A_313] : memref<2x16x16384xf32, #tpu.memory_space<hbm>> -> memref<1x1x2048xf32, #tpu.memory_space<hbm>>
      %dma_wait3A_432 = tpu.memref_squeeze %dma_wait3A_431 : memref<1x1x2048xf32, #tpu.memory_space<hbm>> -> memref<2048xf32, #tpu.memory_space<hbm>>
      tpu.wait_dma2 semaphore(%run_scoped3A_412 : memref<!tpu.dma_semaphore, #tpu.memory_space<semaphore_mem>>) src(%dma_wait3A_432 : memref<2048xf32, #tpu.memory_space<hbm>>) dst(%dma_wait3A_430 : memref<2048xf32, #tpu.memory_space<vmem>>)
      tpu.yield
    }) : () -> ()
    %add3A_334 = arith.constant 3 : i32
    %add3A_335 = arith.addi %mul3A_296, %add3A_334 : i32
    %add3A_336 = arith.constant 8192 : i32
    %add3A_337 = arith.addi %add3A_336, %mul3A_313 : i32
    %run_scoped3A_338 = arith.constant 5 : i32
    "tpu.region"() ({
      %run_scoped3A_412 = tpu.sem_alloc : memref<!tpu.dma_semaphore, #tpu.memory_space<semaphore_mem>>
      %dma_start3A_413 = arith.constant 0 : i32
      %dma_start3A_414 = tpu.memref_slice %arg11[%run_scoped3A_338, %dma_start3A_413] : memref<6x2048xf32, #tpu.memory_space<vmem>> -> memref<1x2048xf32, #tpu.memory_space<vmem>>
      %dma_start3A_415 = tpu.memref_squeeze %dma_start3A_414 : memref<1x2048xf32, #tpu.memory_space<vmem>> -> memref<2048xf32, #tpu.memory_space<vmem>>
      %dma_start3A_416 = tpu.memref_slice %arg5[%arg0, %add3A_335, %add3A_337] : memref<2x16x16384xf32, #tpu.memory_space<hbm>> -> memref<1x1x2048xf32, #tpu.memory_space<hbm>>
      %dma_start3A_417 = tpu.memref_squeeze %dma_start3A_416 : memref<1x1x2048xf32, #tpu.memory_space<hbm>> -> memref<2048xf32, #tpu.memory_space<hbm>>
      %dma_start3A_418 = arith.constant 0 : i32
      %dma_start3A_419 = tpu.memref_slice %arg11[%run_scoped3A_338, %dma_start3A_418] : memref<6x2048xf32, #tpu.memory_space<vmem>> -> memref<1x2048xf32, #tpu.memory_space<vmem>>
      %dma_start3A_420 = tpu.memref_squeeze %dma_start3A_419 : memref<1x2048xf32, #tpu.memory_space<vmem>> -> memref<2048xf32, #tpu.memory_space<vmem>>
      %dma_start3A_421 = tpu.memref_slice %arg5[%arg0, %add3A_335, %add3A_337] : memref<2x16x16384xf32, #tpu.memory_space<hbm>> -> memref<1x1x2048xf32, #tpu.memory_space<hbm>>
      %dma_start3A_422 = tpu.memref_squeeze %dma_start3A_421 : memref<1x1x2048xf32, #tpu.memory_space<hbm>> -> memref<2048xf32, #tpu.memory_space<hbm>>
      tpu.enqueue_dma source(%dma_start3A_422 : memref<2048xf32, #tpu.memory_space<hbm>>) target(%dma_start3A_420 : memref<2048xf32, #tpu.memory_space<vmem>>) target_semaphore(%run_scoped3A_412 : memref<!tpu.dma_semaphore, #tpu.memory_space<semaphore_mem>>)
      %dma_wait3A_423 = arith.constant 0 : i32
      %dma_wait3A_424 = tpu.memref_slice %arg11[%run_scoped3A_338, %dma_wait3A_423] : memref<6x2048xf32, #tpu.memory_space<vmem>> -> memref<1x2048xf32, #tpu.memory_space<vmem>>
      %dma_wait3A_425 = tpu.memref_squeeze %dma_wait3A_424 : memref<1x2048xf32, #tpu.memory_space<vmem>> -> memref<2048xf32, #tpu.memory_space<vmem>>
      %dma_wait3A_426 = tpu.memref_slice %arg5[%arg0, %add3A_335, %add3A_337] : memref<2x16x16384xf32, #tpu.memory_space<hbm>> -> memref<1x1x2048xf32, #tpu.memory_space<hbm>>
      %dma_wait3A_427 = tpu.memref_squeeze %dma_wait3A_426 : memref<1x1x2048xf32, #tpu.memory_space<hbm>> -> memref<2048xf32, #tpu.memory_space<hbm>>
      %dma_wait3A_428 = arith.constant 0 : i32
      %dma_wait3A_429 = tpu.memref_slice %arg11[%run_scoped3A_338, %dma_wait3A_428] : memref<6x2048xf32, #tpu.memory_space<vmem>> -> memref<1x2048xf32, #tpu.memory_space<vmem>>
      %dma_wait3A_430 = tpu.memref_squeeze %dma_wait3A_429 : memref<1x2048xf32, #tpu.memory_space<vmem>> -> memref<2048xf32, #tpu.memory_space<vmem>>
      %dma_wait3A_431 = tpu.memref_slice %arg5[%arg0, %add3A_335, %add3A_337] : memref<2x16x16384xf32, #tpu.memory_space<hbm>> -> memref<1x1x2048xf32, #tpu.memory_space<hbm>>
      %dma_wait3A_432 = tpu.memref_squeeze %dma_wait3A_431 : memref<1x1x2048xf32, #tpu.memory_space<hbm>> -> memref<2048xf32, #tpu.memory_space<hbm>>
      tpu.wait_dma2 semaphore(%run_scoped3A_412 : memref<!tpu.dma_semaphore, #tpu.memory_space<semaphore_mem>>) src(%dma_wait3A_432 : memref<2048xf32, #tpu.memory_space<hbm>>) dst(%dma_wait3A_430 : memref<2048xf32, #tpu.memory_space<vmem>>)
      tpu.yield
    }) : () -> ()
    %scan3A_339 = arith.constant 0 : i32
    %scan3A_340 = arith.constant 0 : i32
    %scan3A_341 = arith.constant 32 : i32
    %scan3A_342 = arith.addi %scan3A_340, %scan3A_341 : i32
    %scan3A_343 = arith.constant 1 : i32
    %scan3A_344 = scf.for %scan3A_412 = %scan3A_340 to %scan3A_342 step %scan3A_343 iter_args(%scan3A_413 = %scan3A_339) -> (i32)  : i32 {
      %mul3A_414 = arith.constant 64 : i32
      %mul3A_415 = arith.muli %scan3A_412, %mul3A_414 : i32
      %add3A_416 = arith.constant 0 : i32
      %add3A_417 = arith.addi %mul3A_415, %add3A_416 : i32
      %get3A_418 = arith.index_cast %add3A_417 : i32 to index
      %get3A_419 = tpu.vector_load %arg10[%get3A_418] {strides = array<i32>} : memref<2048xf32, #tpu.memory_space<vmem>>, vector<16xf32>,
      %get3A_420 = arith.constant 3 : i32
      %get3A_421 = arith.index_cast %get3A_420 : i32 to index
      %get3A_422 = arith.index_cast %add3A_417 : i32 to index
      %get3A_423 = tpu.vector_load %arg11[%get3A_421, %get3A_422] {strides = array<i32>} : memref<6x2048xf32, #tpu.memory_space<vmem>>, vector<16xf32>,
      %add3A_424 = arith.addf %get3A_419, %get3A_423 : vector<16xf32>
      %get3A_425 = arith.constant 4 : i32
      %get3A_426 = arith.index_cast %get3A_425 : i32 to index
      %get3A_427 = arith.index_cast %add3A_417 : i32 to index
      %get3A_428 = tpu.vector_load %arg11[%get3A_426, %get3A_427] {strides = array<i32>} : memref<6x2048xf32, #tpu.memory_space<vmem>>, vector<16xf32>,
      %get3A_429 = arith.constant 5 : i32
      %get3A_430 = arith.index_cast %get3A_429 : i32 to index
      %get3A_431 = arith.index_cast %add3A_417 : i32 to index
      %get3A_432 = tpu.vector_load %arg11[%get3A_430, %get3A_431] {strides = array<i32>} : memref<6x2048xf32, #tpu.memory_space<vmem>>, vector<16xf32>,
      %add3A_433 = arith.addf %get3A_428, %get3A_432 : vector<16xf32>
      %add3A_434 = arith.addf %add3A_424, %add3A_433 : vector<16xf32>
      %get3A_435 = arith.index_cast %add3A_417 : i32 to index
      %get3A_436 = tpu.vector_load %arg9[%get3A_435] {strides = array<i32>} : memref<2048xf32, #tpu.memory_space<vmem>>, vector<16xf32>,
      %get3A_437 = arith.constant 0 : i32
      %get3A_438 = arith.index_cast %get3A_437 : i32 to index
      %get3A_439 = arith.index_cast %add3A_417 : i32 to index
      %get3A_440 = tpu.vector_load %arg11[%get3A_438, %get3A_439] {strides = array<i32>} : memref<6x2048xf32, #tpu.memory_space<vmem>>, vector<16xf32>,
      %add3A_441 = arith.addf %get3A_436, %get3A_440 : vector<16xf32>
      %get3A_442 = arith.constant 1 : i32
      %get3A_443 = arith.index_cast %get3A_442 : i32 to index
      %get3A_444 = arith.index_cast %add3A_417 : i32 to index
      %get3A_445 = tpu.vector_load %arg11[%get3A_443, %get3A_444] {strides = array<i32>} : memref<6x2048xf32, #tpu.memory_space<vmem>>, vector<16xf32>,
      %get3A_446 = arith.constant 2 : i32
      %get3A_447 = arith.index_cast %get3A_446 : i32 to index
      %get3A_448 = arith.index_cast %add3A_417 : i32 to index
      %get3A_449 = tpu.vector_load %arg11[%get3A_447, %get3A_448] {strides = array<i32>} : memref<6x2048xf32, #tpu.memory_space<vmem>>, vector<16xf32>,
      %add3A_450 = arith.addf %get3A_445, %get3A_449 : vector<16xf32>
      %add3A_451 = arith.addf %add3A_441, %add3A_450 : vector<16xf32>
      %add3A_452 = arith.addf %add3A_451, %add3A_434 : vector<16xf32>
      %swap3A_453 = arith.index_cast %add3A_417 : i32 to index
      %swap3A_454 = tpu.vector_load %arg10[%swap3A_453] {strides = array<i32>} : memref<2048xf32, #tpu.memory_space<vmem>>, vector<16xf32>,
      tpu.vector_store %arg10[%swap3A_453], %add3A_434 {strides = array<i32>} : memref<2048xf32, #tpu.memory_space<vmem>>, vector<16xf32>,
      %swap3A_455 = arith.index_cast %add3A_417 : i32 to index
      %swap3A_456 = tpu.vector_load %arg9[%swap3A_455] {strides = array<i32>} : memref<2048xf32, #tpu.memory_space<vmem>>, vector<16xf32>,
      tpu.vector_store %arg9[%swap3A_455], %add3A_452 {strides = array<i32>} : memref<2048xf32, #tpu.memory_space<vmem>>, vector<16xf32>,
      %mul3A_457 = arith.constant 64 : i32
      %mul3A_458 = arith.muli %scan3A_412, %mul3A_457 : i32
      %add3A_459 = arith.constant 16 : i32
      %add3A_460 = arith.addi %mul3A_458, %add3A_459 : i32
      %get3A_461 = arith.index_cast %add3A_460 : i32 to index
      %get3A_462 = tpu.vector_load %arg10[%get3A_461] {strides = array<i32>} : memref<2048xf32, #tpu.memory_space<vmem>>, vector<16xf32>,
      %get3A_463 = arith.constant 3 : i32
      %get3A_464 = arith.index_cast %get3A_463 : i32 to index
      %get3A_465 = arith.index_cast %add3A_460 : i32 to index
      %get3A_466 = tpu.vector_load %arg11[%get3A_464, %get3A_465] {strides = array<i32>} : memref<6x2048xf32, #tpu.memory_space<vmem>>, vector<16xf32>,
      %add3A_467 = arith.addf %get3A_462, %get3A_466 : vector<16xf32>
      %get3A_468 = arith.constant 4 : i32
      %get3A_469 = arith.index_cast %get3A_468 : i32 to index
      %get3A_470 = arith.index_cast %add3A_460 : i32 to index
      %get3A_471 = tpu.vector_load %arg11[%get3A_469, %get3A_470] {strides = array<i32>} : memref<6x2048xf32, #tpu.memory_space<vmem>>, vector<16xf32>,
      %get3A_472 = arith.constant 5 : i32
      %get3A_473 = arith.index_cast %get3A_472 : i32 to index
      %get3A_474 = arith.index_cast %add3A_460 : i32 to index
      %get3A_475 = tpu.vector_load %arg11[%get3A_473, %get3A_474] {strides = array<i32>} : memref<6x2048xf32, #tpu.memory_space<vmem>>, vector<16xf32>,
      %add3A_476 = arith.addf %get3A_471, %get3A_475 : vector<16xf32>
      %add3A_477 = arith.addf %add3A_467, %add3A_476 : vector<16xf32>
      %get3A_478 = arith.index_cast %add3A_460 : i32 to index
      %get3A_479 = tpu.vector_load %arg9[%get3A_478] {strides = array<i32>} : memref<2048xf32, #tpu.memory_space<vmem>>, vector<16xf32>,
      %get3A_480 = arith.constant 0 : i32
      %get3A_481 = arith.index_cast %get3A_480 : i32 to index
      %get3A_482 = arith.index_cast %add3A_460 : i32 to index
      %get3A_483 = tpu.vector_load %arg11[%get3A_481, %get3A_482] {strides = array<i32>} : memref<6x2048xf32, #tpu.memory_space<vmem>>, vector<16xf32>,
      %add3A_484 = arith.addf %get3A_479, %get3A_483 : vector<16xf32>
      %get3A_485 = arith.constant 1 : i32
      %get3A_486 = arith.index_cast %get3A_485 : i32 to index
      %get3A_487 = arith.index_cast %add3A_460 : i32 to index
      %get3A_488 = tpu.vector_load %arg11[%get3A_486, %get3A_487] {strides = array<i32>} : memref<6x2048xf32, #tpu.memory_space<vmem>>, vector<16xf32>,
      %get3A_489 = arith.constant 2 : i32
      %get3A_490 = arith.index_cast %get3A_489 : i32 to index
      %get3A_491 = arith.index_cast %add3A_460 : i32 to index
      %get3A_492 = tpu.vector_load %arg11[%get3A_490, %get3A_491] {strides = array<i32>} : memref<6x2048xf32, #tpu.memory_space<vmem>>, vector<16xf32>,
      %add3A_493 = arith.addf %get3A_488, %get3A_492 : vector<16xf32>
      %add3A_494 = arith.addf %add3A_484, %add3A_493 : vector<16xf32>
      %add3A_495 = arith.addf %add3A_494, %add3A_477 : vector<16xf32>
      %swap3A_496 = arith.index_cast %add3A_460 : i32 to index
      %swap3A_497 = tpu.vector_load %arg10[%swap3A_496] {strides = array<i32>} : memref<2048xf32, #tpu.memory_space<vmem>>, vector<16xf32>,
      tpu.vector_store %arg10[%swap3A_496], %add3A_477 {strides = array<i32>} : memref<2048xf32, #tpu.memory_space<vmem>>, vector<16xf32>,
      %swap3A_498 = arith.index_cast %add3A_460 : i32 to index
      %swap3A_499 = tpu.vector_load %arg9[%swap3A_498] {strides = array<i32>} : memref<2048xf32, #tpu.memory_space<vmem>>, vector<16xf32>,
      tpu.vector_store %arg9[%swap3A_498], %add3A_495 {strides = array<i32>} : memref<2048xf32, #tpu.memory_space<vmem>>, vector<16xf32>,
      %mul3A_500 = arith.constant 64 : i32
      %mul3A_501 = arith.muli %scan3A_412, %mul3A_500 : i32
      %add3A_502 = arith.constant 32 : i32
      %add3A_503 = arith.addi %mul3A_501, %add3A_502 : i32
      %get3A_504 = arith.index_cast %add3A_503 : i32 to index
      %get3A_505 = tpu.vector_load %arg10[%get3A_504] {strides = array<i32>} : memref<2048xf32, #tpu.memory_space<vmem>>, vector<16xf32>,
      %get3A_506 = arith.constant 3 : i32
      %get3A_507 = arith.index_cast %get3A_506 : i32 to index
      %get3A_508 = arith.index_cast %add3A_503 : i32 to index
      %get3A_509 = tpu.vector_load %arg11[%get3A_507, %get3A_508] {strides = array<i32>} : memref<6x2048xf32, #tpu.memory_space<vmem>>, vector<16xf32>,
      %add3A_510 = arith.addf %get3A_505, %get3A_509 : vector<16xf32>
      %get3A_511 = arith.constant 4 : i32
      %get3A_512 = arith.index_cast %get3A_511 : i32 to index
      %get3A_513 = arith.index_cast %add3A_503 : i32 to index
      %get3A_514 = tpu.vector_load %arg11[%get3A_512, %get3A_513] {strides = array<i32>} : memref<6x2048xf32, #tpu.memory_space<vmem>>, vector<16xf32>,
      %get3A_515 = arith.constant 5 : i32
      %get3A_516 = arith.index_cast %get3A_515 : i32 to index
      %get3A_517 = arith.index_cast %add3A_503 : i32 to index
      %get3A_518 = tpu.vector_load %arg11[%get3A_516, %get3A_517] {strides = array<i32>} : memref<6x2048xf32, #tpu.memory_space<vmem>>, vector<16xf32>,
      %add3A_519 = arith.addf %get3A_514, %get3A_518 : vector<16xf32>
      %add3A_520 = arith.addf %add3A_510, %add3A_519 : vector<16xf32>
      %get3A_521 = arith.index_cast %add3A_503 : i32 to index
      %get3A_522 = tpu.vector_load %arg9[%get3A_521] {strides = array<i32>} : memref<2048xf32, #tpu.memory_space<vmem>>, vector<16xf32>,
      %get3A_523 = arith.constant 0 : i32
      %get3A_524 = arith.index_cast %get3A_523 : i32 to index
      %get3A_525 = arith.index_cast %add3A_503 : i32 to index
      %get3A_526 = tpu.vector_load %arg11[%get3A_524, %get3A_525] {strides = array<i32>} : memref<6x2048xf32, #tpu.memory_space<vmem>>, vector<16xf32>,
      %add3A_527 = arith.addf %get3A_522, %get3A_526 : vector<16xf32>
      %get3A_528 = arith.constant 1 : i32
      %get3A_529 = arith.index_cast %get3A_528 : i32 to index
      %get3A_530 = arith.index_cast %add3A_503 : i32 to index
      %get3A_531 = tpu.vector_load %arg11[%get3A_529, %get3A_530] {strides = array<i32>} : memref<6x2048xf32, #tpu.memory_space<vmem>>, vector<16xf32>,
      %get3A_532 = arith.constant 2 : i32
      %get3A_533 = arith.index_cast %get3A_532 : i32 to index
      %get3A_534 = arith.index_cast %add3A_503 : i32 to index
      %get3A_535 = tpu.vector_load %arg11[%get3A_533, %get3A_534] {strides = array<i32>} : memref<6x2048xf32, #tpu.memory_space<vmem>>, vector<16xf32>,
      %add3A_536 = arith.addf %get3A_531, %get3A_535 : vector<16xf32>
      %add3A_537 = arith.addf %add3A_527, %add3A_536 : vector<16xf32>
      %add3A_538 = arith.addf %add3A_537, %add3A_520 : vector<16xf32>
      %swap3A_539 = arith.index_cast %add3A_503 : i32 to index
      %swap3A_540 = tpu.vector_load %arg10[%swap3A_539] {strides = array<i32>} : memref<2048xf32, #tpu.memory_space<vmem>>, vector<16xf32>,
      tpu.vector_store %arg10[%swap3A_539], %add3A_520 {strides = array<i32>} : memref<2048xf32, #tpu.memory_space<vmem>>, vector<16xf32>,
      %swap3A_541 = arith.index_cast %add3A_503 : i32 to index
      %swap3A_542 = tpu.vector_load %arg9[%swap3A_541] {strides = array<i32>} : memref<2048xf32, #tpu.memory_space<vmem>>, vector<16xf32>,
      tpu.vector_store %arg9[%swap3A_541], %add3A_538 {strides = array<i32>} : memref<2048xf32, #tpu.memory_space<vmem>>, vector<16xf32>,
      %mul3A_543 = arith.constant 64 : i32
      %mul3A_544 = arith.muli %scan3A_412, %mul3A_543 : i32
      %add3A_545 = arith.constant 48 : i32
      %add3A_546 = arith.addi %mul3A_544, %add3A_545 : i32
      %get3A_547 = arith.index_cast %add3A_546 : i32 to index
      %get3A_548 = tpu.vector_load %arg10[%get3A_547] {strides = array<i32>} : memref<2048xf32, #tpu.memory_space<vmem>>, vector<16xf32>,
      %get3A_549 = arith.constant 3 : i32
      %get3A_550 = arith.index_cast %get3A_549 : i32 to index
      %get3A_551 = arith.index_cast %add3A_546 : i32 to index
      %get3A_552 = tpu.vector_load %arg11[%get3A_550, %get3A_551] {strides = array<i32>} : memref<6x2048xf32, #tpu.memory_space<vmem>>, vector<16xf32>,
      %add3A_553 = arith.addf %get3A_548, %get3A_552 : vector<16xf32>
      %get3A_554 = arith.constant 4 : i32
      %get3A_555 = arith.index_cast %get3A_554 : i32 to index
      %get3A_556 = arith.index_cast %add3A_546 : i32 to index
      %get3A_557 = tpu.vector_load %arg11[%get3A_555, %get3A_556] {strides = array<i32>} : memref<6x2048xf32, #tpu.memory_space<vmem>>, vector<16xf32>,
      %get3A_558 = arith.constant 5 : i32
      %get3A_559 = arith.index_cast %get3A_558 : i32 to index
      %get3A_560 = arith.index_cast %add3A_546 : i32 to index
      %get3A_561 = tpu.vector_load %arg11[%get3A_559, %get3A_560] {strides = array<i32>} : memref<6x2048xf32, #tpu.memory_space<vmem>>, vector<16xf32>,
      %add3A_562 = arith.addf %get3A_557, %get3A_561 : vector<16xf32>
      %add3A_563 = arith.addf %add3A_553, %add3A_562 : vector<16xf32>
      %get3A_564 = arith.index_cast %add3A_546 : i32 to index
      %get3A_565 = tpu.vector_load %arg9[%get3A_564] {strides = array<i32>} : memref<2048xf32, #tpu.memory_space<vmem>>, vector<16xf32>,
      %get3A_566 = arith.constant 0 : i32
      %get3A_567 = arith.index_cast %get3A_566 : i32 to index
      %get3A_568 = arith.index_cast %add3A_546 : i32 to index
      %get3A_569 = tpu.vector_load %arg11[%get3A_567, %get3A_568] {strides = array<i32>} : memref<6x2048xf32, #tpu.memory_space<vmem>>, vector<16xf32>,
      %add3A_570 = arith.addf %get3A_565, %get3A_569 : vector<16xf32>
      %get3A_571 = arith.constant 1 : i32
      %get3A_572 = arith.index_cast %get3A_571 : i32 to index
      %get3A_573 = arith.index_cast %add3A_546 : i32 to index
      %get3A_574 = tpu.vector_load %arg11[%get3A_572, %get3A_573] {strides = array<i32>} : memref<6x2048xf32, #tpu.memory_space<vmem>>, vector<16xf32>,
      %get3A_575 = arith.constant 2 : i32
      %get3A_576 = arith.index_cast %get3A_575 : i32 to index
      %get3A_577 = arith.index_cast %add3A_546 : i32 to index
      %get3A_578 = tpu.vector_load %arg11[%get3A_576, %get3A_577] {strides = array<i32>} : memref<6x2048xf32, #tpu.memory_space<vmem>>, vector<16xf32>,
      %add3A_579 = arith.addf %get3A_574, %get3A_578 : vector<16xf32>
      %add3A_580 = arith.addf %add3A_570, %add3A_579 : vector<16xf32>
      %add3A_581 = arith.addf %add3A_580, %add3A_563 : vector<16xf32>
      %swap3A_582 = arith.index_cast %add3A_546 : i32 to index
      %swap3A_583 = tpu.vector_load %arg10[%swap3A_582] {strides = array<i32>} : memref<2048xf32, #tpu.memory_space<vmem>>, vector<16xf32>,
      tpu.vector_store %arg10[%swap3A_582], %add3A_563 {strides = array<i32>} : memref<2048xf32, #tpu.memory_space<vmem>>, vector<16xf32>,
      %swap3A_584 = arith.index_cast %add3A_546 : i32 to index
      %swap3A_585 = tpu.vector_load %arg9[%swap3A_584] {strides = array<i32>} : memref<2048xf32, #tpu.memory_space<vmem>>, vector<16xf32>,
      tpu.vector_store %arg9[%swap3A_584], %add3A_581 {strides = array<i32>} : memref<2048xf32, #tpu.memory_space<vmem>>, vector<16xf32>,
      %scan3A_586 = arith.constant 0 : i32
      scf.yield %scan3A_586 : i32
    }
    %scan3A_345 = arith.constant 32 : i32
    %scan3A_346 = arith.constant 0 : i32
    %scan3A_347 = arith.constant 128 : i32
    %scan3A_348 = arith.addi %scan3A_346, %scan3A_347 : i32
    %scan3A_349 = arith.constant 1 : i32
    %scan3A_350:2 = scf.for %scan3A_412 = %scan3A_346 to %scan3A_348 step %scan3A_349 iter_args(%scan3A_413 = %broadcast_in_dim3A_35, %scan3A_414 = %broadcast_in_dim3A_35) -> (vector<16xf32>, vector<16xf32>)  : i32 {
      %mul3A_415 = arith.constant 16 : i32
      %mul3A_416 = arith.muli %scan3A_412, %mul3A_415 : i32
      %get3A_417 = arith.index_cast %mul3A_416 : i32 to index
      %get3A_418 = tpu.vector_load %arg9[%get3A_417] {strides = array<i32>} : memref<2048xf32, #tpu.memory_space<vmem>>, vector<16xf32>,
      %add3A_419 = arith.addf %scan3A_413, %get3A_418 : vector<16xf32>
      %mul3A_420 = arith.constant 16 : i32
      %mul3A_421 = arith.muli %scan3A_412, %mul3A_420 : i32
      %get3A_422 = arith.index_cast %mul3A_421 : i32 to index
      %get3A_423 = tpu.vector_load %arg10[%get3A_422] {strides = array<i32>} : memref<2048xf32, #tpu.memory_space<vmem>>, vector<16xf32>,
      %add3A_424 = arith.addf %scan3A_414, %get3A_423 : vector<16xf32>
      scf.yield %add3A_419, %add3A_424 : vector<16xf32>, vector<16xf32>
    }
    %scan3A_351 = arith.constant 128 : i32
    %convert_element_type3A = arith.fptosi %scan3A_350#0 : vector<16xf32> to vector<16xi32>
    %reduce_sum3A_352 = arith.constant true
    %reduce_sum3A_353 = vector.broadcast %reduce_sum3A_352 : i1 to vector<16xi1>
    %reduce_sum3A_354 = tpu.scan <sum>, %convert_element_type3A masked %reduce_sum3A_353 : vector<16xi32>, vector<16xi1> -> vector<16xi32>
    %reduce_sum3A_355 = vector.extract %reduce_sum3A_354[15] : i32 from vector<16xi32>
    %convert_element_type3A_356 = arith.fptosi %scan3A_350#1 : vector<16xf32> to vector<16xi32>
    %reduce_sum3A_357 = arith.constant true
    %reduce_sum3A_358 = vector.broadcast %reduce_sum3A_357 : i1 to vector<16xi1>
    %reduce_sum3A_359 = tpu.scan <sum>, %convert_element_type3A_356 masked %reduce_sum3A_358 : vector<16xi32>, vector<16xi1> -> vector<16xi32>
    %reduce_sum3A_360 = vector.extract %reduce_sum3A_359[15] : i32 from vector<16xi32>
    %lt3A_361 = arith.constant 1 : i32
    %lt3A_362 = arith.cmpi slt, %select_n3A_30, %lt3A_361 : i32
    %convert_element_type3A_363 = arith.extui %lt3A_362 : i1 to i32
    %cond3A = arith.constant 0 : i32
    %cond3A_364 = arith.cmpi ne, %convert_element_type3A_363, %cond3A : i32
    scf.if %cond3A_364 {
      %add3A_412 = arith.constant 1 : i32
      %add3A_413 = arith.addi %mul3A_296, %add3A_412 : i32
      %sc_fetch_and_add3A_414 = arith.constant 1 : i32
      %sc_fetch_and_add3A_415 = tpu.fetch_and_add_sync %arg13[%sc_fetch_and_add3A_414], %reduce_sum3A_355, %add3A_413 : memref<4xi32, #tpu.memory_space<smem>>, i32 -> i32
      %add3A_416 = arith.constant 1 : i32
      %add3A_417 = arith.addi %mul3A_296, %add3A_416 : i32
      %sc_fetch_and_add3A_418 = arith.constant 2 : i32
      %sc_fetch_and_add3A_419 = tpu.fetch_and_add_sync %arg13[%sc_fetch_and_add3A_418], %reduce_sum3A_360, %add3A_417 : memref<4xi32, #tpu.memory_space<smem>>, i32 -> i32
    } else {
    }
    %lt3A_365 = arith.constant 2 : i32
    %lt3A_366 = arith.cmpi slt, %select_n3A_30, %lt3A_365 : i32
    %convert_element_type3A_367 = arith.extui %lt3A_366 : i1 to i32
    %cond3A_368 = arith.constant 0 : i32
    %cond3A_369 = arith.cmpi ne, %convert_element_type3A_367, %cond3A_368 : i32
    scf.if %cond3A_369 {
      %add3A_412 = arith.constant 2 : i32
      %add3A_413 = arith.addi %mul3A_296, %add3A_412 : i32
      %sc_fetch_and_add3A_414 = arith.constant 1 : i32
      %sc_fetch_and_add3A_415 = tpu.fetch_and_add_sync %arg13[%sc_fetch_and_add3A_414], %reduce_sum3A_355, %add3A_413 : memref<4xi32, #tpu.memory_space<smem>>, i32 -> i32
      %add3A_416 = arith.constant 2 : i32
      %add3A_417 = arith.addi %mul3A_296, %add3A_416 : i32
      %sc_fetch_and_add3A_418 = arith.constant 2 : i32
      %sc_fetch_and_add3A_419 = tpu.fetch_and_add_sync %arg13[%sc_fetch_and_add3A_418], %reduce_sum3A_360, %add3A_417 : memref<4xi32, #tpu.memory_space<smem>>, i32 -> i32
    } else {
    }
    %lt3A_370 = arith.constant 3 : i32
    %lt3A_371 = arith.cmpi slt, %select_n3A_30, %lt3A_370 : i32
    %convert_element_type3A_372 = arith.extui %lt3A_371 : i1 to i32
    %cond3A_373 = arith.constant 0 : i32
    %cond3A_374 = arith.cmpi ne, %convert_element_type3A_372, %cond3A_373 : i32
    scf.if %cond3A_374 {
      %add3A_412 = arith.constant 3 : i32
      %add3A_413 = arith.addi %mul3A_296, %add3A_412 : i32
      %sc_fetch_and_add3A_414 = arith.constant 1 : i32
      %sc_fetch_and_add3A_415 = tpu.fetch_and_add_sync %arg13[%sc_fetch_and_add3A_414], %reduce_sum3A_355, %add3A_413 : memref<4xi32, #tpu.memory_space<smem>>, i32 -> i32
      %add3A_416 = arith.constant 3 : i32
      %add3A_417 = arith.addi %mul3A_296, %add3A_416 : i32
      %sc_fetch_and_add3A_418 = arith.constant 2 : i32
      %sc_fetch_and_add3A_419 = tpu.fetch_and_add_sync %arg13[%sc_fetch_and_add3A_418], %reduce_sum3A_360, %add3A_417 : memref<4xi32, #tpu.memory_space<smem>>, i32 -> i32
    } else {
    }
    %barrier3A_375 = arith.constant 0 : index
    tpu.barrier barrier_id(%barrier3A_375)
    %get3A = arith.constant 0 : i32
    %get3A_376 = arith.index_cast %get3A : i32 to index
    %get3A_377 = memref.load %arg13[%get3A_376] : memref<4xi32, #tpu.memory_space<smem>>
    %broadcast_in_dim3A_378 = vector.broadcast %get3A_377 : i32 to vector<16xi32>
    %convert_element_type3A_379 = arith.sitofp %broadcast_in_dim3A_378 : vector<16xi32> to vector<16xf32>
    %get3A_380 = arith.constant 1 : i32
    %get3A_381 = arith.index_cast %get3A_380 : i32 to index
    %get3A_382 = memref.load %arg13[%get3A_381] : memref<4xi32, #tpu.memory_space<smem>>
    %broadcast_in_dim3A_383 = vector.broadcast %get3A_382 : i32 to vector<16xi32>
    %convert_element_type3A_384 = arith.sitofp %broadcast_in_dim3A_383 : vector<16xi32> to vector<16xf32>
    %get3A_385 = arith.constant 2 : i32
    %get3A_386 = arith.index_cast %get3A_385 : i32 to index
    %get3A_387 = memref.load %arg13[%get3A_386] : memref<4xi32, #tpu.memory_space<smem>>
    %broadcast_in_dim3A_388 = vector.broadcast %get3A_387 : i32 to vector<16xi32>
    %convert_element_type3A_389 = arith.sitofp %broadcast_in_dim3A_388 : vector<16xi32> to vector<16xf32>
    %scan3A_390 = arith.constant 0 : i32
    %scan3A_391 = arith.constant 128 : i32
    %scan3A_392 = arith.addi %scan3A_390, %scan3A_391 : i32
    %scan3A_393 = arith.constant 1 : i32
    %scan3A_394:3 = scf.for %scan3A_412 = %scan3A_390 to %scan3A_392 step %scan3A_393 iter_args(%scan3A_413 = %broadcast_in_dim3A_35, %scan3A_414 = %convert_element_type3A_384, %scan3A_415 = %convert_element_type3A_389) -> (vector<16xf32>, vector<16xf32>, vector<16xf32>)  : i32 {
      %mul3A_416 = arith.constant 16 : i32
      %mul3A_417 = arith.muli %scan3A_412, %mul3A_416 : i32
      %get3A_418 = arith.index_cast %mul3A_417 : i32 to index
      %get3A_419 = tpu.vector_load %arg9[%get3A_418] {strides = array<i32>} : memref<2048xf32, #tpu.memory_space<vmem>>, vector<16xf32>,
      %mul3A_420 = arith.constant 16 : i32
      %mul3A_421 = arith.muli %scan3A_412, %mul3A_420 : i32
      %get3A_422 = arith.index_cast %mul3A_421 : i32 to index
      %get3A_423 = tpu.vector_load %arg10[%get3A_422] {strides = array<i32>} : memref<2048xf32, #tpu.memory_space<vmem>>, vector<16xf32>,
      %cumsum3A = arith.constant true
      %cumsum3A_424 = vector.broadcast %cumsum3A : i1 to vector<16xi1>
      %cumsum3A_425 = tpu.scan <sum>, %get3A_419 masked %cumsum3A_424 : vector<16xf32>, vector<16xi1> -> vector<16xf32>
      %add3A_426 = arith.addf %cumsum3A_425, %scan3A_414 : vector<16xf32>
      %cumsum3A_427 = arith.constant true
      %cumsum3A_428 = vector.broadcast %cumsum3A_427 : i1 to vector<16xi1>
      %cumsum3A_429 = tpu.scan <sum>, %get3A_423 masked %cumsum3A_428 : vector<16xf32>, vector<16xi1> -> vector<16xf32>
      %add3A_430 = arith.addf %cumsum3A_429, %scan3A_415 : vector<16xf32>
      %sub3A_431 = arith.subf %add3A_426, %get3A_419 : vector<16xf32>
      %sub3A_432 = arith.subf %add3A_430, %get3A_423 : vector<16xf32>
      %eq3A_433 = arith.constant 0.000000e+00 : f32
      %eq3A_434 = vector.broadcast %eq3A_433 : f32 to vector<16xf32>
      %eq3A_435 = arith.cmpf oeq, %add3A_426, %eq3A_434 : vector<16xf32>
      %sub3A_436 = arith.subf %convert_element_type3A_379, %add3A_430 : vector<16xf32>
      %add3A_437 = arith.addf %convert_element_type3A_379, %add3A_426 : vector<16xf32>
      %sub3A_438 = arith.subf %add3A_437, %add3A_430 : vector<16xf32>
      %div3A_439 = arith.divf %sub3A_436, %sub3A_438 : vector<16xf32>
      %sub3A_440 = arith.constant 1.000000e+00 : f32
      %sub3A_441 = vector.broadcast %sub3A_440 : f32 to vector<16xf32>
      %sub3A_442 = arith.subf %sub3A_441, %div3A_439 : vector<16xf32>
      %jit3A_443 = arith.constant 0.000000e+00 : f32
      %broadcast_in_dim3A_444 = vector.broadcast %jit3A_443 : f32 to vector<16xf32>
      %select_n3A_445 = arith.select %eq3A_435, %broadcast_in_dim3A_444, %sub3A_442 : vector<16xi1>, vector<16xf32>
      %eq3A_446 = arith.constant 0.000000e+00 : f32
      %eq3A_447 = vector.broadcast %eq3A_446 : f32 to vector<16xf32>
      %eq3A_448 = arith.cmpf oeq, %sub3A_431, %eq3A_447 : vector<16xf32>
      %sub3A_449 = arith.subf %convert_element_type3A_379, %sub3A_432 : vector<16xf32>
      %add3A_450 = arith.addf %convert_element_type3A_379, %sub3A_431 : vector<16xf32>
      %sub3A_451 = arith.subf %add3A_450, %sub3A_432 : vector<16xf32>
      %div3A_452 = arith.divf %sub3A_449, %sub3A_451 : vector<16xf32>
      %sub3A_453 = arith.constant 1.000000e+00 : f32
      %sub3A_454 = vector.broadcast %sub3A_453 : f32 to vector<16xf32>
      %sub3A_455 = arith.subf %sub3A_454, %div3A_452 : vector<16xf32>
      %jit3A_456 = arith.constant 0.000000e+00 : f32
      %broadcast_in_dim3A_457 = vector.broadcast %jit3A_456 : f32 to vector<16xf32>
      %select_n3A_458 = arith.select %eq3A_448, %broadcast_in_dim3A_457, %sub3A_455 : vector<16xi1>, vector<16xf32>
      %mul3A_459 = arith.constant 16 : i32
      %mul3A_460 = arith.muli %scan3A_412, %mul3A_459 : i32
      %add3A_461 = arith.addi %mul3A_313, %mul3A_460 : i32
      %iota3A = tpu.iota {dimensions = array<i32: 0>} : vector<16xi32>
      %add3A_462 = vector.broadcast %add3A_461 : i32 to vector<16xi32>
      %add3A_463 = arith.addi %add3A_462, %iota3A : vector<16xi32>
      %sub3A_464 = arith.constant 20095 : i32
      %sub3A_465 = vector.broadcast %sub3A_464 : i32 to vector<16xi32>
      %sub3A_466 = arith.subi %sub3A_465, %add3A_463 : vector<16xi32>
      %shift_left3A = arith.constant 16 : i32
      %shift_left3A_467 = vector.broadcast %shift_left3A : i32 to vector<16xi32>
      %shift_left3A_468 = arith.shli %sub3A_466, %shift_left3A_467 : vector<16xi32>
      %or3A = arith.constant 32768 : i32
      %or3A_469 = vector.broadcast %or3A : i32 to vector<16xi32>
      %or3A_470 = arith.ori %shift_left3A_468, %or3A_469 : vector<16xi32>
      %bitcast3A = vector.bitcast %or3A_470 : vector<16xi32> to vector<16xf32>
      %sub3A_471 = arith.subf %select_n3A_445, %select_n3A_458 : vector<16xf32>
      %mul3A_472 = arith.mulf %bitcast3A, %sub3A_471 : vector<16xf32>
      %add3A_473 = arith.addf %scan3A_413, %mul3A_472 : vector<16xf32>
      %reduce_sum3A_474 = arith.constant true
      %reduce_sum3A_475 = vector.broadcast %reduce_sum3A_474 : i1 to vector<16xi1>
      %reduce_sum3A_476 = tpu.scan <sum>, %get3A_419 masked %reduce_sum3A_475 : vector<16xf32>, vector<16xi1> -> vector<16xf32>
      %reduce_sum3A_477 = vector.extract %reduce_sum3A_476[15] : f32 from vector<16xf32>
      %add3A_478 = vector.broadcast %reduce_sum3A_477 : f32 to vector<16xf32>
      %add3A_479 = arith.addf %scan3A_414, %add3A_478 : vector<16xf32>
      %reduce_sum3A_480 = arith.constant true
      %reduce_sum3A_481 = vector.broadcast %reduce_sum3A_480 : i1 to vector<16xi1>
      %reduce_sum3A_482 = tpu.scan <sum>, %get3A_423 masked %reduce_sum3A_481 : vector<16xf32>, vector<16xi1> -> vector<16xf32>
      %reduce_sum3A_483 = vector.extract %reduce_sum3A_482[15] : f32 from vector<16xf32>
      %add3A_484 = vector.broadcast %reduce_sum3A_483 : f32 to vector<16xf32>
      %add3A_485 = arith.addf %scan3A_415, %add3A_484 : vector<16xf32>
      scf.yield %add3A_473, %add3A_479, %add3A_485 : vector<16xf32>, vector<16xf32>, vector<16xf32>
    }
    %scan3A_395 = arith.constant 128 : i32
    %mul3A_396 = arith.constant 0x4A800000 : f32
    %mul3A_397 = vector.broadcast %mul3A_396 : f32 to vector<16xf32>
    %mul3A_398 = arith.mulf %scan3A_394#0, %mul3A_397 : vector<16xf32>
    %convert_element_type3A_399 = arith.fptosi %mul3A_398 : vector<16xf32> to vector<16xi32>
    %reduce_sum3A_400 = arith.constant true
    %reduce_sum3A_401 = vector.broadcast %reduce_sum3A_400 : i1 to vector<16xi1>
    %reduce_sum3A_402 = tpu.scan <sum>, %convert_element_type3A_399 masked %reduce_sum3A_401 : vector<16xi32>, vector<16xi1> -> vector<16xi32>
    %reduce_sum3A_403 = vector.extract %reduce_sum3A_402[15] : i32 from vector<16xi32>
    %sc_fetch_and_add3A_404 = arith.constant 3 : i32
    %sc_fetch_and_add3A_405 = tpu.fetch_and_add_sync %arg13[%sc_fetch_and_add3A_404], %reduce_sum3A_403, %mul3A_296 : memref<4xi32, #tpu.memory_space<smem>>, i32 -> i32
    %barrier3A_406 = arith.constant 0 : index
    tpu.barrier barrier_id(%barrier3A_406)
    %eq3A_407 = arith.constant 0 : i32
    %eq3A_408 = arith.cmpi eq, %select_n3A_30, %eq3A_407 : i32
    %convert_element_type3A_409 = arith.extui %eq3A_408 : i1 to i32
    %cond3A_410 = arith.constant 0 : i32
    %cond3A_411 = arith.cmpi ne, %convert_element_type3A_409, %cond3A_410 : i32
    scf.if %cond3A_411 {
      %get3A_412 = arith.constant 3 : i32
      %get3A_413 = arith.index_cast %get3A_412 : i32 to index
      %get3A_414 = memref.load %arg13[%get3A_413] : memref<4xi32, #tpu.memory_space<smem>>
      %broadcast_in_dim3A_415 = vector.broadcast %get3A_414 : i32 to vector<16xi32>
      %convert_element_type3A_416 = arith.sitofp %broadcast_in_dim3A_415 : vector<16xi32> to vector<16xf32>
      %mul3A_417 = arith.constant 2.38418579E-7 : f32
      %mul3A_418 = vector.broadcast %mul3A_417 : f32 to vector<16xf32>
      %mul3A_419 = arith.mulf %convert_element_type3A_416, %mul3A_418 : vector<16xf32>
      %swap3A_420 = arith.constant 0 : i32
      %swap3A_421 = arith.index_cast %swap3A_420 : i32 to index
      %swap3A_422 = arith.constant 0 : index
      %swap3A_423 = tpu.vector_load %arg12[%swap3A_421, %swap3A_422] {strides = array<i32>} : memref<2x16xf32, #tpu.memory_space<vmem>>, vector<16xf32>,
      tpu.vector_store %arg12[%swap3A_421, %swap3A_422], %mul3A_419 {strides = array<i32>} : memref<2x16xf32, #tpu.memory_space<vmem>>, vector<16xf32>,
      %run_scoped3A_424 = arith.constant 0 : i32
      "tpu.region"() ({
        %run_scoped3A_425 = tpu.sem_alloc : memref<!tpu.dma_semaphore, #tpu.memory_space<semaphore_mem>>
        %dma_start3A_426 = arith.constant 0 : i32
        %dma_start3A_427 = tpu.memref_slice %arg12[%run_scoped3A_424, %dma_start3A_426] : memref<2x16xf32, #tpu.memory_space<vmem>> -> memref<1x16xf32, #tpu.memory_space<vmem>>
        %dma_start3A_428 = tpu.memref_squeeze %dma_start3A_427 : memref<1x16xf32, #tpu.memory_space<vmem>> -> memref<16xf32, #tpu.memory_space<vmem>>
        %dma_start3A_429 = arith.constant 0 : i32
        %dma_start3A_430 = tpu.memref_slice %arg4[%add3A, %dma_start3A_429] : memref<8x16xf32, #tpu.memory_space<hbm>> -> memref<1x16xf32, #tpu.memory_space<hbm>>
        %dma_start3A_431 = tpu.memref_squeeze %dma_start3A_430 : memref<1x16xf32, #tpu.memory_space<hbm>> -> memref<16xf32, #tpu.memory_space<hbm>>
        %dma_start3A_432 = arith.constant 0 : i32
        %dma_start3A_433 = tpu.memref_slice %arg4[%add3A, %dma_start3A_432] : memref<8x16xf32, #tpu.memory_space<hbm>> -> memref<1x16xf32, #tpu.memory_space<hbm>>
        %dma_start3A_434 = tpu.memref_squeeze %dma_start3A_433 : memref<1x16xf32, #tpu.memory_space<hbm>> -> memref<16xf32, #tpu.memory_space<hbm>>
        %dma_start3A_435 = arith.constant 0 : i32
        %dma_start3A_436 = tpu.memref_slice %arg12[%run_scoped3A_424, %dma_start3A_435] : memref<2x16xf32, #tpu.memory_space<vmem>> -> memref<1x16xf32, #tpu.memory_space<vmem>>
        %dma_start3A_437 = tpu.memref_squeeze %dma_start3A_436 : memref<1x16xf32, #tpu.memory_space<vmem>> -> memref<16xf32, #tpu.memory_space<vmem>>
        tpu.enqueue_dma source(%dma_start3A_437 : memref<16xf32, #tpu.memory_space<vmem>>) target(%dma_start3A_434 : memref<16xf32, #tpu.memory_space<hbm>>) target_semaphore(%run_scoped3A_425 : memref<!tpu.dma_semaphore, #tpu.memory_space<semaphore_mem>>)
        %dma_wait3A_438 = arith.constant 0 : i32
        %dma_wait3A_439 = tpu.memref_slice %arg12[%run_scoped3A_424, %dma_wait3A_438] : memref<2x16xf32, #tpu.memory_space<vmem>> -> memref<1x16xf32, #tpu.memory_space<vmem>>
        %dma_wait3A_440 = tpu.memref_squeeze %dma_wait3A_439 : memref<1x16xf32, #tpu.memory_space<vmem>> -> memref<16xf32, #tpu.memory_space<vmem>>
        %dma_wait3A_441 = arith.constant 0 : i32
        %dma_wait3A_442 = tpu.memref_slice %arg4[%add3A, %dma_wait3A_441] : memref<8x16xf32, #tpu.memory_space<hbm>> -> memref<1x16xf32, #tpu.memory_space<hbm>>
        %dma_wait3A_443 = tpu.memref_squeeze %dma_wait3A_442 : memref<1x16xf32, #tpu.memory_space<hbm>> -> memref<16xf32, #tpu.memory_space<hbm>>
        %dma_wait3A_444 = arith.constant 0 : i32
        %dma_wait3A_445 = tpu.memref_slice %arg4[%add3A, %dma_wait3A_444] : memref<8x16xf32, #tpu.memory_space<hbm>> -> memref<1x16xf32, #tpu.memory_space<hbm>>
        %dma_wait3A_446 = tpu.memref_squeeze %dma_wait3A_445 : memref<1x16xf32, #tpu.memory_space<hbm>> -> memref<16xf32, #tpu.memory_space<hbm>>
        %dma_wait3A_447 = arith.constant 0 : i32
        %dma_wait3A_448 = tpu.memref_slice %arg12[%run_scoped3A_424, %dma_wait3A_447] : memref<2x16xf32, #tpu.memory_space<vmem>> -> memref<1x16xf32, #tpu.memory_space<vmem>>
        %dma_wait3A_449 = tpu.memref_squeeze %dma_wait3A_448 : memref<1x16xf32, #tpu.memory_space<vmem>> -> memref<16xf32, #tpu.memory_space<vmem>>
        tpu.wait_dma2 semaphore(%run_scoped3A_425 : memref<!tpu.dma_semaphore, #tpu.memory_space<semaphore_mem>>) src(%dma_wait3A_449 : memref<16xf32, #tpu.memory_space<vmem>>) dst(%dma_wait3A_446 : memref<16xf32, #tpu.memory_space<hbm>>)
        tpu.yield
      }) : () -> ()
    } else {
    }
    return
  }
}

</mosaic_0001>

<sc_bundles>
// kernel: kernel.3.cloned.1.call-start
scs
__scs_entry_jumppad:
0x0: {  	(pc) =	sbr.rel $0x88, $3  }
0x1: {  	(tag) =	ssettag $0x0;
	lr =	simm.s32 $0x1  }
0x2: {  	[smem:$0x3F9F] =	sst lr;
	_ =	strace $0xD0000000  }
0x3: {  	_ = 	snop  }
0x4: {  	_ = 	snop  }
0x5: {  	_ = 	snop  }
0x6: {  	_ = 	snop  }
0x7: {  	_ = 	snop  }
__scs_overlays_trampoline_lowered:
0x8: {  	[smem:$0x3FAE] =	sst s0  }
0x9: {  	[smem:$0x3FAF] =	sst s1  }
0xa: {  	[smem:$0x3FB0] =	sst s2  }
0xb: {  	[smem:$0x3FB1] =	sst s3  }
0xc: {  	[smem:$0x3FB2] =	sst s4  }
0xd: {  	[smem:$0x3FB3] =	sst s5  }
0xe: {  	[smem:$0x3FB4] =	sst s6  }
0xf: {  	[smem:$0x3FB5] =	sst s7  }
0x10: {  	[smem:$0x3FB6] =	sst s8  }
0x11: {  	[smem:$0x3FB7] =	sst s9;
	s0 =	simm.s32 @!p0 $0x0  }
0x12: {  	s1 =	sld [smem:$0x3F9D];
	s0 =	simm.s32 @p0 $0x1  }
0x13: {  	[smem:$0x3FB8] =	sst s0;
	s0 =	simm.s32 @!p1 $0x0  }
0x14: {  	s2 =	sld [smem:$0x3F9C];
	s0 =	simm.s32 @p1 $0x1  }
0x15: {  	[smem:$0x3FB9] =	sst s0;
	s0 =	simm.s32 @!p2 $0x0  }
0x16: {  	s3 =	sld [smem:$0x3FDB];
	s0 =	simm.s32 @p2 $0x1  }
0x17: {  	s4 =	simm.s32 $0x1BF5;
	[smem:$0x3FBB] =	sst s0  }
0x18: {  	s0 =	sld [smem:$0x3F9E];
	_ =	swait.ge [sflag:s4], $0x0  }
0x19: {  	s7 =	sld [smem:$0x3F9F]  }
0x1a: {  	s8 =	sadd.s32 $0xFFFFE003, lr  }
0x1b: {  	s9 =	sadd.s32 $0xFFFFFEF7, lr;
	s5 =	simm.s32 $0xFFFFFFFF;
	p2 =	slt.u32 s8, $0xFFFFF086  }
0x1c: {  	p1 =	slt.u32 s9, $0xF7A;
	s5 =	simm.s32 @!p2 $0x0  }
0x1d: {  	s5 =	simm.s32 @p1 $0x1;
	p0 =	seq.s32 s7, s2  }
0x1e: {  	s7 =	smul.u32 @!p0 $0xF7A, s2;
	p2 =	seq.s32 @!p0 s5, $0x0  }
0x1f: {  	s9 =	smul.u32 $0xF7A, s1;
	s8 =	simm.s32 @!p0 $0x1BF5;
	p2 =	por !p2, p0  }
0x20: {  	[sflag:s8] =	ssyncset.s32 @!p0 $0xFFFFF086;
	s6 =	sadd.s32 @!p0 s3, s7;
	s7 =	simm.s32 @!p0 $0x108  }
0x21: {  	s3 =	sadd.s32 s3, s9;
	s6 =	sadd.s32 @!p0 $0x88, s6;
	s7 =	simm.s32 @p2 $0x1082  }
0x22: {  	[simem:s7], [sflag:s8] =	dma.local @!p0 [hbm:s6], $0xF7A  }
0x23: {  	s9 =	sor.u32 $0xD0000000, s2;
	s6 =	simm.s32 $0x108;
	_ =	swait.ge @!p0 [sflag:s8], $0x0  }
0x24: {  	s3 =	sadd.s32 $0x88, s3;
	s6 =	simm.s32 @!p1 $0x1082;
	[sflag:s4] =	ssyncset.s32 $0xFFFFF086  }
0x25: {  	[simem:s6], [sflag:s4] =	dma.local [hbm:s3], $0xF7A  }
0x26: {  	[smem:$0x3F9F] =	sst s1;
	(tag) =	ssettag s2;
	_ =	strace s9  }
0x27: {  	s1 =	sld [smem:$0x3FAF]  }
0x28: {  	s2 =	sld [smem:$0x3FB0]  }
0x29: {  	s4 =	sld [smem:$0x3FB2]  }
0x2a: {  	p0 =	seq.s32 s5, $0x0;
	s5 =	sld [smem:$0x3FB3]  }
0x2b: {  	s6 =	sld [smem:$0x3FB4]  }
0x2c: {  	s7 =	sld [smem:$0x3FB5]  }
0x2d: {  	s3 =	simm.s32 $0x108;
	s8 =	sld [smem:$0x3FB6]  }
0x2e: {  	s3 =	simm.s32 @!p0 $0x1082;
	s9 =	sld [smem:$0x3FB7]  }
0x2f: {  	lr =	sadd.s32 s0, s3;
	s0 =	sld [smem:$0x3FAE]  }
0x30: {  	s3 =	sld [smem:$0x3FB1]  }
0x31: {  	[smem:$0x3FBA] =	sst s10  }
0x32: {  	s10 =	sld [smem:$0x3FB8];
	_ =	sdelay $0x3  }
0x33: {  	p0 =	seq.s32 s10, $0x1;
	s10 =	sld [smem:$0x3FBA];
	_ =	sdelay $0x3  }
0x34: {  	[smem:$0x3FBA] =	sst s10  }
0x35: {  	s10 =	sld [smem:$0x3FB9];
	_ =	sdelay $0x3  }
0x36: {  	p1 =	seq.s32 s10, $0x1;
	s10 =	sld [smem:$0x3FBA];
	_ =	sdelay $0x3  }
0x37: {  	[smem:$0x3FBA] =	sst s10  }
0x38: {  	s10 =	sld [smem:$0x3FBB]  }
0x39: {  	_ = 	snop;
	(pc) =	sbr.ind lr, $3  }
0x3a: {  	_ = 	snop  }
0x3b: {  	_ = 	snop  }
0x3c: {  	p2 =	seq.s32 s10, $0x1;
	s10 =	sld [smem:$0x3FBA]  }
0x3d: {  	_ =	shalt  }
0x3e: {  	_ =	shalt  }
0x3f: {  	_ =	shalt  }
0x40: {  	_ =	shalt  }
0x41: {  	_ =	shalt  }
0x42: {  	_ =	shalt  }
0x43: {  	_ =	shalt  }
0x44: {  	_ =	shalt  }
0x45: {  	_ =	shalt  }
0x46: {  	_ =	shalt  }
0x47: {  	_ =	shalt  }
0x48: {  	_ =	shalt  }
0x49: {  	_ =	shalt  }
0x4a: {  	_ =	shalt  }
0x4b: {  	_ =	shalt  }
0x4c: {  	_ =	shalt  }
0x4d: {  	_ =	shalt  }
0x4e: {  	_ =	shalt  }
0x4f: {  	_ =	shalt  }
0x50: {  	_ =	shalt  }
0x51: {  	_ =	shalt  }
0x52: {  	_ =	shalt  }
0x53: {  	_ =	shalt  }
0x54: {  	_ =	shalt  }
0x55: {  	_ =	shalt  }
0x56: {  	_ =	shalt  }
0x57: {  	_ =	shalt  }
0x58: {  	_ =	shalt  }
0x59: {  	_ =	shalt  }
0x5a: {  	_ =	shalt  }
0x5b: {  	_ =	shalt  }
0x5c: {  	_ =	shalt  }
0x5d: {  	_ =	shalt  }
0x5e: {  	_ =	shalt  }
0x5f: {  	_ =	shalt  }
0x60: {  	_ =	shalt  }
0x61: {  	_ =	shalt  }
0x62: {  	_ =	shalt  }
0x63: {  	_ =	shalt  }
0x64: {  	_ =	shalt  }
0x65: {  	_ =	shalt  }
0x66: {  	_ =	shalt  }
0x67: {  	_ =	shalt  }
0x68: {  	_ =	shalt  }
0x69: {  	_ =	shalt  }
0x6a: {  	_ =	shalt  }
0x6b: {  	_ =	shalt  }
0x6c: {  	_ =	shalt  }
0x6d: {  	_ =	shalt  }
0x6e: {  	_ =	shalt  }
0x6f: {  	_ =	shalt  }
0x70: {  	_ =	shalt  }
0x71: {  	_ =	shalt  }
0x72: {  	_ =	shalt  }
0x73: {  	_ =	shalt  }
0x74: {  	_ =	shalt  }
0x75: {  	_ =	shalt  }
0x76: {  	_ =	shalt  }
0x77: {  	_ =	shalt  }
0x78: {  	_ =	shalt  }
0x79: {  	_ =	shalt  }
0x7a: {  	_ =	shalt  }
0x7b: {  	_ =	shalt  }
0x7c: {  	_ =	shalt  }
0x7d: {  	_ =	shalt  }
0x7e: {  	_ =	shalt  }
0x7f: {  	_ =	shalt  }
0x80: {  	_ =	shalt  }
0x81: {  	_ =	shalt  }
0x82: {  	_ =	shalt  }
0x83: {  	_ =	shalt  }
0x84: {  	_ =	shalt  }
0x85: {  	_ =	shalt  }
0x86: {  	_ =	shalt  }
0x87: {  	_ =	shalt  }
.Lfunc_end0:
.L_simem_size_0:
called_computation_lowered:
.L_overlay_start_0:
0x88: {  	s2 =	sld [smem:$0x3FD9]  }
0x89: {  	s3 =	sld [smem:$0x3FFE];
	_ =	sdelay $0x1  }
0x8a: {  	s1 =	srdreg.scid  }
0x8b: {  	s0 =	sand.u32 $0x1, s1  }
0x8c: {  	s16 =	sshll.u32 s0, $0xA;
	s2 =	sadd.s32 s3, s2  }
0x8d: {  	s2 =	sadd.s32 s2, s16  }
0x8e: {  	[smem:$0x3FC6] =	sst s2  }
0x8f: {  	_ = 	snop  }
0x90: {  	(tm) =	ssettm $0x1  }
0x91: {  	s17 =	sld [smem:$0x3FFB];
	_ =	sdelay $0x3  }
0x92: {  	_ =	strace s17  }
0x93: {  	s2 =	sld [smem:$0x3FFC];
	_ =	sdelay $0x3  }
0x94: {  	_ =	strace s2  }
0x95: {  	s2 =	sld [smem:$0x3FFD];
	_ =	sdelay $0x3  }
0x96: {  	_ =	strace s2  }
0x97: {  	_ =	strace $0x8FFFFFFF  }
0x98: {  	s18 =	sld [smem:$0x3FDB];
	_ =	sdelay $0x1  }
0x99: {  	s19 =	simm.s32 $_scs_section_size  }
0x9a: {  	s4 =	simm.s32 $_size__tile_overlayer_lowered;
	s5 =	simm.s32 $_tile_overlayer_lowered  }
0x9b: {  	s22 =	simm.s32 $0x1BFF;
	s21 =	sshll.u32 s5, $0x1;
	s2 =	sadd.s32 s19, s18  }
0x9c: {  	s6 =	simm.s32 $0x0;
	s20 =	sshll.u32 s4, $0x1;
	s4 =	sadd.s32 s21, s2  }
0x9d: {  	[timem:s6], [sflag:s22] =	dma.local [hbm:s4], s20  }
0x9e: {  	_ =	swait.ge [sflag:s22], s20  }
0x9f: {  	s3 =	ssub.s32 $0x0, s20;
	[sflag:s22] =	ssyncset.done $0x0  }
0xa0: {  	[sflag:s22] =	ssyncadd.s32 s3;
	_ =	sdelay $0x1  }
0xa1: {  	s23 =	simm.s32 $0x1B8B  }
0xa2: {  	_ =	swait.ge [sflag:s23], $0x1  }
0xa3: {  	[sflag:s23] =	ssyncset.done $0x0  }
0xa4: {  	s25 =	simm.s32 $0x1B8E;
	s24 =	sld [smem:$0x3FFE];
	[sflag:s23] =	ssyncadd.s32 $0xFFFFFFFF  }
0xa5: {  	s26 =	simm.s32 $execute0_lowered;
	[smem:$0x3FD2] =	sst s25  }
0xa6: {  	s4 =	sshll.u32 s26, $0x1;
	_ =	strace $0x80000046;
	[dreg:$0x1] =	wrdreg $0xFFFFFFFF  }
0xa7: {  	s28 =	simm.s32 $_size_execute0_lowered;
	s2 =	sadd.s32 s2, s4;
	[dreg:$0x0] =	wrdreg $0x0  }
0xa8: {  	s4 =	sshll.u32 s28, $0x1;
	[dreg:$0x2] =	wrdreg s2  }
0xa9: {  	[dreg:$0x3] =	wrdreg s4  }
0xaa: {  	[dreg:$0x4] =	wrdreg $0xC0  }
0xab: {  	_ =	task [dreg:s6], $0x5FFFF  }
0xac: {  	[dreg:$0x1] =	wrdreg $0xFFFFFFFF  }
0xad: {  	[dreg:$0x0] =	wrdreg $0x60  }
0xae: {  	[dreg:$0x2] =	wrdreg s24  }
0xaf: {  	[dreg:$0x3] =	wrdreg $0x9  }
0xb0: {  	_ =	task.clear_ibuf [dreg:s6], $0x4FFFF;
	_ =	strace $0x90000046  }
0xb1: {  	s29 =	simm.s32 $0x9;
	_ =	strace $0x80000048  }
0xb2: {  	_ =	swait.ge [sflag:s29], $0x1  }
0xb3: {  	[sflag:s29] =	ssyncadd.s32 $0xFFFFFFFF  }
0xb4: {  	_ =	strace $0x90000048  }
0xb5: {  	_ =	sfence  }
0xb6: {  	s30 =	sld [smem:$0x0];
	_ =	sdelay $0x2  }
0xb7: {  	s31 =	sshll.u32 s1, $0xD;
	s1 =	sshrl.u32 s1, $0x2  }
0xb8: {  	s3 =	sand.u32 $0x4000, s31;
	s1 =	sadd.s32 s1, s30  }
0xb9: {  	s0 =	sor.u32 s3, s0;
	s1 =	sshll.u32 s1, $0x11  }
0xba: {  	s0 =	sor.u32 s1, s0  }
0xbb: {  	s0 =	sadd.s32 $0x8F2B, s0  }
0xbc: {  	[sflag:s0] =	ssyncadd.remote.s32 $0x1  }
0xbd: {  	_ =	sfence.sel $0xFFFF  }
0xbe: {  	[dreg:$0x0] =	wrdreg $0xFFFFFFFF;
	(pc) =	sbr.abs _section_cstart, $3  }
0xbf: {  	[dreg:$0x1] =	wrdreg $0xFFFFFFFF  }
0xc0: {  	_ =	task.clear_ibuf [dreg:s6], $0x2FFFF;
	_ =	strace $0x9FFFFFFF  }
0xc1: {  	(tm) =	ssettm $0x7FFFFFFF  }
tec
execute0_lowered:
.L_overlay_start_1:
0x0: {  	(tag) =	ssettag $0x1  }
0x1: {  	s0 =	srdreg.scid  }
0x2: {  	s17 =	stileid.u32;
	s11 =	rddreg [dreg:$0x0];
	s29 =	simm.s32 $0x10000  }
0x3: {  	s10 =	sand.u32 $0x1, s0;
	s25 =	sshll.u32 s17, $0x5;
	s0 =	sand.u32 $0x3, s17  }
0x4: {  	s7 =	sadd.s32 $0x600, s11;
	s8 =	sadd.s32 $0x40600, s11;
	s14 =	sshll.u32 s17, $0xE  }
0x5: {  	s15 =	sshll.u32 s17, $0x7;
	s18 =	sand.u32 $0xC, s17;
	s21 =	sor.u32 $0x3, s17  }
0x6: {  	s1 =	sshll.u32 s10, $0x9;
	s2 =	sand.u32 $0x180, s25;
	s26 =	sshll.u32 s0, $0x13  }
0x7: {  	s28 =	ssub.s32 $0x2, s10;
	s30 =	sor.u32 s14, s15;
	s10 =	sshll.u32 s10, $0x12  }
0x8: {  	s14 =	sand.u32 $0x20000, s14;
	s31 =	sshll.u32 s0, $0xE;
	s19 =	sor.u32 $0x1, s18  }
0x9: {  	[dreg:$0x2] =	wrdreg s18;
	s20 =	sor.u32 $0x2, s18;
	s17 =	sand.u32 $0x200, s15  }
0xa: {  	[dreg:$0x5] =	wrdreg s21;
	p0 =	sgt.s32 s0, $0x1;
	p1 =	seq.s32 s0, $0x0  }
0xb: {  	p2 =	sne.s32 s0, $0x0;
	p3 =	seq.s32 s0, $0x2;
	s0 =	sshll.u32 s0, $0xB  }
0xc: {  	s12 =	sor.u32 s1, s2;
	s3 =	sshrl.u32 s28, $0x1;
	[dreg:$0x3] =	wrdreg s19  }
0xd: {  	s23 =	sshll.u32 s19, $0x7;
	[dreg:$0x4] =	wrdreg s20;
	s1 =	sor.u32 s26, s12  }
0xe: {  	s9 =	ssub.s32 s28, s3;
	s25 =	sand.u32 $0x280, s23;
	s12 =	sshrl.u32 s12, $0x3  }
0xf: {  	s26 =	sshll.u32 s20, $0x7;
	s13 =	sshrl.u32 s1, $0x3;
	s12 =	sadd.s32 s12, s11  }
0x10: {  	s1 =	sadd.s32 s7, s13;
	s4 =	sor.u32 $0x4000, s13;
	s2 =	sadd.s32 s8, s13  }
0x11: {  	s6 =	sor.u32 $0x8000, s13;
	s13 =	sor.u32 $0xC000, s13;
	s3 =	sadd.s32 s7, s4  }
0x12: {  	s4 =	sadd.s32 s8, s4;
	s5 =	sadd.s32 s7, s6;
	s6 =	sadd.s32 s8, s6  }
0x13: {  	s7 =	sadd.s32 s7, s13;
	s8 =	sadd.s32 s8, s13;
	s13 =	sand.u32 $0x20380, s30  }
0x14: {  	s11 =	sadd.s32 $0x80600, s11;
	s30 =	sshll.u32 s21, $0x7;
	s16 =	sor.u32 s10, s13  }
0x15: {  	s13 =	sor.u32 s31, s14;
	s20 =	sand.u32 $0x380, s30;
	s30 =	sadd.s32 $0x90600, s12  }
0x16: {  	s12 =	simm.s32 $0x2;
	s10 =	sor.u32 s10, s13;
	s13 =	simm.s32 $0x0  }
0x17: {  	s16 =	sshrl.u32 s16, $0x3;
	s14 =	sor.u32 s17, s10;
	s18 =	sor.u32 $0x10000, s10  }
0x18: {  	s28 =	sor.u32 s25, s10;
	[smem:$0x7FF] =	sst s13;
	s16 =	sadd.s32 s11, s16  }
0x19: {  	s24 =	sor.u32 s17, s18;
	s17 =	sand.u32 $0x300, s26;
	s31 =	sor.u32 s25, s18  }
0x1a: {  	s15 =	sor.u32 s20, s18;
	[dreg:$0x6] =	wrdreg s16;
	s14 =	sshrl.u32 s14, $0x3  }
0x1b: {  	s22 =	sor.u32 s17, s10;
	s23 =	sor.u32 s17, s18;
	s10 =	sor.u32 s20, s10  }
0x1c: {  	s17 =	sshrl.u32 s24, $0x3;
	s14 =	sadd.s32 s11, s14;
	s20 =	sshrl.u32 s28, $0x3  }
0x1d: {  	s24 =	sshrl.u32 s31, $0x3;
	s28 =	sshrl.u32 s15, $0x3;
	s31 =	smax.u32 s9, $0x1  }
0x1e: {  	[dreg:$0x7] =	wrdreg s14;
	s18 =	sadd.s32 s11, s17;
	s17 =	sadd.s32 s11, s20  }
0x1f: {  	s25 =	sshrl.u32 s22, $0x3;
	s26 =	sshrl.u32 s23, $0x3;
	s10 =	sshrl.u32 s10, $0x3  }
0x20: {  	v0 =	vlaneseq.u32;
	s23 =	sadd.s32 s11, s28;
	[dreg:$0x8] =	wrdreg s18;
	s18 =	sadd.s32 s11, s24  }
0x21: {  	v2 =	vmul.u32 $0xFFFFFFFF, v0;
	s19 =	sadd.s32 s11, s25;
	_ =	strace $0x80000047;
	[dreg:$0x9] =	wrdreg s0  }
0x22: {  	s21 =	sadd.s32 s11, s26;
	s22 =	sadd.s32 s11, s10;
	[dreg:$0xa] =	wrdreg s30  }
0x23: {  	v1 =	vimm.f32 $1.000000000e+00;
	v0 =	vimm.f32 $0.0e+00;
	v2 =	vadd.s32 $0x4E7F, v2;
	s10 =	simm.s32 $0x0;
	[dreg:$0xb] =	wrdreg s31;
	s0 =	simm.s32 $0x1  }
.LBB2_1:
0x24: {  	[dreg:$0xc] =	wrdreg s10  }
0x25: {  	[smem:$0x0] =	sst s13  }
0x26: {  	[smem:$0x1] =	sst s13  }
0x27: {  	[smem:$0x2] =	sst s13  }
0x28: {  	s9 =	simm.s32 $0x0;
	[smem:$0x3] =	sst s13  }
.LBB2_2:
0x29: {  	p4 =	sne.s32 s9, $0xFF00  }
.Ltmp0:
0x2a: {  	s10 =	sshra.s32 s9, $0x2;
	(pc) =	sbr.rel @p4 .LBB2_2-.Ltmp0, $4  }
0x2b: {  	[tilespmem:s10+$0x10000] =	vst v0  }
0x2c: {  	[tilespmem:s10+$0x10010] =	vst v0  }
0x2d: {  	[tilespmem:s10+$0x10020] =	vst v0  }
0x2e: {  	s9 =	sadd.s32 $0x100, s9;
	[tilespmem:s10+$0x10030] =	vst v0  }
0x2f: {  	s9 =	simm.s32 $0x0  }
0x30: {  	s10 =	simm.s32 $0x80;
	s14 =	sadd.s32 $0x0, s1;
	s11 =	simm.s32 $0x100  }
.LBB2_4:
0x31: {  	[tilespmem:s9], [sflag:$0x1] =	stream.linear.gather [hbm4b:s14+s13], $0x80, $0x38;
	[tilespmem:$0x19100] =	vst v63  }
0x32: {  	s14 =	smov.u32 s10;
	s9 =	smov.u32 s11;
	p4 =	sne.s32 s10, $0x3F80  }
.Ltmp1:
0x33: {  	s10 =	sadd.s32 $0x80, s10;
	(pc) =	sbr.rel @p4 .LBB2_4-.Ltmp1, $2  }
0x34: {  	_ =	sdelay $0x2  }
0x35: {  	s11 =	sadd.s32 $0x100, s11;
	s14 =	sadd.s32 s14, s1  }
0x36: {  	[tilespmem:s9], [sflag:$0x1] =	stream.linear.gather [hbm4b:s14+s13], $0x80, $0x38;
	[tilespmem:$0x19100] =	vst v63  }
0x37: {  	s9 =	simm.s32 $0x8000  }
0x38: {  	s10 =	simm.s32 $0x80;
	s14 =	sadd.s32 $0x0, s2;
	s11 =	simm.s32 $0x8100  }
.LBB2_6:
0x39: {  	[tilespmem:s9], [sflag:$0x1] =	stream.linear.gather [hbm4b:s14+s13], $0x80, $0x38;
	[tilespmem:$0x19100] =	vst v63  }
0x3a: {  	s14 =	smov.u32 s10;
	s9 =	smov.u32 s11;
	p4 =	sne.s32 s10, $0x3F80  }
.Ltmp2:
0x3b: {  	s10 =	sadd.s32 $0x80, s10;
	(pc) =	sbr.rel @p4 .LBB2_6-.Ltmp2, $2  }
0x3c: {  	_ =	sdelay $0x2  }
0x3d: {  	s11 =	sadd.s32 $0x100, s11;
	s14 =	sadd.s32 s14, s2  }
0x3e: {  	[tilespmem:s9], [sflag:$0x1] =	stream.linear.gather [hbm4b:s14+s13], $0x80, $0x38;
	[tilespmem:$0x19100] =	vst v63  }
0x3f: {  	s9 =	simm.s32 $0x80  }
0x40: {  	s10 =	simm.s32 $0x80;
	s14 =	sadd.s32 $0x0, s3;
	s11 =	simm.s32 $0x180  }
.LBB2_8:
0x41: {  	[tilespmem:s9], [sflag:$0x2] =	stream.linear.gather [hbm4b:s14+s13], $0x80, $0x38;
	[tilespmem:$0x19100] =	vst v63  }
0x42: {  	s14 =	smov.u32 s10;
	s9 =	smov.u32 s11;
	p4 =	sne.s32 s10, $0x3F80  }
.Ltmp3:
0x43: {  	s10 =	sadd.s32 $0x80, s10;
	(pc) =	sbr.rel @p4 .LBB2_8-.Ltmp3, $2  }
0x44: {  	_ =	sdelay $0x2  }
0x45: {  	s11 =	sadd.s32 $0x100, s11;
	s14 =	sadd.s32 s14, s3  }
0x46: {  	[tilespmem:s9], [sflag:$0x2] =	stream.linear.gather [hbm4b:s14+s13], $0x80, $0x38;
	[tilespmem:$0x19100] =	vst v63  }
0x47: {  	s9 =	simm.s32 $0x8080  }
0x48: {  	s10 =	simm.s32 $0x80;
	s14 =	sadd.s32 $0x0, s4;
	s11 =	simm.s32 $0x8180  }
.LBB2_10:
0x49: {  	[tilespmem:s9], [sflag:$0x2] =	stream.linear.gather [hbm4b:s14+s13], $0x80, $0x38;
	[tilespmem:$0x19100] =	vst v63  }
0x4a: {  	s14 =	smov.u32 s10;
	s9 =	smov.u32 s11;
	p4 =	sne.s32 s10, $0x3F80  }
.Ltmp4:
0x4b: {  	s10 =	sadd.s32 $0x80, s10;
	(pc) =	sbr.rel @p4 .LBB2_10-.Ltmp4, $2  }
0x4c: {  	_ =	sdelay $0x2  }
0x4d: {  	s11 =	sadd.s32 $0x100, s11;
	s14 =	sadd.s32 s14, s4  }
0x4e: {  	[tilespmem:s9], [sflag:$0x2] =	stream.linear.gather [hbm4b:s14+s13], $0x80, $0x38;
	[tilespmem:$0x19100] =	vst v63  }
0x4f: {  	_ =	swait.ge [sflag:s0], $0x4000  }
0x50: {  	[sflag:s0] =	ssyncset.done $0x0  }
0x51: {  	[sflag:s0] =	ssyncadd.s32 $0xFFFFC000  }
0x52: {  	_ =	swait.ge [sflag:s0], $0x4000  }
0x53: {  	v3 =	vimm.s32 $0x0;
	[sflag:s0] =	ssyncset.done $0x0  }
0x54: {  	s9 =	simm.s32 $0x0;
	s10 =	simm.s32 $0x0;
	v4 =	vimm.s32 $0x0;
	v5 =	vimm.s32 $0x0;
	v6 =	vimm.s32 $0x0;
	[sflag:s0] =	ssyncadd.s32 $0xFFFFC000  }
.LBB2_12:
0x55: {  	s11 =	sand.u32 $0x40, s10;
	s14 =	sand.u32 $0x7F00, s9  }
0x56: {  	s11 =	sor.u32 s11, s14  }
0x57: {  	v7 =	vld [tilespmem:s11+$0x8000];
	_ =	sdelay $0x1  }
0x58: {  	v8 =	vld [tilespmem:s11+$0x0];
	_ =	sdelay $0x2  }
0x59: {  	v9 =	vshll.u32 v7, $0x1F  }
0x5a: {  	v9 =	vxor.u32 $0xBF800000, v9  }
0x5b: {  	v8 =	vmul.f32 v9, v8;
	_ =	sdelay $0x1  }
0x5c: {  	v8 =	vsub.f32 $1.000000000e+00, v8;
	_ =	sdelay $0x1  }
0x5d: {  	v48 =	vmax.f32 v8, $0.0e+00  }
0x5e: {  	v9 =	vshrl.u32 v48, $0x10  }
0x5f: {  	v9 =	vmax.u32 v9, $0x2E80  }
0x60: {  	v10 =	vmax.u32 v9, $0x4E7F  }
0x61: {  	v11 =	vshll.u32 v7, $0xD;
	vm0 =	vgt.f32 v8, $0.0e+00;
	v9 =	vsub.s32 v10, v9  }
0x62: {  	v8 =	vadd.s32 v9, v11;
	_ =	sdelay $0x4  }
0x63: {  	[tilespmem:v8+s29+$0x0] =	vst.idx.add.f32.msk vm0, v1  }
0x64: {  	v8 =	vld [tilespmem:s11+$0x8010];
	_ =	sdelay $0x1  }
0x65: {  	v49 =	vld [tilespmem:s11+$0x10];
	_ =	sdelay $0x2  }
0x66: {  	v50 =	vshll.u32 v8, $0x1F  }
0x67: {  	v10 =	vxor.u32 $0xBF800000, v50  }
0x68: {  	v9 =	vmul.f32 v10, v49;
	_ =	sdelay $0x1  }
0x69: {  	v9 =	vsub.f32 $1.000000000e+00, v9;
	_ =	sdelay $0x1  }
0x6a: {  	v51 =	vmax.f32 v9, $0.0e+00  }
0x6b: {  	v10 =	vshrl.u32 v51, $0x10  }
0x6c: {  	v10 =	vmax.u32 v10, $0x2E80  }
0x6d: {  	v52 =	vmax.u32 v10, $0x4E7F  }
0x6e: {  	v12 =	vshll.u32 v8, $0xD;
	vm13 =	vgt.f32 v9, $0.0e+00;
	v10 =	vsub.s32 v52, v10  }
0x6f: {  	v53 =	vadd.s32 v10, v12;
	_ =	sdelay $0x4  }
0x70: {  	[tilespmem:v53+s29+$0x0] =	vst.idx.add.f32.msk vm13, v1  }
0x71: {  	v9 =	vld [tilespmem:s11+$0x8020];
	_ =	sdelay $0x1  }
0x72: {  	v54 =	vld [tilespmem:s11+$0x20];
	_ =	sdelay $0x2  }
0x73: {  	v55 =	vshll.u32 v9, $0x1F  }
0x74: {  	v11 =	vxor.u32 $0xBF800000, v55  }
0x75: {  	v10 =	vmul.f32 v11, v54;
	_ =	sdelay $0x1  }
0x76: {  	v10 =	vsub.f32 $1.000000000e+00, v10;
	_ =	sdelay $0x1  }
0x77: {  	v56 =	vmax.f32 v10, $0.0e+00  }
0x78: {  	v11 =	vshrl.u32 v56, $0x10  }
0x79: {  	v11 =	vmax.u32 v11, $0x2E80  }
0x7a: {  	v57 =	vmax.u32 v11, $0x4E7F  }
0x7b: {  	v13 =	vshll.u32 v9, $0xD;
	vm14 =	vgt.f32 v10, $0.0e+00;
	v11 =	vsub.s32 v57, v11  }
0x7c: {  	v58 =	vadd.s32 v11, v13;
	_ =	sdelay $0x4  }
0x7d: {  	[tilespmem:v58+s29+$0x0] =	vst.idx.add.f32.msk vm14, v1  }
0x7e: {  	v10 =	vld [tilespmem:s11+$0x8030];
	_ =	sdelay $0x1  }
0x7f: {  	v59 =	vld [tilespmem:s11+$0x30];
	_ =	sdelay $0x2  }
0x80: {  	v60 =	vshll.u32 v10, $0x1F  }
0x81: {  	v12 =	vxor.u32 $0xBF800000, v60  }
0x82: {  	v11 =	vmul.f32 v12, v59;
	_ =	sdelay $0x1  }
0x83: {  	v11 =	vsub.f32 $1.000000000e+00, v11;
	_ =	sdelay $0x1  }
0x84: {  	v61 =	vmax.f32 v11, $0.0e+00  }
0x85: {  	v12 =	vshrl.u32 v61, $0x10  }
0x86: {  	v12 =	vmax.u32 v12, $0x2E80  }
0x87: {  	v62 =	vmax.u32 v12, $0x4E7F  }
0x88: {  	v63 =	vshll.u32 v10, $0xD;
	vm15 =	vgt.f32 v11, $0.0e+00;
	v12 =	vsub.s32 v62, v12  }
0x89: {  	p4 =	sne.s32 s10, $0x3FC0;
	v11 =	vadd.s32 v12, v63  }
.Ltmp5:
0x8a: {  	_ = 	snop;
	(pc) =	sbr.rel @p4 .LBB2_12-.Ltmp5, $3  }
0x8b: {  	_ =	sdelay $0x1  }
0x8c: {  	v6 =	vadd.s32 v6, v7;
	v5 =	vadd.s32 v5, v8  }
0x8d: {  	s9 =	sadd.s32 $0x80, s9;
	s10 =	sadd.s32 $0x40, s10;
	v4 =	vadd.s32 v4, v9;
	v3 =	vadd.s32 v3, v10;
	[tilespmem:v11+s29+$0x0] =	vst.idx.add.f32.msk vm15, v1  }
0x8e: {  	s9 =	simm.s32 $0x0  }
0x8f: {  	s10 =	simm.s32 $0x80;
	s14 =	sadd.s32 $0x0, s5;
	s11 =	simm.s32 $0x100  }
.LBB2_14:
0x90: {  	[tilespmem:s9], [sflag:$0x1] =	stream.linear.gather [hbm4b:s14+s13], $0x80, $0x38;
	[tilespmem:$0x19100] =	vst v63  }
0x91: {  	s14 =	smov.u32 s10;
	s9 =	smov.u32 s11;
	p4 =	sne.s32 s10, $0x3F80  }
.Ltmp6:
0x92: {  	s10 =	sadd.s32 $0x80, s10;
	(pc) =	sbr.rel @p4 .LBB2_14-.Ltmp6, $2  }
0x93: {  	_ =	sdelay $0x2  }
0x94: {  	s11 =	sadd.s32 $0x100, s11;
	s14 =	sadd.s32 s14, s5  }
0x95: {  	[tilespmem:s9], [sflag:$0x1] =	stream.linear.gather [hbm4b:s14+s13], $0x80, $0x38;
	[tilespmem:$0x19100] =	vst v63  }
0x96: {  	s9 =	simm.s32 $0x8000  }
0x97: {  	s10 =	simm.s32 $0x80;
	s14 =	sadd.s32 $0x0, s6;
	s11 =	simm.s32 $0x8100  }
.LBB2_16:
0x98: {  	[tilespmem:s9], [sflag:$0x1] =	stream.linear.gather [hbm4b:s14+s13], $0x80, $0x38;
	[tilespmem:$0x19100] =	vst v63  }
0x99: {  	s14 =	smov.u32 s10;
	s9 =	smov.u32 s11;
	p4 =	sne.s32 s10, $0x3F80  }
.Ltmp7:
0x9a: {  	s10 =	sadd.s32 $0x80, s10;
	(pc) =	sbr.rel @p4 .LBB2_16-.Ltmp7, $2  }
0x9b: {  	_ =	sdelay $0x2  }
0x9c: {  	s11 =	sadd.s32 $0x100, s11;
	s14 =	sadd.s32 s14, s6  }
0x9d: {  	[tilespmem:s9], [sflag:$0x1] =	stream.linear.gather [hbm4b:s14+s13], $0x80, $0x38;
	[tilespmem:$0x19100] =	vst v63  }
0x9e: {  	_ =	swait.ge [sflag:s12], $0x4000  }
0x9f: {  	[sflag:s12] =	ssyncset.done $0x0  }
0xa0: {  	[sflag:s12] =	ssyncadd.s32 $0xFFFFC000  }
0xa1: {  	_ =	swait.ge [sflag:s12], $0x4000  }
0xa2: {  	s9 =	simm.s32 $0x0;
	[sflag:s12] =	ssyncset.done $0x0  }
0xa3: {  	p4 =	por $0x0, $0x0;
	s10 =	simm.s32 $0x0;
	[sflag:s12] =	ssyncadd.s32 $0xFFFFC000  }
.LBB2_18:
0xa4: {  	s11 =	simm.s32 $0x1  }
0xa5: {  	s11 =	simm.s32 @!p4 $0x0  }
0xa6: {  	s11 =	sshll.u32 s11, $0x6  }
0xa7: {  	s11 =	sadd.s32 s11, s9  }
0xa8: {  	s14 =	sor.u32 $0x80, s11  }
0xa9: {  	v7 =	vld [tilespmem:s14+$0x8000];
	_ =	sdelay $0x1  }
0xaa: {  	v8 =	vld [tilespmem:s14+$0x0];
	_ =	sdelay $0x2  }
0xab: {  	v9 =	vshll.u32 v7, $0x1F  }
0xac: {  	v9 =	vxor.u32 $0xBF800000, v9  }
0xad: {  	v8 =	vmul.f32 v9, v8;
	_ =	sdelay $0x1  }
0xae: {  	v8 =	vsub.f32 $1.000000000e+00, v8;
	_ =	sdelay $0x1  }
0xaf: {  	v48 =	vmax.f32 v8, $0.0e+00  }
0xb0: {  	v9 =	vshrl.u32 v48, $0x10  }
0xb1: {  	v9 =	vmax.u32 v9, $0x2E80  }
0xb2: {  	v10 =	vmax.u32 v9, $0x4E7F  }
0xb3: {  	v11 =	vshll.u32 v7, $0xD;
	vm0 =	vgt.f32 v8, $0.0e+00;
	v9 =	vsub.s32 v10, v9  }
0xb4: {  	v8 =	vadd.s32 v9, v11;
	_ =	sdelay $0x4  }
0xb5: {  	s30 =	sor.u32 $0x90, s11;
	[tilespmem:v8+s29+$0x0] =	vst.idx.add.f32.msk vm0, v1  }
0xb6: {  	v8 =	vld [tilespmem:s30+$0x8000];
	_ =	sdelay $0x1  }
0xb7: {  	v49 =	vld [tilespmem:s30+$0x0];
	_ =	sdelay $0x2  }
0xb8: {  	v50 =	vshll.u32 v8, $0x1F  }
0xb9: {  	v10 =	vxor.u32 $0xBF800000, v50  }
0xba: {  	v9 =	vmul.f32 v10, v49;
	_ =	sdelay $0x1  }
0xbb: {  	v9 =	vsub.f32 $1.000000000e+00, v9;
	_ =	sdelay $0x1  }
0xbc: {  	v51 =	vmax.f32 v9, $0.0e+00  }
0xbd: {  	v10 =	vshrl.u32 v51, $0x10  }
0xbe: {  	v10 =	vmax.u32 v10, $0x2E80  }
0xbf: {  	v52 =	vmax.u32 v10, $0x4E7F  }
0xc0: {  	v12 =	vshll.u32 v8, $0xD;
	vm13 =	vgt.f32 v9, $0.0e+00;
	v10 =	vsub.s32 v52, v10  }
0xc1: {  	v53 =	vadd.s32 v10, v12;
	_ =	sdelay $0x4  }
0xc2: {  	s31 =	sor.u32 $0xA0, s11;
	[tilespmem:v53+s29+$0x0] =	vst.idx.add.f32.msk vm13, v1  }
0xc3: {  	v9 =	vld [tilespmem:s31+$0x8000];
	_ =	sdelay $0x1  }
0xc4: {  	v54 =	vld [tilespmem:s31+$0x0];
	_ =	sdelay $0x2  }
0xc5: {  	v55 =	vshll.u32 v9, $0x1F  }
0xc6: {  	v11 =	vxor.u32 $0xBF800000, v55  }
0xc7: {  	v10 =	vmul.f32 v11, v54;
	_ =	sdelay $0x1  }
0xc8: {  	v10 =	vsub.f32 $1.000000000e+00, v10;
	_ =	sdelay $0x1  }
0xc9: {  	v56 =	vmax.f32 v10, $0.0e+00  }
0xca: {  	v11 =	vshrl.u32 v56, $0x10  }
0xcb: {  	v11 =	vmax.u32 v11, $0x2E80  }
0xcc: {  	v57 =	vmax.u32 v11, $0x4E7F  }
0xcd: {  	v13 =	vshll.u32 v9, $0xD;
	vm14 =	vgt.f32 v10, $0.0e+00;
	v11 =	vsub.s32 v57, v11  }
0xce: {  	v58 =	vadd.s32 v11, v13;
	_ =	sdelay $0x4  }
0xcf: {  	s11 =	sor.u32 $0xB0, s11;
	[tilespmem:v58+s29+$0x0] =	vst.idx.add.f32.msk vm14, v1  }
0xd0: {  	v10 =	vld [tilespmem:s11+$0x8000];
	_ =	sdelay $0x1  }
0xd1: {  	v59 =	vld [tilespmem:s11+$0x0];
	_ =	sdelay $0x2  }
0xd2: {  	v60 =	vshll.u32 v10, $0x1F  }
0xd3: {  	v12 =	vxor.u32 $0xBF800000, v60  }
0xd4: {  	v11 =	vmul.f32 v12, v59;
	_ =	sdelay $0x1  }
0xd5: {  	v11 =	vsub.f32 $1.000000000e+00, v11;
	_ =	sdelay $0x1  }
0xd6: {  	v61 =	vmax.f32 v11, $0.0e+00  }
0xd7: {  	v12 =	vshrl.u32 v61, $0x10  }
0xd8: {  	v12 =	vmax.u32 v12, $0x2E80  }
0xd9: {  	v62 =	vmax.u32 v12, $0x4E7F  }
0xda: {  	v63 =	vshll.u32 v10, $0xD;
	vm15 =	vgt.f32 v11, $0.0e+00;
	v12 =	vsub.s32 v62, v12  }
0xdb: {  	p5 =	sne.s32 s10, $0x3FC0;
	v11 =	vadd.s32 v12, v63  }
.Ltmp8:
0xdc: {  	_ = 	snop;
	(pc) =	sbr.rel @p5 .LBB2_18-.Ltmp8, $3  }
0xdd: {  	_ =	sdelay $0x1  }
0xde: {  	v6 =	vadd.s32 v6, v7;
	v5 =	vadd.s32 v5, v8  }
0xdf: {  	s10 =	sadd.s32 $0x40, s10;
	p4 =	por !p4, !p4;
	s9 =	sadd.s32 $0x80, s9;
	v4 =	vadd.s32 v4, v9;
	v3 =	vadd.s32 v3, v10;
	[tilespmem:v11+s29+$0x0] =	vst.idx.add.f32.msk vm15, v1  }
0xe0: {  	s9 =	simm.s32 $0x80  }
0xe1: {  	s10 =	simm.s32 $0x80;
	s14 =	sadd.s32 $0x0, s7;
	s11 =	simm.s32 $0x180  }
.LBB2_20:
0xe2: {  	[tilespmem:s9], [sflag:$0x2] =	stream.linear.gather [hbm4b:s14+s13], $0x80, $0x38;
	[tilespmem:$0x19100] =	vst v63  }
0xe3: {  	s14 =	smov.u32 s10;
	s9 =	smov.u32 s11;
	p4 =	sne.s32 s10, $0x3F80  }
.Ltmp9:
0xe4: {  	s10 =	sadd.s32 $0x80, s10;
	(pc) =	sbr.rel @p4 .LBB2_20-.Ltmp9, $2  }
0xe5: {  	_ =	sdelay $0x2  }
0xe6: {  	s11 =	sadd.s32 $0x100, s11;
	s14 =	sadd.s32 s14, s7  }
0xe7: {  	[tilespmem:s9], [sflag:$0x2] =	stream.linear.gather [hbm4b:s14+s13], $0x80, $0x38;
	[tilespmem:$0x19100] =	vst v63  }
0xe8: {  	s9 =	simm.s32 $0x8080  }
0xe9: {  	s10 =	simm.s32 $0x80;
	s14 =	sadd.s32 $0x0, s8;
	s11 =	simm.s32 $0x8180  }
.LBB2_22:
0xea: {  	[tilespmem:s9], [sflag:$0x2] =	stream.linear.gather [hbm4b:s14+s13], $0x80, $0x38;
	[tilespmem:$0x19100] =	vst v63  }
0xeb: {  	s14 =	smov.u32 s10;
	s9 =	smov.u32 s11;
	p4 =	sne.s32 s10, $0x3F80  }
.Ltmp10:
0xec: {  	s10 =	sadd.s32 $0x80, s10;
	(pc) =	sbr.rel @p4 .LBB2_22-.Ltmp10, $2  }
0xed: {  	_ =	sdelay $0x2  }
0xee: {  	s11 =	sadd.s32 $0x100, s11;
	s14 =	sadd.s32 s14, s8  }
0xef: {  	[tilespmem:s9], [sflag:$0x2] =	stream.linear.gather [hbm4b:s14+s13], $0x80, $0x38;
	[tilespmem:$0x19100] =	vst v63  }
0xf0: {  	_ =	swait.ge [sflag:s0], $0x4000  }
0xf1: {  	[sflag:s0] =	ssyncset.done $0x0  }
0xf2: {  	[sflag:s0] =	ssyncadd.s32 $0xFFFFC000  }
0xf3: {  	_ =	swait.ge [sflag:s0], $0x4000  }
0xf4: {  	[sflag:s0] =	ssyncset.done $0x0  }
0xf5: {  	s9 =	simm.s32 $0x0;
	s10 =	simm.s32 $0x0;
	[sflag:s0] =	ssyncadd.s32 $0xFFFFC000  }
.LBB2_24:
0xf6: {  	s11 =	sand.u32 $0x40, s10;
	s14 =	sand.u32 $0x7F00, s9  }
0xf7: {  	s11 =	sor.u32 s11, s14  }
0xf8: {  	v7 =	vld [tilespmem:s11+$0x8000];
	_ =	sdelay $0x1  }
0xf9: {  	v8 =	vld [tilespmem:s11+$0x0];
	_ =	sdelay $0x2  }
0xfa: {  	v9 =	vshll.u32 v7, $0x1F  }
0xfb: {  	v9 =	vxor.u32 $0xBF800000, v9  }
0xfc: {  	v8 =	vmul.f32 v9, v8;
	_ =	sdelay $0x1  }
0xfd: {  	v8 =	vsub.f32 $1.000000000e+00, v8;
	_ =	sdelay $0x1  }
0xfe: {  	v48 =	vmax.f32 v8, $0.0e+00  }
0xff: {  	v9 =	vshrl.u32 v48, $0x10  }
0x100: {  	v9 =	vmax.u32 v9, $0x2E80  }
0x101: {  	v10 =	vmax.u32 v9, $0x4E7F  }
0x102: {  	v11 =	vshll.u32 v7, $0xD;
	vm0 =	vgt.f32 v8, $0.0e+00;
	v9 =	vsub.s32 v10, v9  }
0x103: {  	v8 =	vadd.s32 v9, v11;
	_ =	sdelay $0x4  }
0x104: {  	[tilespmem:v8+s29+$0x0] =	vst.idx.add.f32.msk vm0, v1  }
0x105: {  	v8 =	vld [tilespmem:s11+$0x8010];
	_ =	sdelay $0x1  }
0x106: {  	v49 =	vld [tilespmem:s11+$0x10];
	_ =	sdelay $0x2  }
0x107: {  	v50 =	vshll.u32 v8, $0x1F  }
0x108: {  	v10 =	vxor.u32 $0xBF800000, v50  }
0x109: {  	v9 =	vmul.f32 v10, v49;
	_ =	sdelay $0x1  }
0x10a: {  	v9 =	vsub.f32 $1.000000000e+00, v9;
	_ =	sdelay $0x1  }
0x10b: {  	v51 =	vmax.f32 v9, $0.0e+00  }
0x10c: {  	v10 =	vshrl.u32 v51, $0x10  }
0x10d: {  	v10 =	vmax.u32 v10, $0x2E80  }
0x10e: {  	v52 =	vmax.u32 v10, $0x4E7F  }
0x10f: {  	v12 =	vshll.u32 v8, $0xD;
	vm13 =	vgt.f32 v9, $0.0e+00;
	v10 =	vsub.s32 v52, v10  }
0x110: {  	v53 =	vadd.s32 v10, v12;
	_ =	sdelay $0x4  }
0x111: {  	[tilespmem:v53+s29+$0x0] =	vst.idx.add.f32.msk vm13, v1  }
0x112: {  	v9 =	vld [tilespmem:s11+$0x8020];
	_ =	sdelay $0x1  }
0x113: {  	v54 =	vld [tilespmem:s11+$0x20];
	_ =	sdelay $0x2  }
0x114: {  	v55 =	vshll.u32 v9, $0x1F  }
0x115: {  	v11 =	vxor.u32 $0xBF800000, v55  }
0x116: {  	v10 =	vmul.f32 v11, v54;
	_ =	sdelay $0x1  }
0x117: {  	v10 =	vsub.f32 $1.000000000e+00, v10;
	_ =	sdelay $0x1  }
0x118: {  	v56 =	vmax.f32 v10, $0.0e+00  }
0x119: {  	v11 =	vshrl.u32 v56, $0x10  }
0x11a: {  	v11 =	vmax.u32 v11, $0x2E80  }
0x11b: {  	v57 =	vmax.u32 v11, $0x4E7F  }
0x11c: {  	v13 =	vshll.u32 v9, $0xD;
	vm14 =	vgt.f32 v10, $0.0e+00;
	v11 =	vsub.s32 v57, v11  }
0x11d: {  	v58 =	vadd.s32 v11, v13;
	_ =	sdelay $0x4  }
0x11e: {  	[tilespmem:v58+s29+$0x0] =	vst.idx.add.f32.msk vm14, v1  }
0x11f: {  	v10 =	vld [tilespmem:s11+$0x8030];
	_ =	sdelay $0x1  }
0x120: {  	v59 =	vld [tilespmem:s11+$0x30];
	_ =	sdelay $0x2  }
0x121: {  	v60 =	vshll.u32 v10, $0x1F  }
0x122: {  	v12 =	vxor.u32 $0xBF800000, v60  }
0x123: {  	v11 =	vmul.f32 v12, v59;
	_ =	sdelay $0x1  }
0x124: {  	v11 =	vsub.f32 $1.000000000e+00, v11;
	_ =	sdelay $0x1  }
0x125: {  	v61 =	vmax.f32 v11, $0.0e+00  }
0x126: {  	v12 =	vshrl.u32 v61, $0x10  }
0x127: {  	v12 =	vmax.u32 v12, $0x2E80  }
0x128: {  	v62 =	vmax.u32 v12, $0x4E7F  }
0x129: {  	v63 =	vshll.u32 v10, $0xD;
	vm15 =	vgt.f32 v11, $0.0e+00;
	v12 =	vsub.s32 v62, v12  }
0x12a: {  	p4 =	sne.s32 s10, $0x3FC0;
	v11 =	vadd.s32 v12, v63  }
.Ltmp11:
0x12b: {  	_ = 	snop;
	(pc) =	sbr.rel @p4 .LBB2_24-.Ltmp11, $3  }
0x12c: {  	_ =	sdelay $0x1  }
0x12d: {  	v6 =	vadd.s32 v6, v7;
	v5 =	vadd.s32 v5, v8  }
0x12e: {  	s9 =	sadd.s32 $0x80, s9;
	s10 =	sadd.s32 $0x40, s10;
	v4 =	vadd.s32 v4, v9;
	v3 =	vadd.s32 v3, v10;
	[tilespmem:v11+s29+$0x0] =	vst.idx.add.f32.msk vm15, v1  }
0x12f: {  	_ =	swait.ge [sflag:s12], $0x4000  }
0x130: {  	[sflag:s12] =	ssyncset.done $0x0  }
0x131: {  	[sflag:s12] =	ssyncadd.s32 $0xFFFFC000  }
0x132: {  	_ =	swait.ge [sflag:s12], $0x4000  }
0x133: {  	s9 =	simm.s32 $0x0;
	[sflag:s12] =	ssyncset.done $0x0  }
0x134: {  	p4 =	por $0x0, $0x0;
	s10 =	simm.s32 $0x0;
	[sflag:s12] =	ssyncadd.s32 $0xFFFFC000  }
.LBB2_26:
0x135: {  	s11 =	simm.s32 $0x1  }
0x136: {  	s11 =	simm.s32 @!p4 $0x0  }
0x137: {  	s11 =	sshll.u32 s11, $0x6  }
0x138: {  	s11 =	sadd.s32 s11, s9  }
0x139: {  	s14 =	sor.u32 $0x80, s11  }
0x13a: {  	v7 =	vld [tilespmem:s14+$0x8000];
	_ =	sdelay $0x1  }
0x13b: {  	v8 =	vld [tilespmem:s14+$0x0];
	_ =	sdelay $0x2  }
0x13c: {  	v9 =	vshll.u32 v7, $0x1F  }
0x13d: {  	v9 =	vxor.u32 $0xBF800000, v9  }
0x13e: {  	v8 =	vmul.f32 v9, v8;
	_ =	sdelay $0x1  }
0x13f: {  	v8 =	vsub.f32 $1.000000000e+00, v8;
	_ =	sdelay $0x1  }
0x140: {  	v48 =	vmax.f32 v8, $0.0e+00  }
0x141: {  	v9 =	vshrl.u32 v48, $0x10  }
0x142: {  	v9 =	vmax.u32 v9, $0x2E80  }
0x143: {  	v10 =	vmax.u32 v9, $0x4E7F  }
0x144: {  	v11 =	vshll.u32 v7, $0xD;
	vm0 =	vgt.f32 v8, $0.0e+00;
	v9 =	vsub.s32 v10, v9  }
0x145: {  	v8 =	vadd.s32 v9, v11;
	_ =	sdelay $0x4  }
0x146: {  	s30 =	sor.u32 $0x90, s11;
	[tilespmem:v8+s29+$0x0] =	vst.idx.add.f32.msk vm0, v1  }
0x147: {  	v8 =	vld [tilespmem:s30+$0x8000];
	_ =	sdelay $0x1  }
0x148: {  	v49 =	vld [tilespmem:s30+$0x0];
	_ =	sdelay $0x2  }
0x149: {  	v50 =	vshll.u32 v8, $0x1F  }
0x14a: {  	v10 =	vxor.u32 $0xBF800000, v50  }
0x14b: {  	v9 =	vmul.f32 v10, v49;
	_ =	sdelay $0x1  }
0x14c: {  	v9 =	vsub.f32 $1.000000000e+00, v9;
	_ =	sdelay $0x1  }
0x14d: {  	v51 =	vmax.f32 v9, $0.0e+00  }
0x14e: {  	v10 =	vshrl.u32 v51, $0x10  }
0x14f: {  	v10 =	vmax.u32 v10, $0x2E80  }
0x150: {  	v52 =	vmax.u32 v10, $0x4E7F  }
0x151: {  	v12 =	vshll.u32 v8, $0xD;
	vm13 =	vgt.f32 v9, $0.0e+00;
	v10 =	vsub.s32 v52, v10  }
0x152: {  	v53 =	vadd.s32 v10, v12;
	_ =	sdelay $0x4  }
0x153: {  	s31 =	sor.u32 $0xA0, s11;
	[tilespmem:v53+s29+$0x0] =	vst.idx.add.f32.msk vm13, v1  }
0x154: {  	v9 =	vld [tilespmem:s31+$0x8000];
	_ =	sdelay $0x1  }
0x155: {  	v54 =	vld [tilespmem:s31+$0x0];
	_ =	sdelay $0x2  }
0x156: {  	v55 =	vshll.u32 v9, $0x1F  }
0x157: {  	v11 =	vxor.u32 $0xBF800000, v55  }
0x158: {  	v10 =	vmul.f32 v11, v54;
	_ =	sdelay $0x1  }
0x159: {  	v10 =	vsub.f32 $1.000000000e+00, v10;
	_ =	sdelay $0x1  }
0x15a: {  	v56 =	vmax.f32 v10, $0.0e+00  }
0x15b: {  	v11 =	vshrl.u32 v56, $0x10  }
0x15c: {  	v11 =	vmax.u32 v11, $0x2E80  }
0x15d: {  	v57 =	vmax.u32 v11, $0x4E7F  }
0x15e: {  	v13 =	vshll.u32 v9, $0xD;
	vm14 =	vgt.f32 v10, $0.0e+00;
	v11 =	vsub.s32 v57, v11  }
0x15f: {  	v58 =	vadd.s32 v11, v13;
	_ =	sdelay $0x4  }
0x160: {  	s11 =	sor.u32 $0xB0, s11;
	[tilespmem:v58+s29+$0x0] =	vst.idx.add.f32.msk vm14, v1  }
0x161: {  	v10 =	vld [tilespmem:s11+$0x8000];
	_ =	sdelay $0x1  }
0x162: {  	v59 =	vld [tilespmem:s11+$0x0];
	_ =	sdelay $0x2  }
0x163: {  	v60 =	vshll.u32 v10, $0x1F  }
0x164: {  	v12 =	vxor.u32 $0xBF800000, v60  }
0x165: {  	v11 =	vmul.f32 v12, v59;
	_ =	sdelay $0x1  }
0x166: {  	v11 =	vsub.f32 $1.000000000e+00, v11;
	_ =	sdelay $0x1  }
0x167: {  	v61 =	vmax.f32 v11, $0.0e+00  }
0x168: {  	v12 =	vshrl.u32 v61, $0x10  }
0x169: {  	v12 =	vmax.u32 v12, $0x2E80  }
0x16a: {  	v62 =	vmax.u32 v12, $0x4E7F  }
0x16b: {  	v63 =	vshll.u32 v10, $0xD;
	vm15 =	vgt.f32 v11, $0.0e+00;
	v12 =	vsub.s32 v62, v12  }
0x16c: {  	p5 =	sne.s32 s10, $0x3FC0;
	v11 =	vadd.s32 v12, v63  }
.Ltmp12:
0x16d: {  	_ = 	snop;
	(pc) =	sbr.rel @p5 .LBB2_26-.Ltmp12, $3  }
0x16e: {  	_ =	sdelay $0x1  }
0x16f: {  	v6 =	vadd.s32 v6, v7;
	v5 =	vadd.s32 v5, v8  }
0x170: {  	s10 =	sadd.s32 $0x40, s10;
	p4 =	por !p4, !p4;
	s9 =	sadd.s32 $0x80, s9;
	v4 =	vadd.s32 v4, v9;
	v3 =	vadd.s32 v3, v10;
	[tilespmem:v11+s29+$0x0] =	vst.idx.add.f32.msk vm15, v1  }
0x171: {  	v5 =	vadd.s32 v6, v5  }
0x172: {  	v4 =	vadd.s32 v4, v5  }
0x173: {  	v3 =	vadd.s32 v3, v4  }
0x174: {  	(xrf0) =	vadd.scan.msk.s32 $0xffff, v3;
	_ =	sdelay $0x5  }
0x175: {  	v3, _, _ =	vpop (xrf0)  }
0x176: {  	(v2sf) =	vpush v3, $0xF;
	_ =	sdelay $0xc  }
0x177: {  	s0 =	rddreg [dreg:$0x6];
	s11 =	simm.s32 $0x80;
	s12 =	simm.s32 $0x400  }
0x178: {  	[hbm4b:s0+s11] =	stream.strided.scatter [tilespmem:s29], [sflag:$0xE], $0x4000, s12, s11, $0x38;
	[tilespmem:$0x19100] =	vst v63  }
0x179: {  	s15 =	simm.s32 $0xE;
	s9 =	spop (v2sf)  }
0x17a: {  	_ =	swait.ge [sflag:s15], $0x4000  }
0x17b: {  	[sflag:s15] =	ssyncset.done $0x0  }
0x17c: {  	[sflag:s15] =	ssyncadd.s32 $0xFFFFC000  }
0x17d: {  	[bflag:$0x0] =	sbarrier.arrive $0xFFFF  }
0x17e: {  	s16 =	rddreg [dreg:$0x2]  }
0x17f: {  	s10 =	simm.s32 $0x3;
	s0 =	sshll.u32 s16, $0x10  }
0x180: {  	[sflag:s10] =	ssyncset.done $0x0;
	[dreg:$0xd] =	wrdreg s0  }
0x181: {  	[smem:s0], [sflag:$0x3] =	smem.add.s32 s9  }
0x182: {  	_ =	swait.done [sflag:s10]  }
0x183: {  	[sflag:s10] =	ssyncset.s32 $0x0  }
0x184: {  	s14 =	simm.s32 $0x4;
	s20 =	rddreg [dreg:$0x3];
	[sflag:s10] =	ssyncset.done $0x0  }
0x185: {  	s24 =	sshll.u32 s20, $0x10;
	[sflag:s14] =	ssyncset.done $0x0  }
0x186: {  	[smem:s24], [sflag:$0x4] =	smem.add.s32 s9  }
0x187: {  	_ =	swait.done [sflag:s14]  }
0x188: {  	[sflag:s14] =	ssyncset.s32 $0x0;
	s26 =	rddreg [dreg:$0x4]  }
0x189: {  	s25 =	simm.s32 $0x5;
	[sflag:s14] =	ssyncset.done $0x0;
	s0 =	sshll.u32 s26, $0x10  }
0x18a: {  	[sflag:s25] =	ssyncset.done $0x0;
	[dreg:$0xf] =	wrdreg s0  }
0x18b: {  	[smem:s0], [sflag:$0x5] =	smem.add.s32 s9  }
0x18c: {  	_ =	swait.done [sflag:s25]  }
0x18d: {  	[sflag:s25] =	ssyncset.s32 $0x0;
	s31 =	rddreg [dreg:$0x5]  }
0x18e: {  	s28 =	simm.s32 $0x6;
	[sflag:s25] =	ssyncset.done $0x0;
	s0 =	sshll.u32 s31, $0x10  }
0x18f: {  	[sflag:s28] =	ssyncset.done $0x0;
	[dreg:$0xe] =	wrdreg s0  }
0x190: {  	[smem:s0], [sflag:$0x6] =	smem.add.s32 s9  }
0x191: {  	_ =	swait.done [sflag:s28]  }
0x192: {  	[sflag:s28] =	ssyncset.s32 $0x0  }
0x193: {  	s14 =	simm.s32 $0x14000;
	s10 =	rddreg [dreg:$0x7];
	[sflag:s28] =	ssyncset.done $0x0  }
0x194: {  	[tilespmem:s14], [sflag:$0xE] =	stream.strided.gather [hbm4b:s10+s11], $0x800, s12, s11, $0x38;
	[tilespmem:$0x19100] =	vst v63  }
0x195: {  	_ =	swait.ge [sflag:s15], $0x800  }
0x196: {  	[sflag:s15] =	ssyncset.done $0x0  }
0x197: {  	s26 =	simm.s32 $0x14800;
	s16 =	rddreg [dreg:$0x8];
	[sflag:s15] =	ssyncadd.s32 $0xFFFFF800  }
0x198: {  	[tilespmem:s26], [sflag:$0xE] =	stream.strided.gather [hbm4b:s16+s11], $0x800, s12, s11, $0x38;
	[tilespmem:$0x19100] =	vst v63  }
0x199: {  	_ =	swait.ge [sflag:s15], $0x800  }
0x19a: {  	[sflag:s15] =	ssyncset.done $0x0  }
0x19b: {  	s20 =	simm.s32 $0x15000;
	s9 =	simm.s32 $0x0;
	[sflag:s15] =	ssyncadd.s32 $0xFFFFF800  }
0x19c: {  	[tilespmem:s20], [sflag:$0xE] =	stream.linear.gather [hbm4b:s17+s9], $0x80, $0x38;
	[tilespmem:$0x19100] =	vst v63  }
0x19d: {  	s24 =	sadd.s32 $0x80, s17;
	s25 =	simm.s32 $0x15400  }
0x19e: {  	[tilespmem:s25], [sflag:$0xE] =	stream.linear.gather [hbm4b:s24+s9], $0x80, $0x38;
	[tilespmem:$0x19100] =	vst v63  }
0x19f: {  	s31 =	simm.s32 $0x15800;
	s28 =	sadd.s32 $0x100, s17  }
0x1a0: {  	[tilespmem:s31], [sflag:$0xE] =	stream.linear.gather [hbm4b:s28+s9], $0x80, $0x38;
	[tilespmem:$0x19100] =	vst v63  }
0x1a1: {  	s11 =	sadd.s32 $0x180, s17;
	s12 =	simm.s32 $0x15C00  }
0x1a2: {  	[tilespmem:s12], [sflag:$0xE] =	stream.linear.gather [hbm4b:s11+s9], $0x80, $0x38;
	[tilespmem:$0x19100] =	vst v63  }
0x1a3: {  	s16 =	sadd.s32 $0x200, s17;
	s20 =	simm.s32 $0x16000  }
0x1a4: {  	[tilespmem:s20], [sflag:$0xE] =	stream.linear.gather [hbm4b:s16+s9], $0x80, $0x38;
	[tilespmem:$0x19100] =	vst v63  }
0x1a5: {  	s24 =	sadd.s32 $0x280, s17;
	s25 =	simm.s32 $0x16400  }
0x1a6: {  	[tilespmem:s25], [sflag:$0xE] =	stream.linear.gather [hbm4b:s24+s9], $0x80, $0x38;
	[tilespmem:$0x19100] =	vst v63  }
0x1a7: {  	s28 =	sadd.s32 $0x300, s17;
	s31 =	simm.s32 $0x16800  }
0x1a8: {  	[tilespmem:s31], [sflag:$0xE] =	stream.linear.gather [hbm4b:s28+s9], $0x80, $0x38;
	[tilespmem:$0x19100] =	vst v63  }
0x1a9: {  	s11 =	sadd.s32 $0x380, s17;
	s12 =	simm.s32 $0x16C00  }
0x1aa: {  	[tilespmem:s12], [sflag:$0xE] =	stream.linear.gather [hbm4b:s11+s9], $0x80, $0x38;
	[tilespmem:$0x19100] =	vst v63  }
0x1ab: {  	s16 =	sadd.s32 $0x400, s17;
	s20 =	simm.s32 $0x17000  }
0x1ac: {  	[tilespmem:s20], [sflag:$0xE] =	stream.linear.gather [hbm4b:s16+s9], $0x80, $0x38;
	[tilespmem:$0x19100] =	vst v63  }
0x1ad: {  	s24 =	sadd.s32 $0x480, s17;
	s25 =	simm.s32 $0x17400  }
0x1ae: {  	[tilespmem:s25], [sflag:$0xE] =	stream.linear.gather [hbm4b:s24+s9], $0x80, $0x38;
	[tilespmem:$0x19100] =	vst v63  }
0x1af: {  	s28 =	sadd.s32 $0x500, s17;
	s31 =	simm.s32 $0x17800  }
0x1b0: {  	[tilespmem:s31], [sflag:$0xE] =	stream.linear.gather [hbm4b:s28+s9], $0x80, $0x38;
	[tilespmem:$0x19100] =	vst v63  }
0x1b1: {  	s11 =	sadd.s32 $0x580, s17;
	s12 =	simm.s32 $0x17C00  }
0x1b2: {  	[tilespmem:s12], [sflag:$0xE] =	stream.linear.gather [hbm4b:s11+s9], $0x80, $0x38;
	[tilespmem:$0x19100] =	vst v63  }
0x1b3: {  	s16 =	sadd.s32 $0x600, s17;
	s20 =	simm.s32 $0x18000  }
0x1b4: {  	[tilespmem:s20], [sflag:$0xE] =	stream.linear.gather [hbm4b:s16+s9], $0x80, $0x38;
	[tilespmem:$0x19100] =	vst v63  }
0x1b5: {  	s24 =	sadd.s32 $0x680, s17;
	s25 =	simm.s32 $0x18400  }
0x1b6: {  	[tilespmem:s25], [sflag:$0xE] =	stream.linear.gather [hbm4b:s24+s9], $0x80, $0x38;
	[tilespmem:$0x19100] =	vst v63  }
0x1b7: {  	s28 =	sadd.s32 $0x700, s17;
	s31 =	simm.s32 $0x18800  }
0x1b8: {  	[tilespmem:s31], [sflag:$0xE] =	stream.linear.gather [hbm4b:s28+s9], $0x80, $0x38;
	[tilespmem:$0x19100] =	vst v63  }
0x1b9: {  	s0 =	sadd.s32 $0x780, s17;
	s11 =	simm.s32 $0x18C00  }
0x1ba: {  	[tilespmem:s11], [sflag:$0xE] =	stream.linear.gather [hbm4b:s0+s9], $0x80, $0x38;
	[tilespmem:$0x19100] =	vst v63  }
0x1bb: {  	_ =	swait.ge [sflag:s15], $0x800  }
0x1bc: {  	[sflag:s15] =	ssyncset.done $0x0  }
0x1bd: {  	s12 =	simm.s32 $0x15180;
	[sflag:s15] =	ssyncadd.s32 $0xFFFFF800  }
0x1be: {  	[tilespmem:s12], [sflag:$0xE] =	stream.linear.gather [hbm4b:s18+s9], $0x80, $0x38;
	[tilespmem:$0x19100] =	vst v63  }
0x1bf: {  	s16 =	sadd.s32 $0x80, s18;
	s20 =	simm.s32 $0x15580  }
0x1c0: {  	[tilespmem:s20], [sflag:$0xE] =	stream.linear.gather [hbm4b:s16+s9], $0x80, $0x38;
	[tilespmem:$0x19100] =	vst v63  }
0x1c1: {  	s24 =	sadd.s32 $0x100, s18;
	s25 =	simm.s32 $0x15980  }
0x1c2: {  	[tilespmem:s25], [sflag:$0xE] =	stream.linear.gather [hbm4b:s24+s9], $0x80, $0x38;
	[tilespmem:$0x19100] =	vst v63  }
0x1c3: {  	s28 =	sadd.s32 $0x180, s18;
	s31 =	simm.s32 $0x15D80  }
0x1c4: {  	[tilespmem:s31], [sflag:$0xE] =	stream.linear.gather [hbm4b:s28+s9], $0x80, $0x38;
	[tilespmem:$0x19100] =	vst v63  }
0x1c5: {  	s11 =	sadd.s32 $0x200, s18;
	s12 =	simm.s32 $0x16180  }
0x1c6: {  	[tilespmem:s12], [sflag:$0xE] =	stream.linear.gather [hbm4b:s11+s9], $0x80, $0x38;
	[tilespmem:$0x19100] =	vst v63  }
0x1c7: {  	s16 =	sadd.s32 $0x280, s18;
	s20 =	simm.s32 $0x16580  }
0x1c8: {  	[tilespmem:s20], [sflag:$0xE] =	stream.linear.gather [hbm4b:s16+s9], $0x80, $0x38;
	[tilespmem:$0x19100] =	vst v63  }
0x1c9: {  	s24 =	sadd.s32 $0x300, s18;
	s25 =	simm.s32 $0x16980  }
0x1ca: {  	[tilespmem:s25], [sflag:$0xE] =	stream.linear.gather [hbm4b:s24+s9], $0x80, $0x38;
	[tilespmem:$0x19100] =	vst v63  }
0x1cb: {  	s28 =	sadd.s32 $0x380, s18;
	s31 =	simm.s32 $0x16D80  }
0x1cc: {  	[tilespmem:s31], [sflag:$0xE] =	stream.linear.gather [hbm4b:s28+s9], $0x80, $0x38;
	[tilespmem:$0x19100] =	vst v63  }
0x1cd: {  	s11 =	sadd.s32 $0x400, s18;
	s12 =	simm.s32 $0x17180  }
0x1ce: {  	[tilespmem:s12], [sflag:$0xE] =	stream.linear.gather [hbm4b:s11+s9], $0x80, $0x38;
	[tilespmem:$0x19100] =	vst v63  }
0x1cf: {  	s16 =	sadd.s32 $0x480, s18;
	s20 =	simm.s32 $0x17580  }
0x1d0: {  	[tilespmem:s20], [sflag:$0xE] =	stream.linear.gather [hbm4b:s16+s9], $0x80, $0x38;
	[tilespmem:$0x19100] =	vst v63  }
0x1d1: {  	s24 =	sadd.s32 $0x500, s18;
	s25 =	simm.s32 $0x17980  }
0x1d2: {  	[tilespmem:s25], [sflag:$0xE] =	stream.linear.gather [hbm4b:s24+s9], $0x80, $0x38;
	[tilespmem:$0x19100] =	vst v63  }
0x1d3: {  	s28 =	sadd.s32 $0x580, s18;
	s31 =	simm.s32 $0x17D80  }
0x1d4: {  	[tilespmem:s31], [sflag:$0xE] =	stream.linear.gather [hbm4b:s28+s9], $0x80, $0x38;
	[tilespmem:$0x19100] =	vst v63  }
0x1d5: {  	s11 =	sadd.s32 $0x600, s18;
	s12 =	simm.s32 $0x18180  }
0x1d6: {  	[tilespmem:s12], [sflag:$0xE] =	stream.linear.gather [hbm4b:s11+s9], $0x80, $0x38;
	[tilespmem:$0x19100] =	vst v63  }
0x1d7: {  	s16 =	sadd.s32 $0x680, s18;
	s20 =	simm.s32 $0x18580  }
0x1d8: {  	[tilespmem:s20], [sflag:$0xE] =	stream.linear.gather [hbm4b:s16+s9], $0x80, $0x38;
	[tilespmem:$0x19100] =	vst v63  }
0x1d9: {  	s24 =	sadd.s32 $0x700, s18;
	s25 =	simm.s32 $0x18980  }
0x1da: {  	[tilespmem:s25], [sflag:$0xE] =	stream.linear.gather [hbm4b:s24+s9], $0x80, $0x38;
	[tilespmem:$0x19100] =	vst v63  }
0x1db: {  	s28 =	sadd.s32 $0x780, s18;
	s31 =	simm.s32 $0x18D80  }
0x1dc: {  	[tilespmem:s31], [sflag:$0xE] =	stream.linear.gather [hbm4b:s28+s9], $0x80, $0x38;
	[tilespmem:$0x19100] =	vst v63  }
0x1dd: {  	_ =	swait.ge [sflag:s15], $0x800  }
0x1de: {  	[sflag:s15] =	ssyncset.done $0x0  }
0x1df: {  	s10 =	simm.s32 $0x15080;
	[sflag:s15] =	ssyncadd.s32 $0xFFFFF800  }
0x1e0: {  	[tilespmem:s10], [sflag:$0xE] =	stream.linear.gather [hbm4b:s19+s9], $0x80, $0x38;
	[tilespmem:$0x19100] =	vst v63  }
0x1e1: {  	s11 =	sadd.s32 $0x80, s19;
	s12 =	simm.s32 $0x15480  }
0x1e2: {  	[tilespmem:s12], [sflag:$0xE] =	stream.linear.gather [hbm4b:s11+s9], $0x80, $0x38;
	[tilespmem:$0x19100] =	vst v63  }
0x1e3: {  	s16 =	sadd.s32 $0x100, s19;
	s20 =	simm.s32 $0x15880  }
0x1e4: {  	[tilespmem:s20], [sflag:$0xE] =	stream.linear.gather [hbm4b:s16+s9], $0x80, $0x38;
	[tilespmem:$0x19100] =	vst v63  }
0x1e5: {  	s24 =	sadd.s32 $0x180, s19;
	s25 =	simm.s32 $0x15C80  }
0x1e6: {  	[tilespmem:s25], [sflag:$0xE] =	stream.linear.gather [hbm4b:s24+s9], $0x80, $0x38;
	[tilespmem:$0x19100] =	vst v63  }
0x1e7: {  	s28 =	sadd.s32 $0x200, s19;
	s31 =	simm.s32 $0x16080  }
0x1e8: {  	[tilespmem:s31], [sflag:$0xE] =	stream.linear.gather [hbm4b:s28+s9], $0x80, $0x38;
	[tilespmem:$0x19100] =	vst v63  }
0x1e9: {  	s11 =	sadd.s32 $0x280, s19;
	s12 =	simm.s32 $0x16480  }
0x1ea: {  	[tilespmem:s12], [sflag:$0xE] =	stream.linear.gather [hbm4b:s11+s9], $0x80, $0x38;
	[tilespmem:$0x19100] =	vst v63  }
0x1eb: {  	s16 =	sadd.s32 $0x300, s19;
	s20 =	simm.s32 $0x16880  }
0x1ec: {  	[tilespmem:s20], [sflag:$0xE] =	stream.linear.gather [hbm4b:s16+s9], $0x80, $0x38;
	[tilespmem:$0x19100] =	vst v63  }
0x1ed: {  	s24 =	sadd.s32 $0x380, s19;
	s25 =	simm.s32 $0x16C80  }
0x1ee: {  	[tilespmem:s25], [sflag:$0xE] =	stream.linear.gather [hbm4b:s24+s9], $0x80, $0x38;
	[tilespmem:$0x19100] =	vst v63  }
0x1ef: {  	s28 =	sadd.s32 $0x400, s19;
	s31 =	simm.s32 $0x17080  }
0x1f0: {  	[tilespmem:s31], [sflag:$0xE] =	stream.linear.gather [hbm4b:s28+s9], $0x80, $0x38;
	[tilespmem:$0x19100] =	vst v63  }
0x1f1: {  	s11 =	sadd.s32 $0x480, s19;
	s12 =	simm.s32 $0x17480  }
0x1f2: {  	[tilespmem:s12], [sflag:$0xE] =	stream.linear.gather [hbm4b:s11+s9], $0x80, $0x38;
	[tilespmem:$0x19100] =	vst v63  }
0x1f3: {  	s16 =	sadd.s32 $0x500, s19;
	s20 =	simm.s32 $0x17880  }
0x1f4: {  	[tilespmem:s20], [sflag:$0xE] =	stream.linear.gather [hbm4b:s16+s9], $0x80, $0x38;
	[tilespmem:$0x19100] =	vst v63  }
0x1f5: {  	s24 =	sadd.s32 $0x580, s19;
	s25 =	simm.s32 $0x17C80  }
0x1f6: {  	[tilespmem:s25], [sflag:$0xE] =	stream.linear.gather [hbm4b:s24+s9], $0x80, $0x38;
	[tilespmem:$0x19100] =	vst v63  }
0x1f7: {  	s28 =	sadd.s32 $0x600, s19;
	s31 =	simm.s32 $0x18080  }
0x1f8: {  	[tilespmem:s31], [sflag:$0xE] =	stream.linear.gather [hbm4b:s28+s9], $0x80, $0x38;
	[tilespmem:$0x19100] =	vst v63  }
0x1f9: {  	s0 =	sadd.s32 $0x680, s19;
	s11 =	simm.s32 $0x18480  }
0x1fa: {  	[tilespmem:s11], [sflag:$0xE] =	stream.linear.gather [hbm4b:s0+s9], $0x80, $0x38;
	[tilespmem:$0x19100] =	vst v63  }
0x1fb: {  	s12 =	sadd.s32 $0x700, s19;
	s16 =	simm.s32 $0x18880  }
0x1fc: {  	[tilespmem:s16], [sflag:$0xE] =	stream.linear.gather [hbm4b:s12+s9], $0x80, $0x38;
	[tilespmem:$0x19100] =	vst v63  }
0x1fd: {  	s20 =	sadd.s32 $0x780, s19;
	s24 =	simm.s32 $0x18C80  }
0x1fe: {  	[tilespmem:s24], [sflag:$0xE] =	stream.linear.gather [hbm4b:s20+s9], $0x80, $0x38;
	[tilespmem:$0x19100] =	vst v63  }
0x1ff: {  	_ =	swait.ge [sflag:s15], $0x800  }
0x200: {  	[sflag:s15] =	ssyncset.done $0x0  }
0x201: {  	s25 =	simm.s32 $0x15200;
	[sflag:s15] =	ssyncadd.s32 $0xFFFFF800  }
0x202: {  	[tilespmem:s25], [sflag:$0xE] =	stream.linear.gather [hbm4b:s21+s9], $0x80, $0x38;
	[tilespmem:$0x19100] =	vst v63  }
0x203: {  	s28 =	sadd.s32 $0x80, s21;
	s31 =	simm.s32 $0x15600  }
0x204: {  	[tilespmem:s31], [sflag:$0xE] =	stream.linear.gather [hbm4b:s28+s9], $0x80, $0x38;
	[tilespmem:$0x19100] =	vst v63  }
0x205: {  	s11 =	sadd.s32 $0x100, s21;
	s12 =	simm.s32 $0x15A00  }
0x206: {  	[tilespmem:s12], [sflag:$0xE] =	stream.linear.gather [hbm4b:s11+s9], $0x80, $0x38;
	[tilespmem:$0x19100] =	vst v63  }
0x207: {  	s16 =	sadd.s32 $0x180, s21;
	s20 =	simm.s32 $0x15E00  }
0x208: {  	[tilespmem:s20], [sflag:$0xE] =	stream.linear.gather [hbm4b:s16+s9], $0x80, $0x38;
	[tilespmem:$0x19100] =	vst v63  }
0x209: {  	s24 =	sadd.s32 $0x200, s21;
	s25 =	simm.s32 $0x16200  }
0x20a: {  	[tilespmem:s25], [sflag:$0xE] =	stream.linear.gather [hbm4b:s24+s9], $0x80, $0x38;
	[tilespmem:$0x19100] =	vst v63  }
0x20b: {  	s28 =	sadd.s32 $0x280, s21;
	s31 =	simm.s32 $0x16600  }
0x20c: {  	[tilespmem:s31], [sflag:$0xE] =	stream.linear.gather [hbm4b:s28+s9], $0x80, $0x38;
	[tilespmem:$0x19100] =	vst v63  }
0x20d: {  	s11 =	sadd.s32 $0x300, s21;
	s12 =	simm.s32 $0x16A00  }
0x20e: {  	[tilespmem:s12], [sflag:$0xE] =	stream.linear.gather [hbm4b:s11+s9], $0x80, $0x38;
	[tilespmem:$0x19100] =	vst v63  }
0x20f: {  	s16 =	sadd.s32 $0x380, s21;
	s20 =	simm.s32 $0x16E00  }
0x210: {  	[tilespmem:s20], [sflag:$0xE] =	stream.linear.gather [hbm4b:s16+s9], $0x80, $0x38;
	[tilespmem:$0x19100] =	vst v63  }
0x211: {  	s24 =	sadd.s32 $0x400, s21;
	s25 =	simm.s32 $0x17200  }
0x212: {  	[tilespmem:s25], [sflag:$0xE] =	stream.linear.gather [hbm4b:s24+s9], $0x80, $0x38;
	[tilespmem:$0x19100] =	vst v63  }
0x213: {  	s28 =	sadd.s32 $0x480, s21;
	s31 =	simm.s32 $0x17600  }
0x214: {  	[tilespmem:s31], [sflag:$0xE] =	stream.linear.gather [hbm4b:s28+s9], $0x80, $0x38;
	[tilespmem:$0x19100] =	vst v63  }
0x215: {  	s11 =	sadd.s32 $0x500, s21;
	s12 =	simm.s32 $0x17A00  }
0x216: {  	[tilespmem:s12], [sflag:$0xE] =	stream.linear.gather [hbm4b:s11+s9], $0x80, $0x38;
	[tilespmem:$0x19100] =	vst v63  }
0x217: {  	s16 =	sadd.s32 $0x580, s21;
	s20 =	simm.s32 $0x17E00  }
0x218: {  	[tilespmem:s20], [sflag:$0xE] =	stream.linear.gather [hbm4b:s16+s9], $0x80, $0x38;
	[tilespmem:$0x19100] =	vst v63  }
0x219: {  	s24 =	sadd.s32 $0x600, s21;
	s25 =	simm.s32 $0x18200  }
0x21a: {  	[tilespmem:s25], [sflag:$0xE] =	stream.linear.gather [hbm4b:s24+s9], $0x80, $0x38;
	[tilespmem:$0x19100] =	vst v63  }
0x21b: {  	s28 =	sadd.s32 $0x680, s21;
	s31 =	simm.s32 $0x18600  }
0x21c: {  	[tilespmem:s31], [sflag:$0xE] =	stream.linear.gather [hbm4b:s28+s9], $0x80, $0x38;
	[tilespmem:$0x19100] =	vst v63  }
0x21d: {  	s0 =	sadd.s32 $0x700, s21;
	s11 =	simm.s32 $0x18A00  }
0x21e: {  	[tilespmem:s11], [sflag:$0xE] =	stream.linear.gather [hbm4b:s0+s9], $0x80, $0x38;
	[tilespmem:$0x19100] =	vst v63  }
0x21f: {  	s12 =	sadd.s32 $0x780, s21;
	s16 =	simm.s32 $0x18E00  }
0x220: {  	[tilespmem:s16], [sflag:$0xE] =	stream.linear.gather [hbm4b:s12+s9], $0x80, $0x38;
	[tilespmem:$0x19100] =	vst v63  }
0x221: {  	_ =	swait.ge [sflag:s15], $0x800  }
0x222: {  	[sflag:s15] =	ssyncset.done $0x0  }
0x223: {  	s20 =	simm.s32 $0x15100;
	[sflag:s15] =	ssyncadd.s32 $0xFFFFF800  }
0x224: {  	[tilespmem:s20], [sflag:$0xE] =	stream.linear.gather [hbm4b:s22+s9], $0x80, $0x38;
	[tilespmem:$0x19100] =	vst v63  }
0x225: {  	s24 =	sadd.s32 $0x80, s22;
	s25 =	simm.s32 $0x15500  }
0x226: {  	[tilespmem:s25], [sflag:$0xE] =	stream.linear.gather [hbm4b:s24+s9], $0x80, $0x38;
	[tilespmem:$0x19100] =	vst v63  }
0x227: {  	s28 =	sadd.s32 $0x100, s22;
	s31 =	simm.s32 $0x15900  }
0x228: {  	[tilespmem:s31], [sflag:$0xE] =	stream.linear.gather [hbm4b:s28+s9], $0x80, $0x38;
	[tilespmem:$0x19100] =	vst v63  }
0x229: {  	s11 =	sadd.s32 $0x180, s22;
	s12 =	simm.s32 $0x15D00  }
0x22a: {  	[tilespmem:s12], [sflag:$0xE] =	stream.linear.gather [hbm4b:s11+s9], $0x80, $0x38;
	[tilespmem:$0x19100] =	vst v63  }
0x22b: {  	s16 =	sadd.s32 $0x200, s22;
	s20 =	simm.s32 $0x16100  }
0x22c: {  	[tilespmem:s20], [sflag:$0xE] =	stream.linear.gather [hbm4b:s16+s9], $0x80, $0x38;
	[tilespmem:$0x19100] =	vst v63  }
0x22d: {  	s24 =	sadd.s32 $0x280, s22;
	s25 =	simm.s32 $0x16500  }
0x22e: {  	[tilespmem:s25], [sflag:$0xE] =	stream.linear.gather [hbm4b:s24+s9], $0x80, $0x38;
	[tilespmem:$0x19100] =	vst v63  }
0x22f: {  	s28 =	sadd.s32 $0x300, s22;
	s31 =	simm.s32 $0x16900  }
0x230: {  	[tilespmem:s31], [sflag:$0xE] =	stream.linear.gather [hbm4b:s28+s9], $0x80, $0x38;
	[tilespmem:$0x19100] =	vst v63  }
0x231: {  	s11 =	sadd.s32 $0x380, s22;
	s12 =	simm.s32 $0x16D00  }
0x232: {  	[tilespmem:s12], [sflag:$0xE] =	stream.linear.gather [hbm4b:s11+s9], $0x80, $0x38;
	[tilespmem:$0x19100] =	vst v63  }
0x233: {  	s16 =	sadd.s32 $0x400, s22;
	s20 =	simm.s32 $0x17100  }
0x234: {  	[tilespmem:s20], [sflag:$0xE] =	stream.linear.gather [hbm4b:s16+s9], $0x80, $0x38;
	[tilespmem:$0x19100] =	vst v63  }
0x235: {  	s24 =	sadd.s32 $0x480, s22;
	s25 =	simm.s32 $0x17500  }
0x236: {  	[tilespmem:s25], [sflag:$0xE] =	stream.linear.gather [hbm4b:s24+s9], $0x80, $0x38;
	[tilespmem:$0x19100] =	vst v63  }
0x237: {  	s28 =	sadd.s32 $0x500, s22;
	s31 =	simm.s32 $0x17900  }
0x238: {  	[tilespmem:s31], [sflag:$0xE] =	stream.linear.gather [hbm4b:s28+s9], $0x80, $0x38;
	[tilespmem:$0x19100] =	vst v63  }
0x239: {  	s11 =	sadd.s32 $0x580, s22;
	s12 =	simm.s32 $0x17D00  }
0x23a: {  	[tilespmem:s12], [sflag:$0xE] =	stream.linear.gather [hbm4b:s11+s9], $0x80, $0x38;
	[tilespmem:$0x19100] =	vst v63  }
0x23b: {  	s16 =	sadd.s32 $0x600, s22;
	s20 =	simm.s32 $0x18100  }
0x23c: {  	[tilespmem:s20], [sflag:$0xE] =	stream.linear.gather [hbm4b:s16+s9], $0x80, $0x38;
	[tilespmem:$0x19100] =	vst v63  }
0x23d: {  	s24 =	sadd.s32 $0x680, s22;
	s25 =	simm.s32 $0x18500  }
0x23e: {  	[tilespmem:s25], [sflag:$0xE] =	stream.linear.gather [hbm4b:s24+s9], $0x80, $0x38;
	[tilespmem:$0x19100] =	vst v63  }
0x23f: {  	s28 =	sadd.s32 $0x700, s22;
	s31 =	simm.s32 $0x18900  }
0x240: {  	[tilespmem:s31], [sflag:$0xE] =	stream.linear.gather [hbm4b:s28+s9], $0x80, $0x38;
	[tilespmem:$0x19100] =	vst v63  }
0x241: {  	s0 =	sadd.s32 $0x780, s22;
	s11 =	simm.s32 $0x18D00  }
0x242: {  	[tilespmem:s11], [sflag:$0xE] =	stream.linear.gather [hbm4b:s0+s9], $0x80, $0x38;
	[tilespmem:$0x19100] =	vst v63  }
0x243: {  	_ =	swait.ge [sflag:s15], $0x800  }
0x244: {  	[sflag:s15] =	ssyncset.done $0x0  }
0x245: {  	s12 =	simm.s32 $0x15280;
	[sflag:s15] =	ssyncadd.s32 $0xFFFFF800  }
0x246: {  	[tilespmem:s12], [sflag:$0xE] =	stream.linear.gather [hbm4b:s23+s9], $0x80, $0x38;
	[tilespmem:$0x19100] =	vst v63  }
0x247: {  	s16 =	sadd.s32 $0x80, s23;
	s20 =	simm.s32 $0x15680  }
0x248: {  	[tilespmem:s20], [sflag:$0xE] =	stream.linear.gather [hbm4b:s16+s9], $0x80, $0x38;
	[tilespmem:$0x19100] =	vst v63  }
0x249: {  	s24 =	sadd.s32 $0x100, s23;
	s25 =	simm.s32 $0x15A80  }
0x24a: {  	[tilespmem:s25], [sflag:$0xE] =	stream.linear.gather [hbm4b:s24+s9], $0x80, $0x38;
	[tilespmem:$0x19100] =	vst v63  }
0x24b: {  	s28 =	sadd.s32 $0x180, s23;
	s31 =	simm.s32 $0x15E80  }
0x24c: {  	[tilespmem:s31], [sflag:$0xE] =	stream.linear.gather [hbm4b:s28+s9], $0x80, $0x38;
	[tilespmem:$0x19100] =	vst v63  }
0x24d: {  	s11 =	sadd.s32 $0x200, s23;
	s12 =	simm.s32 $0x16280  }
0x24e: {  	[tilespmem:s12], [sflag:$0xE] =	stream.linear.gather [hbm4b:s11+s9], $0x80, $0x38;
	[tilespmem:$0x19100] =	vst v63  }
0x24f: {  	s16 =	sadd.s32 $0x280, s23;
	s20 =	simm.s32 $0x16680  }
0x250: {  	[tilespmem:s20], [sflag:$0xE] =	stream.linear.gather [hbm4b:s16+s9], $0x80, $0x38;
	[tilespmem:$0x19100] =	vst v63  }
0x251: {  	s24 =	sadd.s32 $0x300, s23;
	s25 =	simm.s32 $0x16A80  }
0x252: {  	[tilespmem:s25], [sflag:$0xE] =	stream.linear.gather [hbm4b:s24+s9], $0x80, $0x38;
	[tilespmem:$0x19100] =	vst v63  }
0x253: {  	s28 =	sadd.s32 $0x380, s23;
	s31 =	simm.s32 $0x16E80  }
0x254: {  	[tilespmem:s31], [sflag:$0xE] =	stream.linear.gather [hbm4b:s28+s9], $0x80, $0x38;
	[tilespmem:$0x19100] =	vst v63  }
0x255: {  	s11 =	sadd.s32 $0x400, s23;
	s12 =	simm.s32 $0x17280  }
0x256: {  	[tilespmem:s12], [sflag:$0xE] =	stream.linear.gather [hbm4b:s11+s9], $0x80, $0x38;
	[tilespmem:$0x19100] =	vst v63  }
0x257: {  	s16 =	sadd.s32 $0x480, s23;
	s20 =	simm.s32 $0x17680  }
0x258: {  	[tilespmem:s20], [sflag:$0xE] =	stream.linear.gather [hbm4b:s16+s9], $0x80, $0x38;
	[tilespmem:$0x19100] =	vst v63  }
0x259: {  	s24 =	sadd.s32 $0x500, s23;
	s25 =	simm.s32 $0x17A80  }
0x25a: {  	[tilespmem:s25], [sflag:$0xE] =	stream.linear.gather [hbm4b:s24+s9], $0x80, $0x38;
	[tilespmem:$0x19100] =	vst v63  }
0x25b: {  	s28 =	sadd.s32 $0x580, s23;
	s31 =	simm.s32 $0x17E80  }
0x25c: {  	[tilespmem:s31], [sflag:$0xE] =	stream.linear.gather [hbm4b:s28+s9], $0x80, $0x38;
	[tilespmem:$0x19100] =	vst v63  }
0x25d: {  	s0 =	sadd.s32 $0x600, s23;
	s11 =	simm.s32 $0x18280  }
0x25e: {  	[tilespmem:s11], [sflag:$0xE] =	stream.linear.gather [hbm4b:s0+s9], $0x80, $0x38;
	[tilespmem:$0x19100] =	vst v63  }
0x25f: {  	s12 =	sadd.s32 $0x680, s23;
	s16 =	simm.s32 $0x18680  }
0x260: {  	[tilespmem:s16], [sflag:$0xE] =	stream.linear.gather [hbm4b:s12+s9], $0x80, $0x38;
	[tilespmem:$0x19100] =	vst v63  }
0x261: {  	p4 =	por $0x0, $0x0;
	s20 =	sadd.s32 $0x700, s23;
	s24 =	simm.s32 $0x18A80  }
0x262: {  	[tilespmem:s24], [sflag:$0xE] =	stream.linear.gather [hbm4b:s20+s9], $0x80, $0x38;
	[tilespmem:$0x19100] =	vst v63  }
0x263: {  	s10 =	simm.s32 $0x1;
	s25 =	sadd.s32 $0x780, s23;
	s28 =	simm.s32 $0x18E80  }
0x264: {  	[tilespmem:s28], [sflag:$0xE] =	stream.linear.gather [hbm4b:s25+s9], $0x80, $0x38;
	[tilespmem:$0x19100] =	vst v63  }
0x265: {  	s10 =	simm.s32 @!p4 $0x0;
	_ =	swait.ge [sflag:s15], $0x800  }
0x266: {  	s10 =	sshll.u32 s10, $0x6;
	[sflag:s15] =	ssyncset.done $0x0  }
0x267: {  	s10 =	sadd.s32 $0x0, s10;
	[sflag:s15] =	ssyncadd.s32 $0xFFFFF800  }
0x268: {  	s24 =	sor.u32 $0x200, s10;
	v3 =	vld [tilespmem:s14+$0x0]  }
0x269: {  	s31 =	sand.u32 $0x3C00, s9;
	v5 =	vld [tilespmem:s24+$0x15000]  }
0x26a: {  	s0 =	sor.u32 $0x280, s10;
	s16 =	sand.u32 $0x40, s9;
	s15 =	sadd.s32 $0x15000, s31;
	v8 =	vld [tilespmem:s26+$0x0]  }
0x26b: {  	s11 =	sor.u32 s16, s15;
	v9 =	vld [tilespmem:s0+$0x15000]  }
0x26c: {  	v4 =	vld [tilespmem:s11+$0x100]  }
0x26d: {  	v6 =	vld [tilespmem:s11+$0x0]  }
0x26e: {  	v7 =	vld [tilespmem:s11+$0x80]  }
0x26f: {  	v10 =	vld [tilespmem:s11+$0x180];
	_ =	sdelay $0x3  }
0x270: {  	v5 =	vadd.f32 v9, v5;
	v4 =	vadd.f32 v4, v7  }
0x271: {  	v3 =	vadd.f32 v6, v3;
	v6 =	vadd.f32 v10, v8;
	_ =	sdelay $0x1  }
0x272: {  	v5 =	vadd.f32 v5, v6;
	v3 =	vadd.f32 v4, v3;
	_ =	sdelay $0x1  }
0x273: {  	v3 =	vadd.f32 v3, v5  }
0x274: {  	s12 =	sor.u32 $0x10, s16;
	[tilespmem:s26+$0x0] =	vst v5  }
0x275: {  	s28 =	sadd.s32 $0x10, s10;
	s20 =	sor.u32 s12, s15;
	[tilespmem:s14+$0x0] =	vst v3  }
0x276: {  	s31 =	sor.u32 $0x200, s28;
	v3 =	vld [tilespmem:s20+$0x180]  }
0x277: {  	s25 =	sand.u32 $0x780, s9;
	s28 =	sor.u32 $0x280, s28;
	v4 =	vld [tilespmem:s31+$0x15000]  }
0x278: {  	s11 =	sor.u32 s25, s12;
	v5 =	vld [tilespmem:s28+$0x15000]  }
0x279: {  	v6 =	vld [tilespmem:s11+$0x14800]  }
0x27a: {  	v7 =	vld [tilespmem:s20+$0x0]  }
0x27b: {  	v8 =	vld [tilespmem:s20+$0x80]  }
0x27c: {  	v9 =	vld [tilespmem:s20+$0x100]  }
0x27d: {  	v10 =	vld [tilespmem:s11+$0x14000];
	_ =	sdelay $0x3  }
0x27e: {  	v4 =	vadd.f32 v5, v4;
	v3 =	vadd.f32 v3, v6  }
0x27f: {  	v5 =	vadd.f32 v9, v8;
	v6 =	vadd.f32 v7, v10;
	_ =	sdelay $0x1  }
0x280: {  	v3 =	vadd.f32 v4, v3;
	v4 =	vadd.f32 v5, v6;
	_ =	sdelay $0x1  }
0x281: {  	v4 =	vadd.f32 v4, v3  }
0x282: {  	s0 =	sor.u32 $0x20, s16;
	[tilespmem:s11+$0x14800] =	vst v3  }
0x283: {  	s12 =	sor.u32 s0, s15;
	[tilespmem:s11+$0x14000] =	vst v4  }
0x284: {  	v8 =	vld [tilespmem:s12+$0x100]  }
0x285: {  	v9 =	vld [tilespmem:s12+$0x80]  }
0x286: {  	s30 =	sor.u32 s25, s0;
	s20 =	sadd.s32 $0x20, s10;
	v7 =	vld [tilespmem:s12+$0x0]  }
0x287: {  	s28 =	sor.u32 $0x200, s20;
	v10 =	vld [tilespmem:s30+$0x14000]  }
0x288: {  	v3 =	vld [tilespmem:s28+$0x15000]  }
0x289: {  	v4 =	vld [tilespmem:s30+$0x14800]  }
0x28a: {  	s31 =	sor.u32 $0x280, s20;
	v5 =	vld [tilespmem:s12+$0x180]  }
0x28b: {  	v6 =	vld [tilespmem:s31+$0x15000];
	_ =	sdelay $0x2  }
0x28c: {  	s24 =	sadd.s32 $0x30, s10;
	s14 =	simm.s32 $0x200;
	s11 =	simm.s32 $0x14040;
	v7 =	vadd.f32 v7, v10;
	v8 =	vadd.f32 v8, v9  }
.LBB2_28:
0x28d: {  	v4 =	vadd.f32 v5, v4;
	p4 =	por !p4, !p4;
	s9 =	sadd.s32 $0x40, s9;
	s26 =	sadd.s32 $0x40, s26  }
0x28e: {  	p5 =	sne.s32 s14, $0x3E00;
	s28 =	smov.u32 s14;
	s14 =	sadd.s32 $0x200, s14;
	v3 =	vadd.f32 v6, v3;
	v5 =	vadd.f32 v8, v7  }
0x28f: {  	_ = 	snop  }
0x290: {  	v3 =	vadd.f32 v3, v4;
	_ =	sdelay $0x1  }
0x291: {  	v4 =	vadd.f32 v5, v3;
	[tilespmem:s30+$0x14800] =	vst v3  }
0x292: {  	s10 =	sor.u32 $0x30, s16  }
0x293: {  	s25 =	sor.u32 s25, s10;
	[tilespmem:s30+$0x14000] =	vst v4  }
0x294: {  	s10 =	sor.u32 s10, s15;
	v3 =	vld [tilespmem:s25+$0x14800]  }
0x295: {  	s15 =	sor.u32 $0x200, s24;
	v4 =	vld [tilespmem:s10+$0x180]  }
0x296: {  	v5 =	vld [tilespmem:s15+$0x15000];
	s15 =	sor.u32 $0x280, s24  }
0x297: {  	v6 =	vld [tilespmem:s15+$0x15000]  }
0x298: {  	v7 =	vld [tilespmem:s25+$0x14000]  }
0x299: {  	v8 =	vld [tilespmem:s10+$0x0]  }
0x29a: {  	v3 =	vadd.f32 v4, v3;
	v4 =	vld [tilespmem:s10+$0x80]  }
0x29b: {  	v9 =	vld [tilespmem:s10+$0x100]  }
0x29c: {  	v5 =	vadd.f32 v6, v5;
	_ =	sdelay $0x1  }
0x29d: {  	v3 =	vadd.f32 v5, v3;
	v5 =	vadd.f32 v8, v7;
	_ =	sdelay $0x1  }
0x29e: {  	v4 =	vadd.f32 v9, v4;
	[tilespmem:s25+$0x14800] =	vst v3;
	_ =	sdelay $0x1  }
0x29f: {  	s10 =	sand.u32 $0x3C00, s28;
	v4 =	vadd.f32 v4, v5  }
0x2a0: {  	s16 =	sand.u32 $0x40, s9;
	s15 =	sadd.s32 $0x15000, s10  }
0x2a1: {  	s20 =	sor.u32 $0x10, s16;
	s10 =	sor.u32 $0x20, s16;
	s12 =	sor.u32 s16, s15;
	v3 =	vadd.f32 v4, v3  }
0x2a2: {  	s24 =	simm.s32 $0x1;
	s30 =	sor.u32 s20, s15  }
0x2a3: {  	s24 =	simm.s32 @!p4 $0x0;
	[tilespmem:s25+$0x14000] =	vst v3  }
0x2a4: {  	s24 =	sshll.u32 s24, $0x6  }
0x2a5: {  	s24 =	sadd.s32 s24, s28;
	v3 =	vld [tilespmem:s11+$0x0]  }
0x2a6: {  	s31 =	sor.u32 $0x280, s24;
	s0 =	sadd.s32 $0x10, s24;
	s25 =	sor.u32 $0x200, s24;
	v4 =	vld [tilespmem:s12+$0x100]  }
0x2a7: {  	s28 =	sadd.s32 $0x20, s24;
	s24 =	sadd.s32 $0x30, s24;
	v5 =	vld [tilespmem:s25+$0x15000]  }
0x2a8: {  	v6 =	vld [tilespmem:s12+$0x0]  }
0x2a9: {  	v7 =	vld [tilespmem:s12+$0x80]  }
0x2aa: {  	v8 =	vld [tilespmem:s26+$0x0]  }
0x2ab: {  	v9 =	vld [tilespmem:s31+$0x15000]  }
0x2ac: {  	v10 =	vld [tilespmem:s12+$0x180];
	_ =	sdelay $0x1  }
0x2ad: {  	v4 =	vadd.f32 v4, v7;
	_ =	sdelay $0x1  }
0x2ae: {  	v3 =	vadd.f32 v6, v3  }
0x2af: {  	v5 =	vadd.f32 v9, v5;
	v6 =	vadd.f32 v10, v8;
	_ =	sdelay $0x1  }
0x2b0: {  	s25 =	sand.u32 $0x780, s9;
	v3 =	vadd.f32 v4, v3;
	v5 =	vadd.f32 v5, v6  }
0x2b1: {  	s12 =	sor.u32 s25, s20  }
0x2b2: {  	v3 =	vadd.f32 v3, v5  }
0x2b3: {  	s20 =	sor.u32 $0x280, s0;
	[tilespmem:s26+$0x0] =	vst v5  }
0x2b4: {  	[tilespmem:s11+$0x0] =	vst v3  }
0x2b5: {  	s0 =	sor.u32 $0x200, s0;
	v3 =	vld [tilespmem:s30+$0x180]  }
0x2b6: {  	v4 =	vld [tilespmem:s0+$0x15000]  }
0x2b7: {  	v5 =	vld [tilespmem:s20+$0x15000]  }
0x2b8: {  	v6 =	vld [tilespmem:s12+$0x14800]  }
0x2b9: {  	v7 =	vld [tilespmem:s30+$0x0]  }
0x2ba: {  	v8 =	vld [tilespmem:s30+$0x80]  }
0x2bb: {  	v9 =	vld [tilespmem:s30+$0x100]  }
0x2bc: {  	v4 =	vadd.f32 v5, v4;
	v5 =	vld [tilespmem:s12+$0x14000]  }
0x2bd: {  	v3 =	vadd.f32 v3, v6;
	_ =	sdelay $0x1  }
0x2be: {  	v3 =	vadd.f32 v4, v3  }
0x2bf: {  	v4 =	vadd.f32 v9, v8  }
0x2c0: {  	v5 =	vadd.f32 v7, v5;
	[tilespmem:s12+$0x14800] =	vst v3;
	_ =	sdelay $0x1  }
0x2c1: {  	v4 =	vadd.f32 v4, v5;
	_ =	sdelay $0x1  }
0x2c2: {  	v3 =	vadd.f32 v4, v3;
	_ =	sdelay $0x1  }
0x2c3: {  	s30 =	sor.u32 s25, s10;
	[tilespmem:s12+$0x14000] =	vst v3  }
0x2c4: {  	s0 =	sor.u32 $0x200, s28;
	v4 =	vld [tilespmem:s30+$0x14800]  }
0x2c5: {  	s10 =	sor.u32 s10, s15;
	v3 =	vld [tilespmem:s0+$0x15000]  }
0x2c6: {  	v8 =	vld [tilespmem:s10+$0x100]  }
0x2c7: {  	v9 =	vld [tilespmem:s10+$0x80]  }
0x2c8: {  	v7 =	vld [tilespmem:s10+$0x0]  }
0x2c9: {  	v10 =	vld [tilespmem:s30+$0x14000]  }
.Ltmp13:
0x2ca: {  	s0 =	sor.u32 $0x280, s28;
	v5 =	vld [tilespmem:s10+$0x180];
	(pc) =	sbr.rel @p5 .LBB2_28-.Ltmp13, $2  }
0x2cb: {  	v6 =	vld [tilespmem:s0+$0x15000];
	_ =	sdelay $0x2  }
0x2cc: {  	s11 =	sadd.s32 $0x40, s11;
	v8 =	vadd.f32 v8, v9;
	v7 =	vadd.f32 v7, v10  }
0x2cd: {  	_ = 	snop  }
0x2ce: {  	v4 =	vadd.f32 v5, v4;
	v3 =	vadd.f32 v6, v3;
	_ =	sdelay $0x1  }
0x2cf: {  	v5 =	vadd.f32 v8, v7;
	v3 =	vadd.f32 v3, v4;
	_ =	sdelay $0x1  }
0x2d0: {  	v4 =	vadd.f32 v5, v3  }
0x2d1: {  	s0 =	sor.u32 $0x30, s16;
	[tilespmem:s30+$0x14800] =	vst v3  }
0x2d2: {  	s9 =	sor.u32 s25, s0;
	[tilespmem:s30+$0x14000] =	vst v4  }
0x2d3: {  	s0 =	sor.u32 s0, s15;
	v3 =	vld [tilespmem:s9+$0x14800]  }
0x2d4: {  	s10 =	sor.u32 $0x200, s24;
	v4 =	vld [tilespmem:s0+$0x180]  }
0x2d5: {  	s30 =	sor.u32 $0x280, s24;
	v5 =	vld [tilespmem:s10+$0x15000]  }
0x2d6: {  	v6 =	vld [tilespmem:s30+$0x15000]  }
0x2d7: {  	v7 =	vld [tilespmem:s9+$0x14000]  }
0x2d8: {  	v8 =	vld [tilespmem:s0+$0x0]  }
0x2d9: {  	v9 =	vld [tilespmem:s0+$0x80]  }
0x2da: {  	v10 =	vld [tilespmem:s0+$0x100];
	_ =	sdelay $0x3  }
0x2db: {  	v3 =	vadd.f32 v4, v3;
	v4 =	vadd.f32 v6, v5  }
0x2dc: {  	v5 =	vadd.f32 v8, v7;
	v6 =	vadd.f32 v10, v9;
	_ =	sdelay $0x1  }
0x2dd: {  	v3 =	vadd.f32 v4, v3;
	v4 =	vadd.f32 v6, v5;
	_ =	sdelay $0x1  }
0x2de: {  	v4 =	vadd.f32 v4, v3  }
0x2df: {  	[tilespmem:s9+$0x14800] =	vst v3  }
0x2e0: {  	s31 =	simm.s32 $0x0;
	[tilespmem:s9+$0x14000] =	vst v4  }
0x2e1: {  	v4 =	vld [tilespmem:s31+$0x14800]  }
0x2e2: {  	v5 =	vimm.f32 $0.0e+00;
	v3 =	vimm.f32 $0.0e+00;
	s9 =	simm.s32 $0x40;
	v6 =	vld [tilespmem:s31+$0x14000]  }
.LBB2_30:
0x2e3: {  	p4 =	sne.s32 s9, $0x1FC0  }
.Ltmp14:
0x2e4: {  	_ = 	snop;
	(pc) =	sbr.rel @p4 .LBB2_30-.Ltmp14, $4  }
0x2e5: {  	_ = 	snop  }
0x2e6: {  	s0 =	sshra.s32 s9, $0x2;
	s9 =	sadd.s32 $0x40, s9;
	v3 =	vadd.f32 v4, v3  }
0x2e7: {  	v4 =	vld [tilespmem:s0+$0x14800];
	v5 =	vadd.f32 v6, v5  }
0x2e8: {  	v6 =	vld [tilespmem:s0+$0x14000]  }
0x2e9: {  	_ =	sdelay $0x3  }
0x2ea: {  	v5 =	vadd.f32 v6, v5  }
0x2eb: {  	v3 =	vadd.f32 v4, v3  }
0x2ec: {  	v63 =	vtrunc.f32 v5  }
0x2ed: {  	v3 =	vtrunc.f32 v3;
	v4 =	vcvt.f32.s32 v63  }
0x2ee: {  	v3 =	vcvt.f32.s32 v3  }
0x2ef: {  	(xrf0) =	vadd.scan.msk.s32 $0xffff, v4  }
0x2f0: {  	(xrf0) =	vadd.scan.msk.s32 $0xffff, v3;
	_ =	sdelay $0x4  }
0x2f1: {  	v3, _, _ =	vpop (xrf0)  }
0x2f2: {  	(v2sf) =	vpush v3, $0xF;
	v3, _, _ =	vpop (xrf0)  }
0x2f3: {  	(v2sf) =	vpush v3, $0xF;
	_ =	sdelay $0xa  }
.Ltmp15:
0x2f4: {  	_ = 	snop;
	(pc) =	sbr.rel @p0 .LBB2_38-.Ltmp15, $3  }
0x2f5: {  	_ =	sdelay $0x1  }
0x2f6: {  	s10 =	spop (v2sf)  }
0x2f7: {  	s9 =	spop (v2sf)  }
0x2f8: {  	s11 =	rddreg [dreg:$0x3]  }
0x2f9: {  	s0 =	simm.s32 @p1 $0x7;
	s11 =	sshll.u32 @p1 s11, $0x10  }
0x2fa: {  	[sflag:s0] =	ssyncset.done @p1 $0x0;
	s12 =	sor.u32 @p1 $0x1, s11  }
0x2fb: {  	[smem:s12], [sflag:$0x7] =	smem.add.s32 @p1 s10  }
0x2fc: {  	_ =	swait.done @p1 [sflag:s0]  }
0x2fd: {  	[sflag:s0] =	ssyncset.s32 @p1 $0x0  }
0x2fe: {  	[sflag:s0] =	ssyncset.done @p1 $0x0;
	s0 =	simm.s32 @p1 $0x8  }
0x2ff: {  	s11 =	sor.u32 @p1 $0x2, s11;
	[sflag:s0] =	ssyncset.done @p1 $0x0  }
0x300: {  	[smem:s11], [sflag:$0x8] =	smem.add.s32 @p1 s9  }
0x301: {  	_ =	swait.done @p1 [sflag:s0]  }
0x302: {  	[sflag:s0] =	ssyncset.s32 @p1 $0x0  }
0x303: {  	s25 =	simm.s32 $0x9;
	s26 =	rddreg [dreg:$0xf];
	[sflag:s0] =	ssyncset.done @p1 $0x0  }
0x304: {  	s28 =	sor.u32 $0x1, s26;
	[sflag:s25] =	ssyncset.done $0x0  }
0x305: {  	[smem:s28], [sflag:$0x9] =	smem.add.s32 s10  }
0x306: {  	_ =	swait.done [sflag:s25]  }
0x307: {  	[sflag:s25] =	ssyncset.s32 $0x0  }
0x308: {  	s30 =	simm.s32 $0xA;
	[sflag:s25] =	ssyncset.done $0x0  }
.Ltmp16:
0x309: {  	s31 =	sor.u32 $0x2, s26;
	[sflag:s30] =	ssyncset.done $0x0;
	(pc) =	sbr.rel .LBB2_33-.Ltmp16, $4  }
0x30a: {  	[smem:s31], [sflag:$0xA] =	smem.add.s32 s9  }
0x30b: {  	_ =	swait.done [sflag:s30]  }
0x30c: {  	[sflag:s30] =	ssyncset.s32 $0x0  }
0x30d: {  	s12 =	simm.s32 $0x2;
	[sflag:s30] =	ssyncset.done $0x0  }
.LBB2_38:
.Ltmp17:
0x30e: {  	(pc) =	sbr.rel @!p3 .LBB2_34-.Ltmp17, $2  }
0x30f: {  	_ =	sdelay $0x2  }
0x310: {  	s12 =	simm.s32 $0x2  }
.LBB2_33:
0x311: {  	s11 =	simm.s32 $0xB;
	s14 =	rddreg [dreg:$0xe]  }
0x312: {  	[sflag:s11] =	ssyncset.done $0x0;
	s0 =	sor.u32 $0x1, s14  }
0x313: {  	[smem:s0], [sflag:$0xB] =	smem.add.s32 s10  }
0x314: {  	_ =	swait.done [sflag:s11]  }
0x315: {  	[sflag:s11] =	ssyncset.s32 $0x0  }
0x316: {  	s30 =	simm.s32 $0xC;
	[sflag:s11] =	ssyncset.done $0x0  }
0x317: {  	s31 =	sor.u32 $0x2, s14;
	[sflag:s30] =	ssyncset.done $0x0  }
0x318: {  	[smem:s31], [sflag:$0xC] =	smem.add.s32 s9  }
0x319: {  	_ =	swait.done [sflag:s30]  }
0x31a: {  	[sflag:s30] =	ssyncset.s32 $0x0  }
0x31b: {  	[sflag:s30] =	ssyncset.done $0x0  }
.LBB2_34:
0x31c: {  	[bflag:$0x0] =	sbarrier.arrive $0xFFFF;
	s0 =	simm.s32 $0x0  }
0x31d: {  	v4 =	vld [tilespmem:s0+$0x14800]  }
0x31e: {  	v5 =	vld [tilespmem:s0+$0x14000];
	_ =	sdelay $0x3  }
0x31f: {  	(xrf2) =	vadd.scan.msk.f32 $0xffff, v4  }
0x320: {  	(xrf2) =	vadd.scan.msk.f32 $0xffff, v5;
	_ =	sdelay $0x1  }
0x321: {  	s26 =	sld [smem:$0x1]  }
0x322: {  	s10 =	sld [smem:$0x2];
	_ =	sdelay $0x1  }
0x323: {  	s9 =	simm.s32 $0x10  }
0x324: {  	v6 =	vld [tilespmem:s9+$0x14800];
	v3 =	vmov s26;
	v8 =	vmov s10  }
0x325: {  	s28 =	sld [smem:$0x0];
	v7 =	vld [tilespmem:s9+$0x14000];
	v3 =	vcvt.s32.f32 v3;
	_ =	sdelay $0x1  }
0x326: {  	v10 =	vbroadcast v3, $0x0;
	v3 =	vcvt.s32.f32 v8;
	v8, _, _ =	vpop (xrf2)  }
0x327: {  	v9 =	vmov s28;
	v11, _, _ =	vpop (xrf2)  }
0x328: {  	v9 =	vcvt.s32.f32 v9;
	v12 =	vbroadcast v3, $0x0;
	(xrf2) =	vadd.scan.msk.f32 $0xffff, v6;
	v13 =	vadd.f32 v11, v10  }
0x329: {  	(xrf2) =	vadd.scan.msk.f32 $0xffff, v7  }
0x32a: {  	v3 =	vbroadcast v9, $0x0;
	v9 =	vadd.f32 v8, v12;
	v16 =	vsub.f32 v13, v5;
	_ =	sdelay $0x1  }
0x32b: {  	v4 =	vsub.f32 v9, v4;
	v14 =	vadd.f32 v16, v3  }
0x32c: {  	v5 =	vadd.f32 v13, v3  }
0x32d: {  	v14 =	vsub.f32 v14, v4  }
0x32e: {  	s30 =	simm.s32 $0x20;
	v11 =	vbroadcast v11, $0xF;
	v5 =	vsub.f32 v5, v9  }
0x32f: {  	v18 =	vld [tilespmem:s30+$0x14800]  }
0x330: {  	(erf) = vrcp.f32 v5;
	v5 =	vbroadcast v8, $0xF  }
0x331: {  	v19 =	vld [tilespmem:s30+$0x14000];
	v10 =	vadd.f32 v11, v10;
	(erf) = vrcp.f32 v14;
	v14, _, _ =	vpop (xrf2)  }
0x332: {  	v15 =	vadd.f32 v5, v12;
	v11, _, _ =	vpop (xrf2)  }
0x333: {  	v5 =	vadd.f32 v11, v10  }
0x334: {  	(xrf2) =	vadd.scan.msk.f32 $0xffff, v18;
	v20 =	vadd.f32 v14, v15  }
0x335: {  	v12 =	vadd.f32 v5, v3;
	v8 =	vsub.f32 v5, v7  }
0x336: {  	(xrf2) =	vadd.scan.msk.f32 $0xffff, v19;
	v7 =	vsub.f32 v20, v6;
	v6 =	vsub.f32 v3, v9  }
0x337: {  	v11 =	vbroadcast v11, $0xF;
	v9 =	vsub.f32 v12, v20;
	v12 =	vadd.f32 v8, v3  }
0x338: {  	s31 =	simm.s32 $0x30  }
0x339: {  	v21 =	vsub.f32 v12, v7;
	v12 =	vadd.f32 v11, v10;
	v11 =	vld [tilespmem:s31+$0x14800];
	_ =	sdelay $0x1  }
0x33a: {  	v4 =	vsub.f32 v3, v4;
	v17 =	vpop (erf)  }
0x33b: {  	vm0 =	veq.f32 v13, $0.0e+00;
	v13 =	vld [tilespmem:s31+$0x14000];
	v6 =	vmul.f32 v17, v6;
	(erf) = vrcp.f32 v9;
	v9 =	vpop (erf)  }
0x33c: {  	v4 =	vmul.f32 v9, v4  }
0x33d: {  	v10 =	vbroadcast v14, $0xF;
	v6 =	vsub.f32 $1.000000000e+00, v6;
	v14, _, _ =	vpop (xrf2);
	(erf) = vrcp.f32 v21;
	(xrf2) =	vadd.scan.msk.f32 $0xffff, v11  }
0x33e: {  	s9 =	rddreg [dreg:$0x9];
	vm1 =	veq.f32 v16, $0.0e+00;
	v22 =	vsub.f32 $1.000000000e+00, v4  }
0x33f: {  	v15 =	vadd.f32 v10, v15;
	v6 =	vsel vm0, $0x0, v6;
	v9 =	vmov s9;
	v17, _, _ =	vpop (xrf2)  }
0x340: {  	v9 =	vsub.s32 v2, v9;
	v4 =	vadd.f32 v17, v12;
	(xrf2) =	vadd.scan.msk.f32 $0xffff, v13;
	v16 =	vsel vm1, $0x0, v22  }
0x341: {  	v10 =	vadd.f32 v14, v15;
	v9 =	vshll.u32 v9, $0x10;
	v16 =	vsub.f32 v6, v16  }
0x342: {  	s11 =	simm.s32 $0x40;
	v22 =	vor.u32 $0x8000, v9;
	v6 =	vsub.f32 v4, v19;
	v19 =	vadd.f32 v4, v3  }
0x343: {  	v9 =	vsub.f32 v10, v18;
	v18 =	vsub.f32 v3, v20;
	v23 =	vmul.f32 v22, v16;
	v16 =	vld [tilespmem:s11+$0x14800]  }
0x344: {  	v24 =	vimm.f32 $0.0e+00;
	v20 =	vsub.f32 v19, v10;
	v22 =	vadd.f32 v6, v3  }
0x345: {  	s10 =	simm.s32 $0x140;
	v21 =	vpop (erf);
	v19 =	vsub.f32 v3, v7;
	v7 =	vadd.f32 v23, v24  }
.LBB2_35:
0x346: {  	p4 =	sne.s32 s10, $0x1FC0;
	v23 =	vld [tilespmem:s11+$0x14000];
	v22 =	vsub.f32 v22, v9;
	v17 =	vbroadcast v17, $0xF;
	(erf) = vrcp.f32 v20;
	v20 =	vpop (erf);
	s9 =	sadd.s32 $0x10, s9  }
0x347: {  	v18 =	vmul.f32 v21, v18;
	v24, _, _ =	vpop (xrf2);
	v19 =	vmul.f32 v20, v19;
	v20 =	vmov s9  }
0x348: {  	v21 =	vbroadcast v14, $0xF;
	(xrf2) =	vadd.scan.msk.f32 $0xffff, v16;
	v12 =	vadd.f32 v17, v12;
	(erf) = vrcp.f32 v22;
	v14 =	vmovc v24  }
0x349: {  	v18 =	vsub.f32 $1.000000000e+00, v18;
	v20 =	vsub.s32 v2, v20;
	v24 =	vmovc v16;
	v19 =	vsub.f32 $1.000000000e+00, v19  }
0x34a: {  	vm0 =	veq.f32 v5, $0.0e+00;
	vm1 =	veq.f32 v8, $0.0e+00;
	v15 =	vadd.f32 v21, v15;
	v17, _, _ =	vpop (xrf2)  }
0x34b: {  	v5 =	vmovc v4;
	v21 =	vsel vm0, $0x0, v18;
	(xrf2) =	vadd.scan.msk.f32 $0xffff, v23;
	v16 =	vsel vm1, $0x0, v19;
	v4 =	vadd.f32 v17, v12  }
.Ltmp18:
0x34c: {  	v8 =	vmovc v6;
	v18 =	vshll.u32 v20, $0x10;
	v19 =	vadd.f32 v14, v15;
	v20 =	vsub.f32 v21, v16;
	(pc) =	sbr.rel @p4 .LBB2_35-.Ltmp18, $4  }
0x34d: {  	s11 =	sshra.s32 s10, $0x2;
	v22 =	vor.u32 $0x8000, v18;
	v6 =	vsub.f32 v4, v13;
	v26 =	vadd.f32 v4, v3;
	v13 =	vmovc v23  }
0x34e: {  	v18 =	vsub.f32 v3, v10;
	v23 =	vsub.f32 v19, v11;
	v10 =	vmovc v19;
	v16 =	vld [tilespmem:s11+$0x14800];
	v25 =	vmul.f32 v22, v20  }
0x34f: {  	v11 =	vmov v24;
	v20 =	vsub.f32 v26, v10;
	v22 =	vadd.f32 v6, v3;
	v21 =	vpop (erf)  }
0x350: {  	s10 =	sadd.s32 $0x40, s10;
	v19 =	vsub.f32 v3, v9;
	v9 =	vmov v23;
	v7 =	vadd.f32 v25, v7  }
0x351: {  	v23 =	vld [tilespmem:s11+$0x14000];
	_ =	sdelay $0x3  }
0x352: {  	(xrf2) =	vadd.scan.msk.f32 $0xffff, v16  }
0x353: {  	(xrf2) =	vadd.scan.msk.f32 $0xffff, v23;
	_ =	sdelay $0x2  }
0x354: {  	v14 =	vbroadcast v14, $0xF  }
0x355: {  	v17 =	vbroadcast v17, $0xF;
	v22 =	vsub.f32 v22, v9  }
0x356: {  	v18 =	vmul.f32 v21, v18;
	(erf) = vrcp.f32 v20;
	v24, _, _ =	vpop (xrf2);
	v14 =	vadd.f32 v14, v15  }
0x357: {  	vm0 =	veq.f32 v5, $0.0e+00;
	v10 =	vsub.f32 v3, v10;
	v12 =	vadd.f32 v17, v12;
	v61, _, _ =	vpop (xrf2)  }
0x358: {  	v42 =	vsub.f32 v3, v9;
	v28 =	vadd.f32 v24, v14;
	v17 =	vbroadcast v61, $0xF  }
0x359: {  	v63 =	vpop (erf);
	v18 =	vsub.f32 $1.000000000e+00, v18;
	(erf) = vrcp.f32 v22;
	v62 =	vadd.f32 v61, v12  }
0x35a: {  	v24 =	vbroadcast v24, $0xF;
	v11 =	vsub.f32 v28, v11;
	v12 =	vadd.f32 v17, v12;
	v30, _, _ =	vpop (xrf2)  }
0x35b: {  	vm1 =	veq.f32 v8, $0.0e+00;
	v13 =	vsub.f32 v62, v13;
	v29 =	vadd.f32 v62, v3;
	v31, _, _ =	vpop (xrf2)  }
0x35c: {  	vm10 =	veq.f32 v4, $0.0e+00;
	v14 =	vadd.f32 v24, v14;
	v12 =	vadd.f32 v31, v12  }
0x35d: {  	vm11 =	veq.f32 v6, $0.0e+00;
	v33 =	vadd.f32 v13, v3;
	v22 =	vsub.f32 v29, v28  }
0x35e: {  	s0 =	sadd.s32 $0x10, s9;
	v19 =	vmul.f32 v63, v19;
	v35 =	vadd.f32 v30, v14;
	v36 =	vsub.f32 v12, v23  }
0x35f: {  	v32 =	vmov s0;
	s0 =	sadd.s32 $0x10, s0;
	v34 =	vsub.f32 v33, v11;
	v37 =	vadd.f32 v12, v3  }
0x360: {  	v46 =	vmov s0;
	v39 =	vsub.f32 v35, v16;
	v40 =	vadd.f32 v36, v3  }
0x361: {  	v19 =	vsub.f32 $1.000000000e+00, v19;
	(erf) = vrcp.f32 v22;
	v5 =	vsub.f32 v37, v35  }
0x362: {  	v38 =	vsel vm0, $0x0, v18;
	v41 =	vpop (erf);
	(erf) = vrcp.f32 v34;
	v18 =	vsub.f32 v40, v39  }
0x363: {  	v47 =	vsub.s32 v2, v46;
	v10 =	vmul.f32 v41, v10;
	v44 =	vpop (erf);
	(erf) = vrcp.f32 v5  }
0x364: {  	s0 =	sadd.s32 $0x10, s0;
	v4 =	vshll.u32 v47, $0x10;
	v9 =	vmul.f32 v44, v42;
	(erf) = vrcp.f32 v18  }
0x365: {  	v54 =	vmov s0;
	v19 =	vsel vm1, $0x0, v19;
	v4 =	vor.u32 $0x8000, v4  }
0x366: {  	v24 =	vsub.s32 v2, v32;
	v10 =	vsub.f32 $1.000000000e+00, v10;
	v9 =	vsub.f32 $1.000000000e+00, v9  }
0x367: {  	v50 =	vsub.f32 v3, v28;
	v43 =	vshll.u32 v24, $0x10;
	v17 =	vsub.f32 v38, v19  }
0x368: {  	s0 =	sadd.s32 $0x10, s0;
	vm12 =	veq.f32 v62, $0.0e+00;
	v48 =	vsel vm10, $0x0, v10;
	v9 =	vsel vm11, $0x0, v9  }
0x369: {  	v62 =	vmov s0;
	v45 =	vor.u32 $0x8000, v43;
	v6 =	vsub.f32 v48, v9  }
0x36a: {  	vm13 =	veq.f32 v13, $0.0e+00;
	v11 =	vsub.f32 v3, v11;
	v8 =	vsub.f32 v3, v35;
	v49 =	vpop (erf)  }
0x36b: {  	vm14 =	veq.f32 v12, $0.0e+00;
	v4 =	vmul.f32 v4, v6;
	v52 =	vmul.f32 v49, v50;
	v51 =	vpop (erf)  }
0x36c: {  	v6 =	vsub.s32 v2, v54;
	v3 =	vsub.f32 v3, v39;
	v53 =	vmul.f32 v51, v11;
	v57 =	vpop (erf)  }
0x36d: {  	v59 =	vshll.u32 v6, $0x10;
	v5 =	vmul.f32 v45, v17;
	v55 =	vsub.f32 $1.000000000e+00, v52;
	v58 =	vpop (erf)  }
0x36e: {  	v56 =	vsub.f32 $1.000000000e+00, v53;
	v8 =	vmul.f32 v57, v8;
	v3 =	vmul.f32 v58, v3  }
0x36f: {  	vm15 =	veq.f32 v36, $0.0e+00;
	v5 =	vadd.f32 v5, v7;
	v7 =	vsel vm12, $0x0, v55  }
0x370: {  	v9 =	vsel vm13, $0x0, v56;
	v61 =	vsub.f32 $1.000000000e+00, v8;
	v3 =	vsub.f32 $1.000000000e+00, v3  }
0x371: {  	v4 =	vadd.f32 v4, v5;
	v5 =	vor.u32 $0x8000, v59;
	v60 =	vsub.f32 v7, v9  }
0x372: {  	v8 =	vsub.s32 v2, v62;
	v7 =	vsel vm14, $0x0, v61;
	v3 =	vsel vm15, $0x0, v3  }
0x373: {  	v5 =	vmul.f32 v5, v60;
	v63 =	vshll.u32 v8, $0x10;
	v3 =	vsub.f32 v7, v3  }
0x374: {  	v6 =	vor.u32 $0x8000, v63  }
0x375: {  	v4 =	vadd.f32 v5, v4;
	v3 =	vmul.f32 v6, v3;
	_ =	sdelay $0x1  }
0x376: {  	v3 =	vadd.f32 v3, v4;
	_ =	sdelay $0x1  }
0x377: {  	v3 =	vmul.f32 $4.194304000e+06, v3;
	_ =	sdelay $0x1  }
0x378: {  	v3 =	vtrunc.f32 v3  }
0x379: {  	v3 =	vcvt.f32.s32 v3;
	_ =	sdelay $0x1  }
0x37a: {  	(xrf0) =	vadd.scan.msk.s32 $0xffff, v3;
	_ =	sdelay $0x5  }
0x37b: {  	v3, _, _ =	vpop (xrf0)  }
0x37c: {  	(v2sf) =	vpush v3, $0xF;
	_ =	sdelay $0xd  }
0x37d: {  	s10 =	simm.s32 $0xD;
	s28 =	rddreg [dreg:$0xd]  }
0x37e: {  	[sflag:s10] =	ssyncset.done $0x0;
	s9 =	sor.u32 $0x3, s28;
	s26 =	spop (v2sf)  }
0x37f: {  	[smem:s9], [sflag:$0xD] =	smem.add.s32 s26  }
0x380: {  	_ =	swait.done [sflag:s10]  }
0x381: {  	[sflag:s10] =	ssyncset.s32 $0x0  }
0x382: {  	[sflag:s10] =	ssyncset.done $0x0  }
0x383: {  	[bflag:$0x0] =	sbarrier.arrive $0xFFFF  }
0x384: {  	s0 =	sld @!p2 [smem:$0x3];
	_ =	sdelay $0x2  }
0x385: {  	v3 =	vmov @!p2 s0  }
0x386: {  	v3 =	vcvt.s32.f32 @!p2 v3;
	_ =	sdelay $0x1  }
0x387: {  	v3 =	vmul.f32 @!p2 $2.384185790e-07, v3;
	_ =	sdelay $0x1  }
0x388: {  	v3 =	vbroadcast @!p2 v3, $0x0;
	_ =	sdelay $0x1  }
0x389: {  	s9 =	simm.s32 @!p2 $0x19000;
	s10 =	rddreg [dreg:$0xa];
	s0 =	simm.s32 @!p2 $0x0;
	[tilespmem:$0x19000] =	vst @!p2 v3  }
0x38a: {  	[hbm4b:s10+s0] =	stream.linear.scatter @!p2 [tilespmem:s9], [sflag:$0xE], $0x80, $0x38;
	[tilespmem:$0x19100] =	vst v63  }
0x38b: {  	s0 =	simm.s32 @!p2 $0xE  }
0x38c: {  	_ =	swait.ge @!p2 [sflag:s0], $0x80  }
0x38d: {  	s30 =	rddreg [dreg:$0xc]  }
0x38e: {  	s31 =	rddreg [dreg:$0xb];
	s10 =	sadd.s32 $0x1, s30  }
0x38f: {  	p4 =	sne.s32 s10, s31  }
.Ltmp19:
0x390: {  	_ = 	snop;
	(pc) =	sbr.rel @p4 .LBB2_1-.Ltmp19, $3  }
0x391: {  	_ =	sdelay $0x1  }
0x392: {  	[sflag:s0] =	ssyncset.done @!p2 $0x0  }
0x393: {  	[sflag:s0] =	ssyncadd.s32 @!p2 $0xFFFFFF80;
	s0 =	simm.s32 $0x1  }
0x394: {  	_ =	sfence.sel $0x180000  }
0x395: {  	[bflag:$0x0] =	sbarrier.arrive $0xFFFF  }
0x396: {  	_ =	strace $0x90000047  }
0x397: {  	s0 =	stileid.u32;
	[bflag:$0x2] =	sbarrier.arrive $0xFFFF  }
0x398: {  	p0 =	sne.s32 s0, $0x0;
	s0 =	rddreg [dreg:$0x1]  }
0x399: {  	s0 =	sadd.s32 @!p0 $0x100000, s0  }
0x39a: {  	[sflag:s0] =	ssyncadd.tile.s32 @!p0 $0x1;
	_ =	shalt  }
.Lfunc_end2:
_tile_overlayer_lowered:
.L_overlay_start_2:
0x39b: {  	(tag) =	ssettag $0x2  }
0x39c: {  	s0 =	rddreg [dreg:$0x0];
	s2 =	stileid.u32  }
0x39d: {  	s1 =	rddreg [dreg:$0x1];
	p0 =	sne.s32 s2, $0x0  }
0x39e: {  	s3 =	rddreg [dreg:$0x2];
	[bflag:$0x3] =	sbarrier.arrive $0xFFFF;
	s2 =	simm.s32 @!p0 $0x1C03  }
0x39f: {  	[timem:s3], [sflag:s2] =	dma.local @!p0 [hbm:s0], s1  }
0x3a0: {  	s0 =	simm.s32 @!p0 $0x3  }
0x3a1: {  	_ =	swait.ge @!p0 [sflag:s0], s1  }
0x3a2: {  	s1 =	ssub.s32 @!p0 $0x0, s1;
	[sflag:s0] =	ssyncset.done @!p0 $0x0  }
0x3a3: {  	[sflag:s0] =	ssyncadd.s32 @!p0 s1  }
0x3a4: {  	[bflag:$0x3] =	sbarrier.arrive $0xFFFF  }
0x3a5: {  	_ =	shalt  }

</sc_bundles>
